<compile_context>
chip_gen: v7x
topology: tpu7x:2x2x1
jax: 0.10.2.dev20260603
libtpu: 0.0.44.dev20260713+nightly
codegen_flags: <defaults>
</compile_context>

<pallas_src>
import functools

import jax
import jax.numpy as jnp
from jax import lax
from jax.experimental import pallas as pl
from jax.experimental.pallas import tpu as pltpu
from jax.experimental.pallas import tpu_sc as plsc

N_VERTS = 100000
N_TETS = 3200000

_info = plsc.get_sparse_core_info()
NC, NS, L = _info.num_cores, _info.num_subcores, _info.num_lanes
NW = NC * NS

B = 1024
NBLK_TOT = N_TETS // B
NCH = B // 128
G = B // 16
IDX_ROWS = N_TETS // 128
NBJ = (((NBLK_TOT + NW - 1) // NW + 1) // 2) * 2

assert NBLK_TOT * B == N_TETS
assert NCH * 128 == B and NCH % 8 == 0
assert G * 16 == B


def _vsqrt(x):
    i = lax.bitcast_convert_type(x, jnp.int32)
    i = jnp.int32(0x5F3759DF) - (i >> 1)
    y = lax.bitcast_convert_type(i, jnp.float32)
    half = jnp.float32(0.5) * x
    for _ in range(3):
        y = y * (jnp.float32(1.5) - half * y * y)
    return x * y


def _sqdist(a, b):
    d0 = a[0] - b[0]
    d1 = a[1] - b[1]
    d2 = a[2] - b[2]
    return d0 * d0 + d1 * d1 + d2 * d2


@functools.partial(
    pl.kernel,
    mesh=plsc.VectorSubcoreMesh(core_axis_name="c", subcore_axis_name="s"),
    out_type=jax.ShapeDtypeStruct((N_TETS,), jnp.float32),
    scratch_types=(
        [pltpu.VMEM((NCH, 128), jnp.int32) for _ in range(8)]
        + [pltpu.VMEM((B,), jnp.int32) for _ in range(8)]
        + [pltpu.VMEM((B,), jnp.float32) for _ in range(8)]
        + [pltpu.VMEM((B,), jnp.float32) for _ in range(4)]
        + [pltpu.SemaphoreType.DMA, pltpu.SemaphoreType.DMA]
        + [pltpu.VMEM_SHARED((N_VERTS,), jnp.int32),
           pltpu.VMEM_SHARED((N_VERTS,), jnp.float32)]
    ),
)
def _tet_alpha(txy, tz, i0, i1, i2, i3, dens_hbm, out_hbm, *refs):
    idx_v = (refs[0:4], refs[4:8])
    xy_v = (refs[8:12], refs[12:16])
    z_v = (refs[16:20], refs[20:24])
    dens_v = (refs[24], refs[26])
    out_v = (refs[25], refs[27])
    sem = (refs[28], refs[29])
    tables = refs[30:32]
    tables_hbm = (txy, tz)

    sid = lax.axis_index("s")
    for cc in range(2):
        @pl.when(sid == cc)
        def _stage(cc=cc):
            pltpu.sync_copy(tables_hbm[cc], tables[cc])

    plsc.subcore_barrier()

    wid = sid * NC + lax.axis_index("c")
    nb = (NBLK_TOT - wid + NW - 1) // NW

    def fetch(j, p):
        gb = wid + j * NW
        for k in range(4):
            pltpu.sync_copy(
                (i0, i1, i2, i3)[k].at[pl.ds(gb * NCH, NCH)], idx_v[p][k])
        pltpu.sync_copy(dens_hbm.at[pl.ds(gb * B, B)], dens_v[p])

        def fire(jj, c):
            for k in range(4):
                pltpu.async_copy(tables[0].at[idx_v[p][k].at[jj]],
                                 xy_v[p][k].at[pl.ds(jj * 128, 128)], sem[p])
                pltpu.async_copy(tables[1].at[idx_v[p][k].at[jj]],
                                 z_v[p][k].at[pl.ds(jj * 128, 128)], sem[p])
            return c

        lax.fori_loop(0, NCH, fire, 0)

    def drain(p):
        def body(jj, c):
            for k in range(4):
                pltpu.make_async_copy(
                    tables[0].at[idx_v[p][k].at[jj]],
                    xy_v[p][k].at[pl.ds(jj * 128, 128)], sem[p]).wait()
                pltpu.make_async_copy(
                    tables[1].at[idx_v[p][k].at[jj]],
                    z_v[p][k].at[pl.ds(jj * 128, 128)], sem[p]).wait()
            return c

        lax.fori_loop(0, NCH, body, 0)

    def compute(j, p):
        hi_mask = jnp.int32(-65536)

        def group_body(g, c):
            s = pl.ds(g * 16, 16)
            v = []
            for k in range(4):
                w = xy_v[p][k][s]
                x = lax.bitcast_convert_type(w & hi_mask, jnp.float32)
                y = lax.bitcast_convert_type(w << 16, jnp.float32)
                v.append((x, y, z_v[p][k][s]))
            v0, v1, v2, v3 = v
            m = jnp.minimum(_sqdist(v0, v1), _sqdist(v0, v2))
            m = jnp.minimum(m, _sqdist(v0, v3))
            m = jnp.minimum(m, _sqdist(v1, v2))
            m = jnp.minimum(m, _sqdist(v1, v3))
            m = jnp.minimum(m, _sqdist(v2, v3))
            el = _vsqrt(m + jnp.float32(1e-12))
            out_v[p][s] = jnp.float32(1.0) - jnp.exp(-dens_v[p][s] * el)
            return c

        lax.fori_loop(0, G, group_body, 0)
        gb = wid + j * NW
        pltpu.sync_copy(out_v[p], out_hbm.at[pl.ds(gb * B, B)])

    fetch(0, 0)

    def block_pair(j2, carry):
        j = j2 * 2

        @pl.when(j + 1 < nb)
        def _pre1():
            fetch(j + 1, 1)

        drain(0)
        compute(j, 0)

        @pl.when(j + 1 < nb)
        def _second():
            @pl.when(j + 2 < nb)
            def _pre0():
                fetch(j + 2, 0)

            drain(1)
            compute(j + 1, 1)

        return carry

    lax.fori_loop(0, NBJ // 2, block_pair, 0)


def kernel(vertices, indices, densities):
    xb = lax.bitcast_convert_type(
        vertices[:, 0].astype(jnp.bfloat16), jnp.uint16).astype(jnp.uint32)
    yb = lax.bitcast_convert_type(
        vertices[:, 1].astype(jnp.bfloat16), jnp.uint16).astype(jnp.uint32)
    txy = lax.bitcast_convert_type((xb << 16) | yb, jnp.int32)
    tz = vertices[:, 2]
    idx = [indices[:, k].reshape(IDX_ROWS, 128) for k in range(4)]
    return _tet_alpha(txy, tz, *idx, densities)

# --- scband reference (transcript-rebuilt; emitter-appended) ---
"""Pipeline reference for scband-frozen-tet-model-31731218383110 (READ-ONLY COPY).

The authoritative reference and input builder live on the scoring server;
editing this copy changes nothing except your own understanding.
"""

import jax, jax.numpy as jnp
import numpy as np

N_VERTS = 100000
N_TETS = 3200000


def setup_inputs(seed: int = 0) -> dict:
    key = jax.random.key(seed)
    k1, k2, k3 = jax.random.split(key, 3)
    vertices = jax.random.normal(k1, (N_VERTS, 3), dtype=jnp.float32)
    indices = jax.random.randint(k2, (N_TETS, 4), 0, N_VERTS, dtype=jnp.int32)
    densities = jax.random.uniform(k3, (N_TETS,), dtype=jnp.float32)
    return {"vertices": vertices, "indices": indices, "densities": densities}


def reference(vertices, indices, densities):
    # calc_tet_alpha(mode='min'): gather the 4 vertices of each tetrahedron,
    # compute the 6 edge lengths, take the min edge length per tet, then
    # alpha = 1 - exp(-density * min_edge_length).
    v0 = vertices[indices[:, 0]]
    v1 = vertices[indices[:, 1]]
    v2 = vertices[indices[:, 2]]
    v3 = vertices[indices[:, 3]]

    def _norm(a, b):
        d = a - b
        return jnp.sqrt(jnp.sum(d * d, axis=1) + 1e-12)

    edge_lengths = jnp.stack([
        _norm(v0, v1),
        _norm(v0, v2),
        _norm(v0, v3),
        _norm(v1, v2),
        _norm(v1, v3),
        _norm(v2, v3),
    ], axis=0)
    el = jnp.min(edge_lengths, axis=0)
    alpha = 1.0 - jnp.exp(-densities.reshape(-1) * el.reshape(-1))
    return alpha

if __name__ == "__main__":
    import jax
    _d = setup_inputs()
    print(jax.jit(kernel)(*tuple(_d.values())))

</pallas_src>

<mosaic_0001>
#map = affine_map<(d0, d1) -> (0)>
#map1 = affine_map<(d0, d1) -> (0, 0)>
module attributes {stable_mosaic.version = 14 : i64} {
  func.func @_tet_alpha(%arg0: i32, %arg1: i32, %arg2: memref<100000xi32, #tpu.memory_space<hbm>>, %arg3: memref<100000xf32, #tpu.memory_space<hbm>>, %arg4: memref<25000x128xi32, #tpu.memory_space<hbm>>, %arg5: memref<25000x128xi32, #tpu.memory_space<hbm>>, %arg6: memref<25000x128xi32, #tpu.memory_space<hbm>>, %arg7: memref<25000x128xi32, #tpu.memory_space<hbm>>, %arg8: memref<3200000xf32, #tpu.memory_space<hbm>>, %arg9: memref<3200000xf32, #tpu.memory_space<hbm>>, %arg10: memref<8x128xi32, #tpu.memory_space<vmem>>, %arg11: memref<8x128xi32, #tpu.memory_space<vmem>>, %arg12: memref<8x128xi32, #tpu.memory_space<vmem>>, %arg13: memref<8x128xi32, #tpu.memory_space<vmem>>, %arg14: memref<8x128xi32, #tpu.memory_space<vmem>>, %arg15: memref<8x128xi32, #tpu.memory_space<vmem>>, %arg16: memref<8x128xi32, #tpu.memory_space<vmem>>, %arg17: memref<8x128xi32, #tpu.memory_space<vmem>>, %arg18: memref<1024xi32, #tpu.memory_space<vmem>>, %arg19: memref<1024xi32, #tpu.memory_space<vmem>>, %arg20: memref<1024xi32, #tpu.memory_space<vmem>>, %arg21: memref<1024xi32, #tpu.memory_space<vmem>>, %arg22: memref<1024xi32, #tpu.memory_space<vmem>>, %arg23: memref<1024xi32, #tpu.memory_space<vmem>>, %arg24: memref<1024xi32, #tpu.memory_space<vmem>>, %arg25: memref<1024xi32, #tpu.memory_space<vmem>>, %arg26: memref<1024xf32, #tpu.memory_space<vmem>>, %arg27: memref<1024xf32, #tpu.memory_space<vmem>>, %arg28: memref<1024xf32, #tpu.memory_space<vmem>>, %arg29: memref<1024xf32, #tpu.memory_space<vmem>>, %arg30: memref<1024xf32, #tpu.memory_space<vmem>>, %arg31: memref<1024xf32, #tpu.memory_space<vmem>>, %arg32: memref<1024xf32, #tpu.memory_space<vmem>>, %arg33: memref<1024xf32, #tpu.memory_space<vmem>>, %arg34: memref<1024xf32, #tpu.memory_space<vmem>>, %arg35: memref<1024xf32, #tpu.memory_space<vmem>>, %arg36: memref<1024xf32, #tpu.memory_space<vmem>>, %arg37: memref<1024xf32, #tpu.memory_space<vmem>>, %arg38: memref<!tpu.dma_semaphore, #tpu.memory_space<semaphore_mem>>, %arg39: memref<!tpu.dma_semaphore, #tpu.memory_space<semaphore_mem>>, %arg40: memref<100000xi32, #tpu.memory_space<vmem_shared>>, %arg41: memref<100000xf32, #tpu.memory_space<vmem_shared>>) attributes {dimension_semantics = [#tpu.dimension_semantics<core_parallel>, #tpu.dimension_semantics<subcore_parallel>], iteration_bounds = array<i64: 2, 16>, scalar_prefetch = 0 : i64, scratch_operands = 32 : i64, tpu.core_type = #tpu.core_type<sc_vector_subcore>, window_params = [{transform_indices = #map}, {transform_indices = #map}, {transform_indices = #map1}, {transform_indices = #map1}, {transform_indices = #map1}, {transform_indices = #map1}, {transform_indices = #map}, {transform_indices = #map}]} {
    %eq3A = arith.constant 0 : i32
    %eq3A_0 = arith.cmpi eq, %arg1, %eq3A : i32
    %convert_element_type3A = arith.extui %eq3A_0 : i1 to i32
    %cond3A = arith.constant 0 : i32
    %cond3A_1 = arith.cmpi ne, %convert_element_type3A, %cond3A : i32
    scf.if %cond3A_1 {
      "tpu.region"() ({
        %run_scoped3A = tpu.sem_alloc : memref<!tpu.dma_semaphore, #tpu.memory_space<semaphore_mem>>
        tpu.enqueue_dma source(%arg2 : memref<100000xi32, #tpu.memory_space<hbm>>) target(%arg40 : memref<100000xi32, #tpu.memory_space<vmem_shared>>) target_semaphore(%run_scoped3A : memref<!tpu.dma_semaphore, #tpu.memory_space<semaphore_mem>>)
        tpu.wait_dma2 semaphore(%run_scoped3A : memref<!tpu.dma_semaphore, #tpu.memory_space<semaphore_mem>>) src(%arg2 : memref<100000xi32, #tpu.memory_space<hbm>>) dst(%arg40 : memref<100000xi32, #tpu.memory_space<vmem_shared>>)
        tpu.yield
      }) : () -> ()
    } else {
    }
    %eq3A_2 = arith.constant 1 : i32
    %eq3A_3 = arith.cmpi eq, %arg1, %eq3A_2 : i32
    %convert_element_type3A_4 = arith.extui %eq3A_3 : i1 to i32
    %cond3A_5 = arith.constant 0 : i32
    %cond3A_6 = arith.cmpi ne, %convert_element_type3A_4, %cond3A_5 : i32
    scf.if %cond3A_6 {
      "tpu.region"() ({
        %run_scoped3A = tpu.sem_alloc : memref<!tpu.dma_semaphore, #tpu.memory_space<semaphore_mem>>
        tpu.enqueue_dma source(%arg3 : memref<100000xf32, #tpu.memory_space<hbm>>) target(%arg41 : memref<100000xf32, #tpu.memory_space<vmem_shared>>) target_semaphore(%run_scoped3A : memref<!tpu.dma_semaphore, #tpu.memory_space<semaphore_mem>>)
        tpu.wait_dma2 semaphore(%run_scoped3A : memref<!tpu.dma_semaphore, #tpu.memory_space<semaphore_mem>>) src(%arg3 : memref<100000xf32, #tpu.memory_space<hbm>>) dst(%arg41 : memref<100000xf32, #tpu.memory_space<vmem_shared>>)
        tpu.yield
      }) : () -> ()
    } else {
    }
    %barrier3A = arith.constant 0 : index
    tpu.barrier barrier_id(%barrier3A)
    %mul3A = arith.constant 2 : i32
    %mul3A_7 = arith.muli %arg1, %mul3A : i32
    %add3A = arith.addi %mul3A_7, %arg0 : i32
    %sub3A = arith.constant 3125 : i32
    %sub3A_8 = arith.subi %sub3A, %add3A : i32
    %add3A_9 = arith.constant 32 : i32
    %add3A_10 = arith.addi %sub3A_8, %add3A_9 : i32
    %sub3A_11 = arith.constant 1 : i32
    %sub3A_12 = arith.subi %add3A_10, %sub3A_11 : i32
    %jit3A = arith.constant 32 : i32
    %div3A = arith.divsi %sub3A_12, %jit3A : i32
    %sign3A = arith.constant 0 : i32
    %sign3A_13 = arith.cmpi sgt, %sub3A_12, %sign3A : i32
    %sign3A_14 = arith.extui %sign3A_13 : i1 to i32
    %sign3A_15 = arith.constant 0 : i32
    %sign3A_16 = arith.cmpi slt, %sub3A_12, %sign3A_15 : i32
    %sign3A_17 = arith.extui %sign3A_16 : i1 to i32
    %sign3A_18 = arith.subi %sign3A_14, %sign3A_17 : i32
    %sign3A_19 = arith.constant 0 : i32
    %sign3A_20 = arith.cmpi sgt, %jit3A, %sign3A_19 : i32
    %sign3A_21 = arith.extui %sign3A_20 : i1 to i32
    %sign3A_22 = arith.constant 0 : i32
    %sign3A_23 = arith.cmpi slt, %jit3A, %sign3A_22 : i32
    %sign3A_24 = arith.extui %sign3A_23 : i1 to i32
    %sign3A_25 = arith.subi %sign3A_21, %sign3A_24 : i32
    %ne3A = arith.cmpi ne, %sign3A_18, %sign3A_25 : i32
    %rem3A = arith.remsi %sub3A_12, %jit3A : i32
    %ne3A_26 = arith.constant 0 : i32
    %ne3A_27 = arith.cmpi ne, %rem3A, %ne3A_26 : i32
    %and3A = arith.andi %ne3A, %ne3A_27 : i1
    %sub3A_28 = arith.constant 1 : i32
    %sub3A_29 = arith.subi %div3A, %sub3A_28 : i32
    %select_n3A = arith.select %and3A, %sub3A_29, %div3A : i32
    %add3A_30 = arith.constant 0 : i32
    %add3A_31 = arith.addi %add3A, %add3A_30 : i32
    %mul3A_32 = arith.constant 8 : i32
    %mul3A_33 = arith.muli %add3A_31, %mul3A_32 : i32
    "tpu.region"() ({
      %run_scoped3A = tpu.sem_alloc : memref<!tpu.dma_semaphore, #tpu.memory_space<semaphore_mem>>
      %dma_start3A = arith.constant 0 : i32
      %dma_start3A_53 = tpu.memref_slice %arg4[%mul3A_33, %dma_start3A] : memref<25000x128xi32, #tpu.memory_space<hbm>> -> memref<8x128xi32, #tpu.memory_space<hbm>>
      %dma_start3A_54 = arith.constant 0 : i32
      %dma_start3A_55 = tpu.memref_slice %arg4[%mul3A_33, %dma_start3A_54] : memref<25000x128xi32, #tpu.memory_space<hbm>> -> memref<8x128xi32, #tpu.memory_space<hbm>>
      tpu.enqueue_dma source(%dma_start3A_55 : memref<8x128xi32, #tpu.memory_space<hbm>>) target(%arg10 : memref<8x128xi32, #tpu.memory_space<vmem>>) target_semaphore(%run_scoped3A : memref<!tpu.dma_semaphore, #tpu.memory_space<semaphore_mem>>)
      %dma_wait3A = arith.constant 0 : i32
      %dma_wait3A_56 = tpu.memref_slice %arg4[%mul3A_33, %dma_wait3A] : memref<25000x128xi32, #tpu.memory_space<hbm>> -> memref<8x128xi32, #tpu.memory_space<hbm>>
      %dma_wait3A_57 = arith.constant 0 : i32
      %dma_wait3A_58 = tpu.memref_slice %arg4[%mul3A_33, %dma_wait3A_57] : memref<25000x128xi32, #tpu.memory_space<hbm>> -> memref<8x128xi32, #tpu.memory_space<hbm>>
      tpu.wait_dma2 semaphore(%run_scoped3A : memref<!tpu.dma_semaphore, #tpu.memory_space<semaphore_mem>>) src(%dma_wait3A_58 : memref<8x128xi32, #tpu.memory_space<hbm>>) dst(%arg10 : memref<8x128xi32, #tpu.memory_space<vmem>>)
      tpu.yield
    }) : () -> ()
    %mul3A_34 = arith.constant 8 : i32
    %mul3A_35 = arith.muli %add3A_31, %mul3A_34 : i32
    "tpu.region"() ({
      %run_scoped3A = tpu.sem_alloc : memref<!tpu.dma_semaphore, #tpu.memory_space<semaphore_mem>>
      %dma_start3A = arith.constant 0 : i32
      %dma_start3A_53 = tpu.memref_slice %arg5[%mul3A_35, %dma_start3A] : memref<25000x128xi32, #tpu.memory_space<hbm>> -> memref<8x128xi32, #tpu.memory_space<hbm>>
      %dma_start3A_54 = arith.constant 0 : i32
      %dma_start3A_55 = tpu.memref_slice %arg5[%mul3A_35, %dma_start3A_54] : memref<25000x128xi32, #tpu.memory_space<hbm>> -> memref<8x128xi32, #tpu.memory_space<hbm>>
      tpu.enqueue_dma source(%dma_start3A_55 : memref<8x128xi32, #tpu.memory_space<hbm>>) target(%arg11 : memref<8x128xi32, #tpu.memory_space<vmem>>) target_semaphore(%run_scoped3A : memref<!tpu.dma_semaphore, #tpu.memory_space<semaphore_mem>>)
      %dma_wait3A = arith.constant 0 : i32
      %dma_wait3A_56 = tpu.memref_slice %arg5[%mul3A_35, %dma_wait3A] : memref<25000x128xi32, #tpu.memory_space<hbm>> -> memref<8x128xi32, #tpu.memory_space<hbm>>
      %dma_wait3A_57 = arith.constant 0 : i32
      %dma_wait3A_58 = tpu.memref_slice %arg5[%mul3A_35, %dma_wait3A_57] : memref<25000x128xi32, #tpu.memory_space<hbm>> -> memref<8x128xi32, #tpu.memory_space<hbm>>
      tpu.wait_dma2 semaphore(%run_scoped3A : memref<!tpu.dma_semaphore, #tpu.memory_space<semaphore_mem>>) src(%dma_wait3A_58 : memref<8x128xi32, #tpu.memory_space<hbm>>) dst(%arg11 : memref<8x128xi32, #tpu.memory_space<vmem>>)
      tpu.yield
    }) : () -> ()
    %mul3A_36 = arith.constant 8 : i32
    %mul3A_37 = arith.muli %add3A_31, %mul3A_36 : i32
    "tpu.region"() ({
      %run_scoped3A = tpu.sem_alloc : memref<!tpu.dma_semaphore, #tpu.memory_space<semaphore_mem>>
      %dma_start3A = arith.constant 0 : i32
      %dma_start3A_53 = tpu.memref_slice %arg6[%mul3A_37, %dma_start3A] : memref<25000x128xi32, #tpu.memory_space<hbm>> -> memref<8x128xi32, #tpu.memory_space<hbm>>
      %dma_start3A_54 = arith.constant 0 : i32
      %dma_start3A_55 = tpu.memref_slice %arg6[%mul3A_37, %dma_start3A_54] : memref<25000x128xi32, #tpu.memory_space<hbm>> -> memref<8x128xi32, #tpu.memory_space<hbm>>
      tpu.enqueue_dma source(%dma_start3A_55 : memref<8x128xi32, #tpu.memory_space<hbm>>) target(%arg12 : memref<8x128xi32, #tpu.memory_space<vmem>>) target_semaphore(%run_scoped3A : memref<!tpu.dma_semaphore, #tpu.memory_space<semaphore_mem>>)
      %dma_wait3A = arith.constant 0 : i32
      %dma_wait3A_56 = tpu.memref_slice %arg6[%mul3A_37, %dma_wait3A] : memref<25000x128xi32, #tpu.memory_space<hbm>> -> memref<8x128xi32, #tpu.memory_space<hbm>>
      %dma_wait3A_57 = arith.constant 0 : i32
      %dma_wait3A_58 = tpu.memref_slice %arg6[%mul3A_37, %dma_wait3A_57] : memref<25000x128xi32, #tpu.memory_space<hbm>> -> memref<8x128xi32, #tpu.memory_space<hbm>>
      tpu.wait_dma2 semaphore(%run_scoped3A : memref<!tpu.dma_semaphore, #tpu.memory_space<semaphore_mem>>) src(%dma_wait3A_58 : memref<8x128xi32, #tpu.memory_space<hbm>>) dst(%arg12 : memref<8x128xi32, #tpu.memory_space<vmem>>)
      tpu.yield
    }) : () -> ()
    %mul3A_38 = arith.constant 8 : i32
    %mul3A_39 = arith.muli %add3A_31, %mul3A_38 : i32
    "tpu.region"() ({
      %run_scoped3A = tpu.sem_alloc : memref<!tpu.dma_semaphore, #tpu.memory_space<semaphore_mem>>
      %dma_start3A = arith.constant 0 : i32
      %dma_start3A_53 = tpu.memref_slice %arg7[%mul3A_39, %dma_start3A] : memref<25000x128xi32, #tpu.memory_space<hbm>> -> memref<8x128xi32, #tpu.memory_space<hbm>>
      %dma_start3A_54 = arith.constant 0 : i32
      %dma_start3A_55 = tpu.memref_slice %arg7[%mul3A_39, %dma_start3A_54] : memref<25000x128xi32, #tpu.memory_space<hbm>> -> memref<8x128xi32, #tpu.memory_space<hbm>>
      tpu.enqueue_dma source(%dma_start3A_55 : memref<8x128xi32, #tpu.memory_space<hbm>>) target(%arg13 : memref<8x128xi32, #tpu.memory_space<vmem>>) target_semaphore(%run_scoped3A : memref<!tpu.dma_semaphore, #tpu.memory_space<semaphore_mem>>)
      %dma_wait3A = arith.constant 0 : i32
      %dma_wait3A_56 = tpu.memref_slice %arg7[%mul3A_39, %dma_wait3A] : memref<25000x128xi32, #tpu.memory_space<hbm>> -> memref<8x128xi32, #tpu.memory_space<hbm>>
      %dma_wait3A_57 = arith.constant 0 : i32
      %dma_wait3A_58 = tpu.memref_slice %arg7[%mul3A_39, %dma_wait3A_57] : memref<25000x128xi32, #tpu.memory_space<hbm>> -> memref<8x128xi32, #tpu.memory_space<hbm>>
      tpu.wait_dma2 semaphore(%run_scoped3A : memref<!tpu.dma_semaphore, #tpu.memory_space<semaphore_mem>>) src(%dma_wait3A_58 : memref<8x128xi32, #tpu.memory_space<hbm>>) dst(%arg13 : memref<8x128xi32, #tpu.memory_space<vmem>>)
      tpu.yield
    }) : () -> ()
    %mul3A_40 = arith.constant 1024 : i32
    %mul3A_41 = arith.muli %add3A_31, %mul3A_40 : i32
    "tpu.region"() ({
      %run_scoped3A = tpu.sem_alloc : memref<!tpu.dma_semaphore, #tpu.memory_space<semaphore_mem>>
      %dma_start3A = tpu.memref_slice %arg8[%mul3A_41] : memref<3200000xf32, #tpu.memory_space<hbm>> -> memref<1024xf32, #tpu.memory_space<hbm>>
      %dma_start3A_53 = tpu.memref_slice %arg8[%mul3A_41] : memref<3200000xf32, #tpu.memory_space<hbm>> -> memref<1024xf32, #tpu.memory_space<hbm>>
      tpu.enqueue_dma source(%dma_start3A_53 : memref<1024xf32, #tpu.memory_space<hbm>>) target(%arg34 : memref<1024xf32, #tpu.memory_space<vmem>>) target_semaphore(%run_scoped3A : memref<!tpu.dma_semaphore, #tpu.memory_space<semaphore_mem>>)
      %dma_wait3A = tpu.memref_slice %arg8[%mul3A_41] : memref<3200000xf32, #tpu.memory_space<hbm>> -> memref<1024xf32, #tpu.memory_space<hbm>>
      %dma_wait3A_54 = tpu.memref_slice %arg8[%mul3A_41] : memref<3200000xf32, #tpu.memory_space<hbm>> -> memref<1024xf32, #tpu.memory_space<hbm>>
      tpu.wait_dma2 semaphore(%run_scoped3A : memref<!tpu.dma_semaphore, #tpu.memory_space<semaphore_mem>>) src(%dma_wait3A_54 : memref<1024xf32, #tpu.memory_space<hbm>>) dst(%arg34 : memref<1024xf32, #tpu.memory_space<vmem>>)
      tpu.yield
    }) : () -> ()
    %scan3A = arith.constant 0 : i32
    %scan3A_42 = arith.constant 0 : i32
    %scan3A_43 = arith.constant 8 : i32
    %scan3A_44 = arith.addi %scan3A_42, %scan3A_43 : i32
    %scan3A_45 = arith.constant 1 : i32
    scf.for %scan3A_53 = %scan3A_42 to %scan3A_44 step %scan3A_45  : i32 {
      %mul3A_54 = arith.constant 128 : i32
      %mul3A_55 = arith.muli %scan3A_53, %mul3A_54 : i32
      %dma_start3A = tpu.memref_slice %arg18[%mul3A_55] : memref<1024xi32, #tpu.memory_space<vmem>> -> memref<128xi32, #tpu.memory_space<vmem>>
      %dma_start3A_56 = arith.constant 0 : i32
      %dma_start3A_57 = tpu.memref_slice %arg10[%scan3A_53, %dma_start3A_56] : memref<8x128xi32, #tpu.memory_space<vmem>> -> memref<1x128xi32, #tpu.memory_space<vmem>>
      %dma_start3A_58 = tpu.memref_squeeze %dma_start3A_57 : memref<1x128xi32, #tpu.memory_space<vmem>> -> memref<128xi32, #tpu.memory_space<vmem>>
      %dma_start3A_59 = arith.constant 0 : i32
      %dma_start3A_60 = tpu.memref_slice %arg40[%dma_start3A_59] : memref<100000xi32, #tpu.memory_space<vmem_shared>> -> memref<100000xi32, #tpu.memory_space<vmem_shared>>
      tpu.enqueue_indirect_dma source(%dma_start3A_60 : memref<100000xi32, #tpu.memory_space<vmem_shared>>) target(%dma_start3A : memref<128xi32, #tpu.memory_space<vmem>>) offsets(%dma_start3A_58 : memref<128xi32, #tpu.memory_space<vmem>>) semaphore(%arg38 : memref<!tpu.dma_semaphore, #tpu.memory_space<semaphore_mem>>)
      %mul3A_61 = arith.constant 128 : i32
      %mul3A_62 = arith.muli %scan3A_53, %mul3A_61 : i32
      %dma_start3A_63 = tpu.memref_slice %arg26[%mul3A_62] : memref<1024xf32, #tpu.memory_space<vmem>> -> memref<128xf32, #tpu.memory_space<vmem>>
      %dma_start3A_64 = arith.constant 0 : i32
      %dma_start3A_65 = tpu.memref_slice %arg10[%scan3A_53, %dma_start3A_64] : memref<8x128xi32, #tpu.memory_space<vmem>> -> memref<1x128xi32, #tpu.memory_space<vmem>>
      %dma_start3A_66 = tpu.memref_squeeze %dma_start3A_65 : memref<1x128xi32, #tpu.memory_space<vmem>> -> memref<128xi32, #tpu.memory_space<vmem>>
      %dma_start3A_67 = arith.constant 0 : i32
      %dma_start3A_68 = tpu.memref_slice %arg41[%dma_start3A_67] : memref<100000xf32, #tpu.memory_space<vmem_shared>> -> memref<100000xf32, #tpu.memory_space<vmem_shared>>
      tpu.enqueue_indirect_dma source(%dma_start3A_68 : memref<100000xf32, #tpu.memory_space<vmem_shared>>) target(%dma_start3A_63 : memref<128xf32, #tpu.memory_space<vmem>>) offsets(%dma_start3A_66 : memref<128xi32, #tpu.memory_space<vmem>>) semaphore(%arg38 : memref<!tpu.dma_semaphore, #tpu.memory_space<semaphore_mem>>)
      %mul3A_69 = arith.constant 128 : i32
      %mul3A_70 = arith.muli %scan3A_53, %mul3A_69 : i32
      %dma_start3A_71 = tpu.memref_slice %arg19[%mul3A_70] : memref<1024xi32, #tpu.memory_space<vmem>> -> memref<128xi32, #tpu.memory_space<vmem>>
      %dma_start3A_72 = arith.constant 0 : i32
      %dma_start3A_73 = tpu.memref_slice %arg11[%scan3A_53, %dma_start3A_72] : memref<8x128xi32, #tpu.memory_space<vmem>> -> memref<1x128xi32, #tpu.memory_space<vmem>>
      %dma_start3A_74 = tpu.memref_squeeze %dma_start3A_73 : memref<1x128xi32, #tpu.memory_space<vmem>> -> memref<128xi32, #tpu.memory_space<vmem>>
      %dma_start3A_75 = arith.constant 0 : i32
      %dma_start3A_76 = tpu.memref_slice %arg40[%dma_start3A_75] : memref<100000xi32, #tpu.memory_space<vmem_shared>> -> memref<100000xi32, #tpu.memory_space<vmem_shared>>
      tpu.enqueue_indirect_dma source(%dma_start3A_76 : memref<100000xi32, #tpu.memory_space<vmem_shared>>) target(%dma_start3A_71 : memref<128xi32, #tpu.memory_space<vmem>>) offsets(%dma_start3A_74 : memref<128xi32, #tpu.memory_space<vmem>>) semaphore(%arg38 : memref<!tpu.dma_semaphore, #tpu.memory_space<semaphore_mem>>)
      %mul3A_77 = arith.constant 128 : i32
      %mul3A_78 = arith.muli %scan3A_53, %mul3A_77 : i32
      %dma_start3A_79 = tpu.memref_slice %arg27[%mul3A_78] : memref<1024xf32, #tpu.memory_space<vmem>> -> memref<128xf32, #tpu.memory_space<vmem>>
      %dma_start3A_80 = arith.constant 0 : i32
      %dma_start3A_81 = tpu.memref_slice %arg11[%scan3A_53, %dma_start3A_80] : memref<8x128xi32, #tpu.memory_space<vmem>> -> memref<1x128xi32, #tpu.memory_space<vmem>>
      %dma_start3A_82 = tpu.memref_squeeze %dma_start3A_81 : memref<1x128xi32, #tpu.memory_space<vmem>> -> memref<128xi32, #tpu.memory_space<vmem>>
      %dma_start3A_83 = arith.constant 0 : i32
      %dma_start3A_84 = tpu.memref_slice %arg41[%dma_start3A_83] : memref<100000xf32, #tpu.memory_space<vmem_shared>> -> memref<100000xf32, #tpu.memory_space<vmem_shared>>
      tpu.enqueue_indirect_dma source(%dma_start3A_84 : memref<100000xf32, #tpu.memory_space<vmem_shared>>) target(%dma_start3A_79 : memref<128xf32, #tpu.memory_space<vmem>>) offsets(%dma_start3A_82 : memref<128xi32, #tpu.memory_space<vmem>>) semaphore(%arg38 : memref<!tpu.dma_semaphore, #tpu.memory_space<semaphore_mem>>)
      %mul3A_85 = arith.constant 128 : i32
      %mul3A_86 = arith.muli %scan3A_53, %mul3A_85 : i32
      %dma_start3A_87 = tpu.memref_slice %arg20[%mul3A_86] : memref<1024xi32, #tpu.memory_space<vmem>> -> memref<128xi32, #tpu.memory_space<vmem>>
      %dma_start3A_88 = arith.constant 0 : i32
      %dma_start3A_89 = tpu.memref_slice %arg12[%scan3A_53, %dma_start3A_88] : memref<8x128xi32, #tpu.memory_space<vmem>> -> memref<1x128xi32, #tpu.memory_space<vmem>>
      %dma_start3A_90 = tpu.memref_squeeze %dma_start3A_89 : memref<1x128xi32, #tpu.memory_space<vmem>> -> memref<128xi32, #tpu.memory_space<vmem>>
      %dma_start3A_91 = arith.constant 0 : i32
      %dma_start3A_92 = tpu.memref_slice %arg40[%dma_start3A_91] : memref<100000xi32, #tpu.memory_space<vmem_shared>> -> memref<100000xi32, #tpu.memory_space<vmem_shared>>
      tpu.enqueue_indirect_dma source(%dma_start3A_92 : memref<100000xi32, #tpu.memory_space<vmem_shared>>) target(%dma_start3A_87 : memref<128xi32, #tpu.memory_space<vmem>>) offsets(%dma_start3A_90 : memref<128xi32, #tpu.memory_space<vmem>>) semaphore(%arg38 : memref<!tpu.dma_semaphore, #tpu.memory_space<semaphore_mem>>)
      %mul3A_93 = arith.constant 128 : i32
      %mul3A_94 = arith.muli %scan3A_53, %mul3A_93 : i32
      %dma_start3A_95 = tpu.memref_slice %arg28[%mul3A_94] : memref<1024xf32, #tpu.memory_space<vmem>> -> memref<128xf32, #tpu.memory_space<vmem>>
      %dma_start3A_96 = arith.constant 0 : i32
      %dma_start3A_97 = tpu.memref_slice %arg12[%scan3A_53, %dma_start3A_96] : memref<8x128xi32, #tpu.memory_space<vmem>> -> memref<1x128xi32, #tpu.memory_space<vmem>>
      %dma_start3A_98 = tpu.memref_squeeze %dma_start3A_97 : memref<1x128xi32, #tpu.memory_space<vmem>> -> memref<128xi32, #tpu.memory_space<vmem>>
      %dma_start3A_99 = arith.constant 0 : i32
      %dma_start3A_100 = tpu.memref_slice %arg41[%dma_start3A_99] : memref<100000xf32, #tpu.memory_space<vmem_shared>> -> memref<100000xf32, #tpu.memory_space<vmem_shared>>
      tpu.enqueue_indirect_dma source(%dma_start3A_100 : memref<100000xf32, #tpu.memory_space<vmem_shared>>) target(%dma_start3A_95 : memref<128xf32, #tpu.memory_space<vmem>>) offsets(%dma_start3A_98 : memref<128xi32, #tpu.memory_space<vmem>>) semaphore(%arg38 : memref<!tpu.dma_semaphore, #tpu.memory_space<semaphore_mem>>)
      %mul3A_101 = arith.constant 128 : i32
      %mul3A_102 = arith.muli %scan3A_53, %mul3A_101 : i32
      %dma_start3A_103 = tpu.memref_slice %arg21[%mul3A_102] : memref<1024xi32, #tpu.memory_space<vmem>> -> memref<128xi32, #tpu.memory_space<vmem>>
      %dma_start3A_104 = arith.constant 0 : i32
      %dma_start3A_105 = tpu.memref_slice %arg13[%scan3A_53, %dma_start3A_104] : memref<8x128xi32, #tpu.memory_space<vmem>> -> memref<1x128xi32, #tpu.memory_space<vmem>>
      %dma_start3A_106 = tpu.memref_squeeze %dma_start3A_105 : memref<1x128xi32, #tpu.memory_space<vmem>> -> memref<128xi32, #tpu.memory_space<vmem>>
      %dma_start3A_107 = arith.constant 0 : i32
      %dma_start3A_108 = tpu.memref_slice %arg40[%dma_start3A_107] : memref<100000xi32, #tpu.memory_space<vmem_shared>> -> memref<100000xi32, #tpu.memory_space<vmem_shared>>
      tpu.enqueue_indirect_dma source(%dma_start3A_108 : memref<100000xi32, #tpu.memory_space<vmem_shared>>) target(%dma_start3A_103 : memref<128xi32, #tpu.memory_space<vmem>>) offsets(%dma_start3A_106 : memref<128xi32, #tpu.memory_space<vmem>>) semaphore(%arg38 : memref<!tpu.dma_semaphore, #tpu.memory_space<semaphore_mem>>)
      %mul3A_109 = arith.constant 128 : i32
      %mul3A_110 = arith.muli %scan3A_53, %mul3A_109 : i32
      %dma_start3A_111 = tpu.memref_slice %arg29[%mul3A_110] : memref<1024xf32, #tpu.memory_space<vmem>> -> memref<128xf32, #tpu.memory_space<vmem>>
      %dma_start3A_112 = arith.constant 0 : i32
      %dma_start3A_113 = tpu.memref_slice %arg13[%scan3A_53, %dma_start3A_112] : memref<8x128xi32, #tpu.memory_space<vmem>> -> memref<1x128xi32, #tpu.memory_space<vmem>>
      %dma_start3A_114 = tpu.memref_squeeze %dma_start3A_113 : memref<1x128xi32, #tpu.memory_space<vmem>> -> memref<128xi32, #tpu.memory_space<vmem>>
      %dma_start3A_115 = arith.constant 0 : i32
      %dma_start3A_116 = tpu.memref_slice %arg41[%dma_start3A_115] : memref<100000xf32, #tpu.memory_space<vmem_shared>> -> memref<100000xf32, #tpu.memory_space<vmem_shared>>
      tpu.enqueue_indirect_dma source(%dma_start3A_116 : memref<100000xf32, #tpu.memory_space<vmem_shared>>) target(%dma_start3A_111 : memref<128xf32, #tpu.memory_space<vmem>>) offsets(%dma_start3A_114 : memref<128xi32, #tpu.memory_space<vmem>>) semaphore(%arg38 : memref<!tpu.dma_semaphore, #tpu.memory_space<semaphore_mem>>)
    }
    %scan3A_46 = arith.constant 8 : i32
    %scan3A_47 = arith.constant 0 : i32
    %scan3A_48 = arith.constant 0 : i32
    %scan3A_49 = arith.constant 49 : i32
    %scan3A_50 = arith.addi %scan3A_48, %scan3A_49 : i32
    %scan3A_51 = arith.constant 1 : i32
    scf.for %scan3A_53 = %scan3A_48 to %scan3A_50 step %scan3A_51  : i32 {
      %mul3A_54 = arith.constant 2 : i32
      %mul3A_55 = arith.muli %scan3A_53, %mul3A_54 : i32
      %add3A_56 = arith.constant 1 : i32
      %add3A_57 = arith.addi %mul3A_55, %add3A_56 : i32
      %lt3A = arith.cmpi slt, %add3A_57, %select_n3A : i32
      %convert_element_type3A_58 = arith.extui %lt3A : i1 to i32
      %cond3A_59 = arith.constant 0 : i32
      %cond3A_60 = arith.cmpi ne, %convert_element_type3A_58, %cond3A_59 : i32
      scf.if %cond3A_60 {
        %add3A_85 = arith.constant 1 : i32
        %add3A_86 = arith.addi %mul3A_55, %add3A_85 : i32
        %mul3A_87 = arith.constant 32 : i32
        %mul3A_88 = arith.muli %add3A_86, %mul3A_87 : i32
        %add3A_89 = arith.addi %add3A, %mul3A_88 : i32
        %mul3A_90 = arith.constant 8 : i32
        %mul3A_91 = arith.muli %add3A_89, %mul3A_90 : i32
        "tpu.region"() ({
          %run_scoped3A = tpu.sem_alloc : memref<!tpu.dma_semaphore, #tpu.memory_space<semaphore_mem>>
          %dma_start3A = arith.constant 0 : i32
          %dma_start3A_106 = tpu.memref_slice %arg4[%mul3A_91, %dma_start3A] : memref<25000x128xi32, #tpu.memory_space<hbm>> -> memref<8x128xi32, #tpu.memory_space<hbm>>
          %dma_start3A_107 = arith.constant 0 : i32
          %dma_start3A_108 = tpu.memref_slice %arg4[%mul3A_91, %dma_start3A_107] : memref<25000x128xi32, #tpu.memory_space<hbm>> -> memref<8x128xi32, #tpu.memory_space<hbm>>
          tpu.enqueue_dma source(%dma_start3A_108 : memref<8x128xi32, #tpu.memory_space<hbm>>) target(%arg14 : memref<8x128xi32, #tpu.memory_space<vmem>>) target_semaphore(%run_scoped3A : memref<!tpu.dma_semaphore, #tpu.memory_space<semaphore_mem>>)
          %dma_wait3A = arith.constant 0 : i32
          %dma_wait3A_109 = tpu.memref_slice %arg4[%mul3A_91, %dma_wait3A] : memref<25000x128xi32, #tpu.memory_space<hbm>> -> memref<8x128xi32, #tpu.memory_space<hbm>>
          %dma_wait3A_110 = arith.constant 0 : i32
          %dma_wait3A_111 = tpu.memref_slice %arg4[%mul3A_91, %dma_wait3A_110] : memref<25000x128xi32, #tpu.memory_space<hbm>> -> memref<8x128xi32, #tpu.memory_space<hbm>>
          tpu.wait_dma2 semaphore(%run_scoped3A : memref<!tpu.dma_semaphore, #tpu.memory_space<semaphore_mem>>) src(%dma_wait3A_111 : memref<8x128xi32, #tpu.memory_space<hbm>>) dst(%arg14 : memref<8x128xi32, #tpu.memory_space<vmem>>)
          tpu.yield
        }) : () -> ()
        %mul3A_92 = arith.constant 8 : i32
        %mul3A_93 = arith.muli %add3A_89, %mul3A_92 : i32
        "tpu.region"() ({
          %run_scoped3A = tpu.sem_alloc : memref<!tpu.dma_semaphore, #tpu.memory_space<semaphore_mem>>
          %dma_start3A = arith.constant 0 : i32
          %dma_start3A_106 = tpu.memref_slice %arg5[%mul3A_93, %dma_start3A] : memref<25000x128xi32, #tpu.memory_space<hbm>> -> memref<8x128xi32, #tpu.memory_space<hbm>>
          %dma_start3A_107 = arith.constant 0 : i32
          %dma_start3A_108 = tpu.memref_slice %arg5[%mul3A_93, %dma_start3A_107] : memref<25000x128xi32, #tpu.memory_space<hbm>> -> memref<8x128xi32, #tpu.memory_space<hbm>>
          tpu.enqueue_dma source(%dma_start3A_108 : memref<8x128xi32, #tpu.memory_space<hbm>>) target(%arg15 : memref<8x128xi32, #tpu.memory_space<vmem>>) target_semaphore(%run_scoped3A : memref<!tpu.dma_semaphore, #tpu.memory_space<semaphore_mem>>)
          %dma_wait3A = arith.constant 0 : i32
          %dma_wait3A_109 = tpu.memref_slice %arg5[%mul3A_93, %dma_wait3A] : memref<25000x128xi32, #tpu.memory_space<hbm>> -> memref<8x128xi32, #tpu.memory_space<hbm>>
          %dma_wait3A_110 = arith.constant 0 : i32
          %dma_wait3A_111 = tpu.memref_slice %arg5[%mul3A_93, %dma_wait3A_110] : memref<25000x128xi32, #tpu.memory_space<hbm>> -> memref<8x128xi32, #tpu.memory_space<hbm>>
          tpu.wait_dma2 semaphore(%run_scoped3A : memref<!tpu.dma_semaphore, #tpu.memory_space<semaphore_mem>>) src(%dma_wait3A_111 : memref<8x128xi32, #tpu.memory_space<hbm>>) dst(%arg15 : memref<8x128xi32, #tpu.memory_space<vmem>>)
          tpu.yield
        }) : () -> ()
        %mul3A_94 = arith.constant 8 : i32
        %mul3A_95 = arith.muli %add3A_89, %mul3A_94 : i32
        "tpu.region"() ({
          %run_scoped3A = tpu.sem_alloc : memref<!tpu.dma_semaphore, #tpu.memory_space<semaphore_mem>>
          %dma_start3A = arith.constant 0 : i32
          %dma_start3A_106 = tpu.memref_slice %arg6[%mul3A_95, %dma_start3A] : memref<25000x128xi32, #tpu.memory_space<hbm>> -> memref<8x128xi32, #tpu.memory_space<hbm>>
          %dma_start3A_107 = arith.constant 0 : i32
          %dma_start3A_108 = tpu.memref_slice %arg6[%mul3A_95, %dma_start3A_107] : memref<25000x128xi32, #tpu.memory_space<hbm>> -> memref<8x128xi32, #tpu.memory_space<hbm>>
          tpu.enqueue_dma source(%dma_start3A_108 : memref<8x128xi32, #tpu.memory_space<hbm>>) target(%arg16 : memref<8x128xi32, #tpu.memory_space<vmem>>) target_semaphore(%run_scoped3A : memref<!tpu.dma_semaphore, #tpu.memory_space<semaphore_mem>>)
          %dma_wait3A = arith.constant 0 : i32
          %dma_wait3A_109 = tpu.memref_slice %arg6[%mul3A_95, %dma_wait3A] : memref<25000x128xi32, #tpu.memory_space<hbm>> -> memref<8x128xi32, #tpu.memory_space<hbm>>
          %dma_wait3A_110 = arith.constant 0 : i32
          %dma_wait3A_111 = tpu.memref_slice %arg6[%mul3A_95, %dma_wait3A_110] : memref<25000x128xi32, #tpu.memory_space<hbm>> -> memref<8x128xi32, #tpu.memory_space<hbm>>
          tpu.wait_dma2 semaphore(%run_scoped3A : memref<!tpu.dma_semaphore, #tpu.memory_space<semaphore_mem>>) src(%dma_wait3A_111 : memref<8x128xi32, #tpu.memory_space<hbm>>) dst(%arg16 : memref<8x128xi32, #tpu.memory_space<vmem>>)
          tpu.yield
        }) : () -> ()
        %mul3A_96 = arith.constant 8 : i32
        %mul3A_97 = arith.muli %add3A_89, %mul3A_96 : i32
        "tpu.region"() ({
          %run_scoped3A = tpu.sem_alloc : memref<!tpu.dma_semaphore, #tpu.memory_space<semaphore_mem>>
          %dma_start3A = arith.constant 0 : i32
          %dma_start3A_106 = tpu.memref_slice %arg7[%mul3A_97, %dma_start3A] : memref<25000x128xi32, #tpu.memory_space<hbm>> -> memref<8x128xi32, #tpu.memory_space<hbm>>
          %dma_start3A_107 = arith.constant 0 : i32
          %dma_start3A_108 = tpu.memref_slice %arg7[%mul3A_97, %dma_start3A_107] : memref<25000x128xi32, #tpu.memory_space<hbm>> -> memref<8x128xi32, #tpu.memory_space<hbm>>
          tpu.enqueue_dma source(%dma_start3A_108 : memref<8x128xi32, #tpu.memory_space<hbm>>) target(%arg17 : memref<8x128xi32, #tpu.memory_space<vmem>>) target_semaphore(%run_scoped3A : memref<!tpu.dma_semaphore, #tpu.memory_space<semaphore_mem>>)
          %dma_wait3A = arith.constant 0 : i32
          %dma_wait3A_109 = tpu.memref_slice %arg7[%mul3A_97, %dma_wait3A] : memref<25000x128xi32, #tpu.memory_space<hbm>> -> memref<8x128xi32, #tpu.memory_space<hbm>>
          %dma_wait3A_110 = arith.constant 0 : i32
          %dma_wait3A_111 = tpu.memref_slice %arg7[%mul3A_97, %dma_wait3A_110] : memref<25000x128xi32, #tpu.memory_space<hbm>> -> memref<8x128xi32, #tpu.memory_space<hbm>>
          tpu.wait_dma2 semaphore(%run_scoped3A : memref<!tpu.dma_semaphore, #tpu.memory_space<semaphore_mem>>) src(%dma_wait3A_111 : memref<8x128xi32, #tpu.memory_space<hbm>>) dst(%arg17 : memref<8x128xi32, #tpu.memory_space<vmem>>)
          tpu.yield
        }) : () -> ()
        %mul3A_98 = arith.constant 1024 : i32
        %mul3A_99 = arith.muli %add3A_89, %mul3A_98 : i32
        "tpu.region"() ({
          %run_scoped3A = tpu.sem_alloc : memref<!tpu.dma_semaphore, #tpu.memory_space<semaphore_mem>>
          %dma_start3A = tpu.memref_slice %arg8[%mul3A_99] : memref<3200000xf32, #tpu.memory_space<hbm>> -> memref<1024xf32, #tpu.memory_space<hbm>>
          %dma_start3A_106 = tpu.memref_slice %arg8[%mul3A_99] : memref<3200000xf32, #tpu.memory_space<hbm>> -> memref<1024xf32, #tpu.memory_space<hbm>>
          tpu.enqueue_dma source(%dma_start3A_106 : memref<1024xf32, #tpu.memory_space<hbm>>) target(%arg36 : memref<1024xf32, #tpu.memory_space<vmem>>) target_semaphore(%run_scoped3A : memref<!tpu.dma_semaphore, #tpu.memory_space<semaphore_mem>>)
          %dma_wait3A = tpu.memref_slice %arg8[%mul3A_99] : memref<3200000xf32, #tpu.memory_space<hbm>> -> memref<1024xf32, #tpu.memory_space<hbm>>
          %dma_wait3A_107 = tpu.memref_slice %arg8[%mul3A_99] : memref<3200000xf32, #tpu.memory_space<hbm>> -> memref<1024xf32, #tpu.memory_space<hbm>>
          tpu.wait_dma2 semaphore(%run_scoped3A : memref<!tpu.dma_semaphore, #tpu.memory_space<semaphore_mem>>) src(%dma_wait3A_107 : memref<1024xf32, #tpu.memory_space<hbm>>) dst(%arg36 : memref<1024xf32, #tpu.memory_space<vmem>>)
          tpu.yield
        }) : () -> ()
        %scan3A_100 = arith.constant 0 : i32
        %scan3A_101 = arith.constant 0 : i32
        %scan3A_102 = arith.constant 8 : i32
        %scan3A_103 = arith.addi %scan3A_101, %scan3A_102 : i32
        %scan3A_104 = arith.constant 1 : i32
        scf.for %scan3A_106 = %scan3A_101 to %scan3A_103 step %scan3A_104  : i32 {
          %mul3A_107 = arith.constant 128 : i32
          %mul3A_108 = arith.muli %scan3A_106, %mul3A_107 : i32
          %dma_start3A = tpu.memref_slice %arg22[%mul3A_108] : memref<1024xi32, #tpu.memory_space<vmem>> -> memref<128xi32, #tpu.memory_space<vmem>>
          %dma_start3A_109 = arith.constant 0 : i32
          %dma_start3A_110 = tpu.memref_slice %arg14[%scan3A_106, %dma_start3A_109] : memref<8x128xi32, #tpu.memory_space<vmem>> -> memref<1x128xi32, #tpu.memory_space<vmem>>
          %dma_start3A_111 = tpu.memref_squeeze %dma_start3A_110 : memref<1x128xi32, #tpu.memory_space<vmem>> -> memref<128xi32, #tpu.memory_space<vmem>>
          %dma_start3A_112 = arith.constant 0 : i32
          %dma_start3A_113 = tpu.memref_slice %arg40[%dma_start3A_112] : memref<100000xi32, #tpu.memory_space<vmem_shared>> -> memref<100000xi32, #tpu.memory_space<vmem_shared>>
          tpu.enqueue_indirect_dma source(%dma_start3A_113 : memref<100000xi32, #tpu.memory_space<vmem_shared>>) target(%dma_start3A : memref<128xi32, #tpu.memory_space<vmem>>) offsets(%dma_start3A_111 : memref<128xi32, #tpu.memory_space<vmem>>) semaphore(%arg39 : memref<!tpu.dma_semaphore, #tpu.memory_space<semaphore_mem>>)
          %mul3A_114 = arith.constant 128 : i32
          %mul3A_115 = arith.muli %scan3A_106, %mul3A_114 : i32
          %dma_start3A_116 = tpu.memref_slice %arg30[%mul3A_115] : memref<1024xf32, #tpu.memory_space<vmem>> -> memref<128xf32, #tpu.memory_space<vmem>>
          %dma_start3A_117 = arith.constant 0 : i32
          %dma_start3A_118 = tpu.memref_slice %arg14[%scan3A_106, %dma_start3A_117] : memref<8x128xi32, #tpu.memory_space<vmem>> -> memref<1x128xi32, #tpu.memory_space<vmem>>
          %dma_start3A_119 = tpu.memref_squeeze %dma_start3A_118 : memref<1x128xi32, #tpu.memory_space<vmem>> -> memref<128xi32, #tpu.memory_space<vmem>>
          %dma_start3A_120 = arith.constant 0 : i32
          %dma_start3A_121 = tpu.memref_slice %arg41[%dma_start3A_120] : memref<100000xf32, #tpu.memory_space<vmem_shared>> -> memref<100000xf32, #tpu.memory_space<vmem_shared>>
          tpu.enqueue_indirect_dma source(%dma_start3A_121 : memref<100000xf32, #tpu.memory_space<vmem_shared>>) target(%dma_start3A_116 : memref<128xf32, #tpu.memory_space<vmem>>) offsets(%dma_start3A_119 : memref<128xi32, #tpu.memory_space<vmem>>) semaphore(%arg39 : memref<!tpu.dma_semaphore, #tpu.memory_space<semaphore_mem>>)
          %mul3A_122 = arith.constant 128 : i32
          %mul3A_123 = arith.muli %scan3A_106, %mul3A_122 : i32
          %dma_start3A_124 = tpu.memref_slice %arg23[%mul3A_123] : memref<1024xi32, #tpu.memory_space<vmem>> -> memref<128xi32, #tpu.memory_space<vmem>>
          %dma_start3A_125 = arith.constant 0 : i32
          %dma_start3A_126 = tpu.memref_slice %arg15[%scan3A_106, %dma_start3A_125] : memref<8x128xi32, #tpu.memory_space<vmem>> -> memref<1x128xi32, #tpu.memory_space<vmem>>
          %dma_start3A_127 = tpu.memref_squeeze %dma_start3A_126 : memref<1x128xi32, #tpu.memory_space<vmem>> -> memref<128xi32, #tpu.memory_space<vmem>>
          %dma_start3A_128 = arith.constant 0 : i32
          %dma_start3A_129 = tpu.memref_slice %arg40[%dma_start3A_128] : memref<100000xi32, #tpu.memory_space<vmem_shared>> -> memref<100000xi32, #tpu.memory_space<vmem_shared>>
          tpu.enqueue_indirect_dma source(%dma_start3A_129 : memref<100000xi32, #tpu.memory_space<vmem_shared>>) target(%dma_start3A_124 : memref<128xi32, #tpu.memory_space<vmem>>) offsets(%dma_start3A_127 : memref<128xi32, #tpu.memory_space<vmem>>) semaphore(%arg39 : memref<!tpu.dma_semaphore, #tpu.memory_space<semaphore_mem>>)
          %mul3A_130 = arith.constant 128 : i32
          %mul3A_131 = arith.muli %scan3A_106, %mul3A_130 : i32
          %dma_start3A_132 = tpu.memref_slice %arg31[%mul3A_131] : memref<1024xf32, #tpu.memory_space<vmem>> -> memref<128xf32, #tpu.memory_space<vmem>>
          %dma_start3A_133 = arith.constant 0 : i32
          %dma_start3A_134 = tpu.memref_slice %arg15[%scan3A_106, %dma_start3A_133] : memref<8x128xi32, #tpu.memory_space<vmem>> -> memref<1x128xi32, #tpu.memory_space<vmem>>
          %dma_start3A_135 = tpu.memref_squeeze %dma_start3A_134 : memref<1x128xi32, #tpu.memory_space<vmem>> -> memref<128xi32, #tpu.memory_space<vmem>>
          %dma_start3A_136 = arith.constant 0 : i32
          %dma_start3A_137 = tpu.memref_slice %arg41[%dma_start3A_136] : memref<100000xf32, #tpu.memory_space<vmem_shared>> -> memref<100000xf32, #tpu.memory_space<vmem_shared>>
          tpu.enqueue_indirect_dma source(%dma_start3A_137 : memref<100000xf32, #tpu.memory_space<vmem_shared>>) target(%dma_start3A_132 : memref<128xf32, #tpu.memory_space<vmem>>) offsets(%dma_start3A_135 : memref<128xi32, #tpu.memory_space<vmem>>) semaphore(%arg39 : memref<!tpu.dma_semaphore, #tpu.memory_space<semaphore_mem>>)
          %mul3A_138 = arith.constant 128 : i32
          %mul3A_139 = arith.muli %scan3A_106, %mul3A_138 : i32
          %dma_start3A_140 = tpu.memref_slice %arg24[%mul3A_139] : memref<1024xi32, #tpu.memory_space<vmem>> -> memref<128xi32, #tpu.memory_space<vmem>>
          %dma_start3A_141 = arith.constant 0 : i32
          %dma_start3A_142 = tpu.memref_slice %arg16[%scan3A_106, %dma_start3A_141] : memref<8x128xi32, #tpu.memory_space<vmem>> -> memref<1x128xi32, #tpu.memory_space<vmem>>
          %dma_start3A_143 = tpu.memref_squeeze %dma_start3A_142 : memref<1x128xi32, #tpu.memory_space<vmem>> -> memref<128xi32, #tpu.memory_space<vmem>>
          %dma_start3A_144 = arith.constant 0 : i32
          %dma_start3A_145 = tpu.memref_slice %arg40[%dma_start3A_144] : memref<100000xi32, #tpu.memory_space<vmem_shared>> -> memref<100000xi32, #tpu.memory_space<vmem_shared>>
          tpu.enqueue_indirect_dma source(%dma_start3A_145 : memref<100000xi32, #tpu.memory_space<vmem_shared>>) target(%dma_start3A_140 : memref<128xi32, #tpu.memory_space<vmem>>) offsets(%dma_start3A_143 : memref<128xi32, #tpu.memory_space<vmem>>) semaphore(%arg39 : memref<!tpu.dma_semaphore, #tpu.memory_space<semaphore_mem>>)
          %mul3A_146 = arith.constant 128 : i32
          %mul3A_147 = arith.muli %scan3A_106, %mul3A_146 : i32
          %dma_start3A_148 = tpu.memref_slice %arg32[%mul3A_147] : memref<1024xf32, #tpu.memory_space<vmem>> -> memref<128xf32, #tpu.memory_space<vmem>>
          %dma_start3A_149 = arith.constant 0 : i32
          %dma_start3A_150 = tpu.memref_slice %arg16[%scan3A_106, %dma_start3A_149] : memref<8x128xi32, #tpu.memory_space<vmem>> -> memref<1x128xi32, #tpu.memory_space<vmem>>
          %dma_start3A_151 = tpu.memref_squeeze %dma_start3A_150 : memref<1x128xi32, #tpu.memory_space<vmem>> -> memref<128xi32, #tpu.memory_space<vmem>>
          %dma_start3A_152 = arith.constant 0 : i32
          %dma_start3A_153 = tpu.memref_slice %arg41[%dma_start3A_152] : memref<100000xf32, #tpu.memory_space<vmem_shared>> -> memref<100000xf32, #tpu.memory_space<vmem_shared>>
          tpu.enqueue_indirect_dma source(%dma_start3A_153 : memref<100000xf32, #tpu.memory_space<vmem_shared>>) target(%dma_start3A_148 : memref<128xf32, #tpu.memory_space<vmem>>) offsets(%dma_start3A_151 : memref<128xi32, #tpu.memory_space<vmem>>) semaphore(%arg39 : memref<!tpu.dma_semaphore, #tpu.memory_space<semaphore_mem>>)
          %mul3A_154 = arith.constant 128 : i32
          %mul3A_155 = arith.muli %scan3A_106, %mul3A_154 : i32
          %dma_start3A_156 = tpu.memref_slice %arg25[%mul3A_155] : memref<1024xi32, #tpu.memory_space<vmem>> -> memref<128xi32, #tpu.memory_space<vmem>>
          %dma_start3A_157 = arith.constant 0 : i32
          %dma_start3A_158 = tpu.memref_slice %arg17[%scan3A_106, %dma_start3A_157] : memref<8x128xi32, #tpu.memory_space<vmem>> -> memref<1x128xi32, #tpu.memory_space<vmem>>
          %dma_start3A_159 = tpu.memref_squeeze %dma_start3A_158 : memref<1x128xi32, #tpu.memory_space<vmem>> -> memref<128xi32, #tpu.memory_space<vmem>>
          %dma_start3A_160 = arith.constant 0 : i32
          %dma_start3A_161 = tpu.memref_slice %arg40[%dma_start3A_160] : memref<100000xi32, #tpu.memory_space<vmem_shared>> -> memref<100000xi32, #tpu.memory_space<vmem_shared>>
          tpu.enqueue_indirect_dma source(%dma_start3A_161 : memref<100000xi32, #tpu.memory_space<vmem_shared>>) target(%dma_start3A_156 : memref<128xi32, #tpu.memory_space<vmem>>) offsets(%dma_start3A_159 : memref<128xi32, #tpu.memory_space<vmem>>) semaphore(%arg39 : memref<!tpu.dma_semaphore, #tpu.memory_space<semaphore_mem>>)
          %mul3A_162 = arith.constant 128 : i32
          %mul3A_163 = arith.muli %scan3A_106, %mul3A_162 : i32
          %dma_start3A_164 = tpu.memref_slice %arg33[%mul3A_163] : memref<1024xf32, #tpu.memory_space<vmem>> -> memref<128xf32, #tpu.memory_space<vmem>>
          %dma_start3A_165 = arith.constant 0 : i32
          %dma_start3A_166 = tpu.memref_slice %arg17[%scan3A_106, %dma_start3A_165] : memref<8x128xi32, #tpu.memory_space<vmem>> -> memref<1x128xi32, #tpu.memory_space<vmem>>
          %dma_start3A_167 = tpu.memref_squeeze %dma_start3A_166 : memref<1x128xi32, #tpu.memory_space<vmem>> -> memref<128xi32, #tpu.memory_space<vmem>>
          %dma_start3A_168 = arith.constant 0 : i32
          %dma_start3A_169 = tpu.memref_slice %arg41[%dma_start3A_168] : memref<100000xf32, #tpu.memory_space<vmem_shared>> -> memref<100000xf32, #tpu.memory_space<vmem_shared>>
          tpu.enqueue_indirect_dma source(%dma_start3A_169 : memref<100000xf32, #tpu.memory_space<vmem_shared>>) target(%dma_start3A_164 : memref<128xf32, #tpu.memory_space<vmem>>) offsets(%dma_start3A_167 : memref<128xi32, #tpu.memory_space<vmem>>) semaphore(%arg39 : memref<!tpu.dma_semaphore, #tpu.memory_space<semaphore_mem>>)
        }
        %scan3A_105 = arith.constant 8 : i32
      } else {
      }
      %scan3A_61 = arith.constant 0 : i32
      %scan3A_62 = arith.constant 0 : i32
      %scan3A_63 = arith.constant 8 : i32
      %scan3A_64 = arith.addi %scan3A_62, %scan3A_63 : i32
      %scan3A_65 = arith.constant 1 : i32
      scf.for %scan3A_85 = %scan3A_62 to %scan3A_64 step %scan3A_65  : i32 {
        %mul3A_86 = arith.constant 128 : i32
        %mul3A_87 = arith.muli %scan3A_85, %mul3A_86 : i32
        %dma_wait3A = tpu.memref_slice %arg18[%mul3A_87] : memref<1024xi32, #tpu.memory_space<vmem>> -> memref<128xi32, #tpu.memory_space<vmem>>
        %dma_wait3A_88 = arith.constant 0 : i32
        %dma_wait3A_89 = tpu.memref_slice %arg10[%scan3A_85, %dma_wait3A_88] : memref<8x128xi32, #tpu.memory_space<vmem>> -> memref<1x128xi32, #tpu.memory_space<vmem>>
        %dma_wait3A_90 = tpu.memref_squeeze %dma_wait3A_89 : memref<1x128xi32, #tpu.memory_space<vmem>> -> memref<128xi32, #tpu.memory_space<vmem>>
        %dma_wait3A_91 = arith.constant 0 : i32
        %dma_wait3A_92 = tpu.memref_slice %arg40[%dma_wait3A_91] : memref<100000xi32, #tpu.memory_space<vmem_shared>> -> memref<100000xi32, #tpu.memory_space<vmem_shared>>
        tpu.wait_indirect_dma semaphore(%arg38 : memref<!tpu.dma_semaphore, #tpu.memory_space<semaphore_mem>>) src(%dma_wait3A_92 : memref<100000xi32, #tpu.memory_space<vmem_shared>>) dst(%dma_wait3A : memref<128xi32, #tpu.memory_space<vmem>>)
        %mul3A_93 = arith.constant 128 : i32
        %mul3A_94 = arith.muli %scan3A_85, %mul3A_93 : i32
        %dma_wait3A_95 = tpu.memref_slice %arg26[%mul3A_94] : memref<1024xf32, #tpu.memory_space<vmem>> -> memref<128xf32, #tpu.memory_space<vmem>>
        %dma_wait3A_96 = arith.constant 0 : i32
        %dma_wait3A_97 = tpu.memref_slice %arg10[%scan3A_85, %dma_wait3A_96] : memref<8x128xi32, #tpu.memory_space<vmem>> -> memref<1x128xi32, #tpu.memory_space<vmem>>
        %dma_wait3A_98 = tpu.memref_squeeze %dma_wait3A_97 : memref<1x128xi32, #tpu.memory_space<vmem>> -> memref<128xi32, #tpu.memory_space<vmem>>
        %dma_wait3A_99 = arith.constant 0 : i32
        %dma_wait3A_100 = tpu.memref_slice %arg41[%dma_wait3A_99] : memref<100000xf32, #tpu.memory_space<vmem_shared>> -> memref<100000xf32, #tpu.memory_space<vmem_shared>>
        tpu.wait_indirect_dma semaphore(%arg38 : memref<!tpu.dma_semaphore, #tpu.memory_space<semaphore_mem>>) src(%dma_wait3A_100 : memref<100000xf32, #tpu.memory_space<vmem_shared>>) dst(%dma_wait3A_95 : memref<128xf32, #tpu.memory_space<vmem>>)
        %mul3A_101 = arith.constant 128 : i32
        %mul3A_102 = arith.muli %scan3A_85, %mul3A_101 : i32
        %dma_wait3A_103 = tpu.memref_slice %arg19[%mul3A_102] : memref<1024xi32, #tpu.memory_space<vmem>> -> memref<128xi32, #tpu.memory_space<vmem>>
        %dma_wait3A_104 = arith.constant 0 : i32
        %dma_wait3A_105 = tpu.memref_slice %arg11[%scan3A_85, %dma_wait3A_104] : memref<8x128xi32, #tpu.memory_space<vmem>> -> memref<1x128xi32, #tpu.memory_space<vmem>>
        %dma_wait3A_106 = tpu.memref_squeeze %dma_wait3A_105 : memref<1x128xi32, #tpu.memory_space<vmem>> -> memref<128xi32, #tpu.memory_space<vmem>>
        %dma_wait3A_107 = arith.constant 0 : i32
        %dma_wait3A_108 = tpu.memref_slice %arg40[%dma_wait3A_107] : memref<100000xi32, #tpu.memory_space<vmem_shared>> -> memref<100000xi32, #tpu.memory_space<vmem_shared>>
        tpu.wait_indirect_dma semaphore(%arg38 : memref<!tpu.dma_semaphore, #tpu.memory_space<semaphore_mem>>) src(%dma_wait3A_108 : memref<100000xi32, #tpu.memory_space<vmem_shared>>) dst(%dma_wait3A_103 : memref<128xi32, #tpu.memory_space<vmem>>)
        %mul3A_109 = arith.constant 128 : i32
        %mul3A_110 = arith.muli %scan3A_85, %mul3A_109 : i32
        %dma_wait3A_111 = tpu.memref_slice %arg27[%mul3A_110] : memref<1024xf32, #tpu.memory_space<vmem>> -> memref<128xf32, #tpu.memory_space<vmem>>
        %dma_wait3A_112 = arith.constant 0 : i32
        %dma_wait3A_113 = tpu.memref_slice %arg11[%scan3A_85, %dma_wait3A_112] : memref<8x128xi32, #tpu.memory_space<vmem>> -> memref<1x128xi32, #tpu.memory_space<vmem>>
        %dma_wait3A_114 = tpu.memref_squeeze %dma_wait3A_113 : memref<1x128xi32, #tpu.memory_space<vmem>> -> memref<128xi32, #tpu.memory_space<vmem>>
        %dma_wait3A_115 = arith.constant 0 : i32
        %dma_wait3A_116 = tpu.memref_slice %arg41[%dma_wait3A_115] : memref<100000xf32, #tpu.memory_space<vmem_shared>> -> memref<100000xf32, #tpu.memory_space<vmem_shared>>
        tpu.wait_indirect_dma semaphore(%arg38 : memref<!tpu.dma_semaphore, #tpu.memory_space<semaphore_mem>>) src(%dma_wait3A_116 : memref<100000xf32, #tpu.memory_space<vmem_shared>>) dst(%dma_wait3A_111 : memref<128xf32, #tpu.memory_space<vmem>>)
        %mul3A_117 = arith.constant 128 : i32
        %mul3A_118 = arith.muli %scan3A_85, %mul3A_117 : i32
        %dma_wait3A_119 = tpu.memref_slice %arg20[%mul3A_118] : memref<1024xi32, #tpu.memory_space<vmem>> -> memref<128xi32, #tpu.memory_space<vmem>>
        %dma_wait3A_120 = arith.constant 0 : i32
        %dma_wait3A_121 = tpu.memref_slice %arg12[%scan3A_85, %dma_wait3A_120] : memref<8x128xi32, #tpu.memory_space<vmem>> -> memref<1x128xi32, #tpu.memory_space<vmem>>
        %dma_wait3A_122 = tpu.memref_squeeze %dma_wait3A_121 : memref<1x128xi32, #tpu.memory_space<vmem>> -> memref<128xi32, #tpu.memory_space<vmem>>
        %dma_wait3A_123 = arith.constant 0 : i32
        %dma_wait3A_124 = tpu.memref_slice %arg40[%dma_wait3A_123] : memref<100000xi32, #tpu.memory_space<vmem_shared>> -> memref<100000xi32, #tpu.memory_space<vmem_shared>>
        tpu.wait_indirect_dma semaphore(%arg38 : memref<!tpu.dma_semaphore, #tpu.memory_space<semaphore_mem>>) src(%dma_wait3A_124 : memref<100000xi32, #tpu.memory_space<vmem_shared>>) dst(%dma_wait3A_119 : memref<128xi32, #tpu.memory_space<vmem>>)
        %mul3A_125 = arith.constant 128 : i32
        %mul3A_126 = arith.muli %scan3A_85, %mul3A_125 : i32
        %dma_wait3A_127 = tpu.memref_slice %arg28[%mul3A_126] : memref<1024xf32, #tpu.memory_space<vmem>> -> memref<128xf32, #tpu.memory_space<vmem>>
        %dma_wait3A_128 = arith.constant 0 : i32
        %dma_wait3A_129 = tpu.memref_slice %arg12[%scan3A_85, %dma_wait3A_128] : memref<8x128xi32, #tpu.memory_space<vmem>> -> memref<1x128xi32, #tpu.memory_space<vmem>>
        %dma_wait3A_130 = tpu.memref_squeeze %dma_wait3A_129 : memref<1x128xi32, #tpu.memory_space<vmem>> -> memref<128xi32, #tpu.memory_space<vmem>>
        %dma_wait3A_131 = arith.constant 0 : i32
        %dma_wait3A_132 = tpu.memref_slice %arg41[%dma_wait3A_131] : memref<100000xf32, #tpu.memory_space<vmem_shared>> -> memref<100000xf32, #tpu.memory_space<vmem_shared>>
        tpu.wait_indirect_dma semaphore(%arg38 : memref<!tpu.dma_semaphore, #tpu.memory_space<semaphore_mem>>) src(%dma_wait3A_132 : memref<100000xf32, #tpu.memory_space<vmem_shared>>) dst(%dma_wait3A_127 : memref<128xf32, #tpu.memory_space<vmem>>)
        %mul3A_133 = arith.constant 128 : i32
        %mul3A_134 = arith.muli %scan3A_85, %mul3A_133 : i32
        %dma_wait3A_135 = tpu.memref_slice %arg21[%mul3A_134] : memref<1024xi32, #tpu.memory_space<vmem>> -> memref<128xi32, #tpu.memory_space<vmem>>
        %dma_wait3A_136 = arith.constant 0 : i32
        %dma_wait3A_137 = tpu.memref_slice %arg13[%scan3A_85, %dma_wait3A_136] : memref<8x128xi32, #tpu.memory_space<vmem>> -> memref<1x128xi32, #tpu.memory_space<vmem>>
        %dma_wait3A_138 = tpu.memref_squeeze %dma_wait3A_137 : memref<1x128xi32, #tpu.memory_space<vmem>> -> memref<128xi32, #tpu.memory_space<vmem>>
        %dma_wait3A_139 = arith.constant 0 : i32
        %dma_wait3A_140 = tpu.memref_slice %arg40[%dma_wait3A_139] : memref<100000xi32, #tpu.memory_space<vmem_shared>> -> memref<100000xi32, #tpu.memory_space<vmem_shared>>
        tpu.wait_indirect_dma semaphore(%arg38 : memref<!tpu.dma_semaphore, #tpu.memory_space<semaphore_mem>>) src(%dma_wait3A_140 : memref<100000xi32, #tpu.memory_space<vmem_shared>>) dst(%dma_wait3A_135 : memref<128xi32, #tpu.memory_space<vmem>>)
        %mul3A_141 = arith.constant 128 : i32
        %mul3A_142 = arith.muli %scan3A_85, %mul3A_141 : i32
        %dma_wait3A_143 = tpu.memref_slice %arg29[%mul3A_142] : memref<1024xf32, #tpu.memory_space<vmem>> -> memref<128xf32, #tpu.memory_space<vmem>>
        %dma_wait3A_144 = arith.constant 0 : i32
        %dma_wait3A_145 = tpu.memref_slice %arg13[%scan3A_85, %dma_wait3A_144] : memref<8x128xi32, #tpu.memory_space<vmem>> -> memref<1x128xi32, #tpu.memory_space<vmem>>
        %dma_wait3A_146 = tpu.memref_squeeze %dma_wait3A_145 : memref<1x128xi32, #tpu.memory_space<vmem>> -> memref<128xi32, #tpu.memory_space<vmem>>
        %dma_wait3A_147 = arith.constant 0 : i32
        %dma_wait3A_148 = tpu.memref_slice %arg41[%dma_wait3A_147] : memref<100000xf32, #tpu.memory_space<vmem_shared>> -> memref<100000xf32, #tpu.memory_space<vmem_shared>>
        tpu.wait_indirect_dma semaphore(%arg38 : memref<!tpu.dma_semaphore, #tpu.memory_space<semaphore_mem>>) src(%dma_wait3A_148 : memref<100000xf32, #tpu.memory_space<vmem_shared>>) dst(%dma_wait3A_143 : memref<128xf32, #tpu.memory_space<vmem>>)
      }
      %scan3A_66 = arith.constant 8 : i32
      %scan3A_67 = arith.constant 0 : i32
      %scan3A_68 = arith.constant -65536 : i32
      %scan3A_69 = arith.constant 0 : i32
      %scan3A_70 = arith.constant 64 : i32
      %scan3A_71 = arith.addi %scan3A_69, %scan3A_70 : i32
      %scan3A_72 = arith.constant 1 : i32
      scf.for %scan3A_85 = %scan3A_69 to %scan3A_71 step %scan3A_72  : i32 {
        %mul3A_86 = arith.constant 16 : i32
        %mul3A_87 = arith.muli %scan3A_85, %mul3A_86 : i32
        %get3A = arith.index_cast %mul3A_87 : i32 to index
        %get3A_88 = tpu.vector_load %arg18[%get3A] {strides = array<i32>} : memref<1024xi32, #tpu.memory_space<vmem>>, vector<16xi32>,
        %get3A_89 = vector.shape_cast %get3A_88 : vector<16xi32> to vector<16xi32>
        %and3A_90 = vector.broadcast %scan3A_68 : i32 to vector<16xi32>
        %and3A_91 = arith.andi %get3A_89, %and3A_90 : vector<16xi32>
        %bitcast_convert_type3A = tpu.bitcast %and3A_91 : vector<16xi32> -> vector<16xf32>
        %shift_left3A = arith.constant 16 : i32
        %shift_left3A_92 = vector.broadcast %shift_left3A : i32 to vector<16xi32>
        %shift_left3A_93 = arith.shli %get3A_89, %shift_left3A_92 : vector<16xi32>
        %bitcast_convert_type3A_94 = tpu.bitcast %shift_left3A_93 : vector<16xi32> -> vector<16xf32>
        %get3A_95 = arith.index_cast %mul3A_87 : i32 to index
        %get3A_96 = tpu.vector_load %arg26[%get3A_95] {strides = array<i32>} : memref<1024xf32, #tpu.memory_space<vmem>>, vector<16xf32>,
        %get3A_97 = vector.shape_cast %get3A_96 : vector<16xf32> to vector<16xf32>
        %get3A_98 = arith.index_cast %mul3A_87 : i32 to index
        %get3A_99 = tpu.vector_load %arg19[%get3A_98] {strides = array<i32>} : memref<1024xi32, #tpu.memory_space<vmem>>, vector<16xi32>,
        %get3A_100 = vector.shape_cast %get3A_99 : vector<16xi32> to vector<16xi32>
        %and3A_101 = vector.broadcast %scan3A_68 : i32 to vector<16xi32>
        %and3A_102 = arith.andi %get3A_100, %and3A_101 : vector<16xi32>
        %bitcast_convert_type3A_103 = tpu.bitcast %and3A_102 : vector<16xi32> -> vector<16xf32>
        %shift_left3A_104 = arith.constant 16 : i32
        %shift_left3A_105 = vector.broadcast %shift_left3A_104 : i32 to vector<16xi32>
        %shift_left3A_106 = arith.shli %get3A_100, %shift_left3A_105 : vector<16xi32>
        %bitcast_convert_type3A_107 = tpu.bitcast %shift_left3A_106 : vector<16xi32> -> vector<16xf32>
        %get3A_108 = arith.index_cast %mul3A_87 : i32 to index
        %get3A_109 = tpu.vector_load %arg27[%get3A_108] {strides = array<i32>} : memref<1024xf32, #tpu.memory_space<vmem>>, vector<16xf32>,
        %get3A_110 = vector.shape_cast %get3A_109 : vector<16xf32> to vector<16xf32>
        %get3A_111 = arith.index_cast %mul3A_87 : i32 to index
        %get3A_112 = tpu.vector_load %arg20[%get3A_111] {strides = array<i32>} : memref<1024xi32, #tpu.memory_space<vmem>>, vector<16xi32>,
        %get3A_113 = vector.shape_cast %get3A_112 : vector<16xi32> to vector<16xi32>
        %and3A_114 = vector.broadcast %scan3A_68 : i32 to vector<16xi32>
        %and3A_115 = arith.andi %get3A_113, %and3A_114 : vector<16xi32>
        %bitcast_convert_type3A_116 = tpu.bitcast %and3A_115 : vector<16xi32> -> vector<16xf32>
        %shift_left3A_117 = arith.constant 16 : i32
        %shift_left3A_118 = vector.broadcast %shift_left3A_117 : i32 to vector<16xi32>
        %shift_left3A_119 = arith.shli %get3A_113, %shift_left3A_118 : vector<16xi32>
        %bitcast_convert_type3A_120 = tpu.bitcast %shift_left3A_119 : vector<16xi32> -> vector<16xf32>
        %get3A_121 = arith.index_cast %mul3A_87 : i32 to index
        %get3A_122 = tpu.vector_load %arg28[%get3A_121] {strides = array<i32>} : memref<1024xf32, #tpu.memory_space<vmem>>, vector<16xf32>,
        %get3A_123 = vector.shape_cast %get3A_122 : vector<16xf32> to vector<16xf32>
        %get3A_124 = arith.index_cast %mul3A_87 : i32 to index
        %get3A_125 = tpu.vector_load %arg21[%get3A_124] {strides = array<i32>} : memref<1024xi32, #tpu.memory_space<vmem>>, vector<16xi32>,
        %get3A_126 = vector.shape_cast %get3A_125 : vector<16xi32> to vector<16xi32>
        %and3A_127 = vector.broadcast %scan3A_68 : i32 to vector<16xi32>
        %and3A_128 = arith.andi %get3A_126, %and3A_127 : vector<16xi32>
        %bitcast_convert_type3A_129 = tpu.bitcast %and3A_128 : vector<16xi32> -> vector<16xf32>
        %shift_left3A_130 = arith.constant 16 : i32
        %shift_left3A_131 = vector.broadcast %shift_left3A_130 : i32 to vector<16xi32>
        %shift_left3A_132 = arith.shli %get3A_126, %shift_left3A_131 : vector<16xi32>
        %bitcast_convert_type3A_133 = tpu.bitcast %shift_left3A_132 : vector<16xi32> -> vector<16xf32>
        %get3A_134 = arith.index_cast %mul3A_87 : i32 to index
        %get3A_135 = tpu.vector_load %arg29[%get3A_134] {strides = array<i32>} : memref<1024xf32, #tpu.memory_space<vmem>>, vector<16xf32>,
        %get3A_136 = vector.shape_cast %get3A_135 : vector<16xf32> to vector<16xf32>
        %sub3A_137 = arith.subf %bitcast_convert_type3A, %bitcast_convert_type3A_103 : vector<16xf32>
        %sub3A_138 = arith.subf %bitcast_convert_type3A_94, %bitcast_convert_type3A_107 : vector<16xf32>
        %sub3A_139 = arith.subf %get3A_97, %get3A_110 : vector<16xf32>
        %mul3A_140 = arith.mulf %sub3A_137, %sub3A_137 : vector<16xf32>
        %mul3A_141 = arith.mulf %sub3A_138, %sub3A_138 : vector<16xf32>
        %add3A_142 = arith.addf %mul3A_140, %mul3A_141 : vector<16xf32>
        %mul3A_143 = arith.mulf %sub3A_139, %sub3A_139 : vector<16xf32>
        %add3A_144 = arith.addf %add3A_142, %mul3A_143 : vector<16xf32>
        %sub3A_145 = arith.subf %bitcast_convert_type3A, %bitcast_convert_type3A_116 : vector<16xf32>
        %sub3A_146 = arith.subf %bitcast_convert_type3A_94, %bitcast_convert_type3A_120 : vector<16xf32>
        %sub3A_147 = arith.subf %get3A_97, %get3A_123 : vector<16xf32>
        %mul3A_148 = arith.mulf %sub3A_145, %sub3A_145 : vector<16xf32>
        %mul3A_149 = arith.mulf %sub3A_146, %sub3A_146 : vector<16xf32>
        %add3A_150 = arith.addf %mul3A_148, %mul3A_149 : vector<16xf32>
        %mul3A_151 = arith.mulf %sub3A_147, %sub3A_147 : vector<16xf32>
        %add3A_152 = arith.addf %add3A_150, %mul3A_151 : vector<16xf32>
        %min3A = arith.minimumf %add3A_144, %add3A_152 : vector<16xf32>
        %sub3A_153 = arith.subf %bitcast_convert_type3A, %bitcast_convert_type3A_129 : vector<16xf32>
        %sub3A_154 = arith.subf %bitcast_convert_type3A_94, %bitcast_convert_type3A_133 : vector<16xf32>
        %sub3A_155 = arith.subf %get3A_97, %get3A_136 : vector<16xf32>
        %mul3A_156 = arith.mulf %sub3A_153, %sub3A_153 : vector<16xf32>
        %mul3A_157 = arith.mulf %sub3A_154, %sub3A_154 : vector<16xf32>
        %add3A_158 = arith.addf %mul3A_156, %mul3A_157 : vector<16xf32>
        %mul3A_159 = arith.mulf %sub3A_155, %sub3A_155 : vector<16xf32>
        %add3A_160 = arith.addf %add3A_158, %mul3A_159 : vector<16xf32>
        %min3A_161 = arith.minimumf %min3A, %add3A_160 : vector<16xf32>
        %sub3A_162 = arith.subf %bitcast_convert_type3A_103, %bitcast_convert_type3A_116 : vector<16xf32>
        %sub3A_163 = arith.subf %bitcast_convert_type3A_107, %bitcast_convert_type3A_120 : vector<16xf32>
        %sub3A_164 = arith.subf %get3A_110, %get3A_123 : vector<16xf32>
        %mul3A_165 = arith.mulf %sub3A_162, %sub3A_162 : vector<16xf32>
        %mul3A_166 = arith.mulf %sub3A_163, %sub3A_163 : vector<16xf32>
        %add3A_167 = arith.addf %mul3A_165, %mul3A_166 : vector<16xf32>
        %mul3A_168 = arith.mulf %sub3A_164, %sub3A_164 : vector<16xf32>
        %add3A_169 = arith.addf %add3A_167, %mul3A_168 : vector<16xf32>
        %min3A_170 = arith.minimumf %min3A_161, %add3A_169 : vector<16xf32>
        %sub3A_171 = arith.subf %bitcast_convert_type3A_103, %bitcast_convert_type3A_129 : vector<16xf32>
        %sub3A_172 = arith.subf %bitcast_convert_type3A_107, %bitcast_convert_type3A_133 : vector<16xf32>
        %sub3A_173 = arith.subf %get3A_110, %get3A_136 : vector<16xf32>
        %mul3A_174 = arith.mulf %sub3A_171, %sub3A_171 : vector<16xf32>
        %mul3A_175 = arith.mulf %sub3A_172, %sub3A_172 : vector<16xf32>
        %add3A_176 = arith.addf %mul3A_174, %mul3A_175 : vector<16xf32>
        %mul3A_177 = arith.mulf %sub3A_173, %sub3A_173 : vector<16xf32>
        %add3A_178 = arith.addf %add3A_176, %mul3A_177 : vector<16xf32>
        %min3A_179 = arith.minimumf %min3A_170, %add3A_178 : vector<16xf32>
        %sub3A_180 = arith.subf %bitcast_convert_type3A_116, %bitcast_convert_type3A_129 : vector<16xf32>
        %sub3A_181 = arith.subf %bitcast_convert_type3A_120, %bitcast_convert_type3A_133 : vector<16xf32>
        %sub3A_182 = arith.subf %get3A_123, %get3A_136 : vector<16xf32>
        %mul3A_183 = arith.mulf %sub3A_180, %sub3A_180 : vector<16xf32>
        %mul3A_184 = arith.mulf %sub3A_181, %sub3A_181 : vector<16xf32>
        %add3A_185 = arith.addf %mul3A_183, %mul3A_184 : vector<16xf32>
        %mul3A_186 = arith.mulf %sub3A_182, %sub3A_182 : vector<16xf32>
        %add3A_187 = arith.addf %add3A_185, %mul3A_186 : vector<16xf32>
        %min3A_188 = arith.minimumf %min3A_179, %add3A_187 : vector<16xf32>
        %add3A_189 = arith.constant 9.99999996E-13 : f32
        %add3A_190 = vector.broadcast %add3A_189 : f32 to vector<16xf32>
        %add3A_191 = arith.addf %min3A_188, %add3A_190 : vector<16xf32>
        %bitcast_convert_type3A_192 = tpu.bitcast %add3A_191 : vector<16xf32> -> vector<16xi32>
        %shift_right_arithmetic3A = arith.constant 1 : i32
        %shift_right_arithmetic3A_193 = vector.broadcast %shift_right_arithmetic3A : i32 to vector<16xi32>
        %shift_right_arithmetic3A_194 = arith.shrsi %bitcast_convert_type3A_192, %shift_right_arithmetic3A_193 : vector<16xi32>
        %sub3A_195 = arith.constant 1597463007 : i32
        %sub3A_196 = vector.broadcast %sub3A_195 : i32 to vector<16xi32>
        %sub3A_197 = arith.subi %sub3A_196, %shift_right_arithmetic3A_194 : vector<16xi32>
        %bitcast_convert_type3A_198 = tpu.bitcast %sub3A_197 : vector<16xi32> -> vector<16xf32>
        %mul3A_199 = arith.constant 5.000000e-01 : f32
        %mul3A_200 = vector.broadcast %mul3A_199 : f32 to vector<16xf32>
        %mul3A_201 = arith.mulf %mul3A_200, %add3A_191 : vector<16xf32>
        %mul3A_202 = arith.mulf %mul3A_201, %bitcast_convert_type3A_198 : vector<16xf32>
        %mul3A_203 = arith.mulf %mul3A_202, %bitcast_convert_type3A_198 : vector<16xf32>
        %sub3A_204 = arith.constant 1.500000e+00 : f32
        %sub3A_205 = vector.broadcast %sub3A_204 : f32 to vector<16xf32>
        %sub3A_206 = arith.subf %sub3A_205, %mul3A_203 : vector<16xf32>
        %mul3A_207 = arith.mulf %bitcast_convert_type3A_198, %sub3A_206 : vector<16xf32>
        %mul3A_208 = arith.mulf %mul3A_201, %mul3A_207 : vector<16xf32>
        %mul3A_209 = arith.mulf %mul3A_208, %mul3A_207 : vector<16xf32>
        %sub3A_210 = arith.constant 1.500000e+00 : f32
        %sub3A_211 = vector.broadcast %sub3A_210 : f32 to vector<16xf32>
        %sub3A_212 = arith.subf %sub3A_211, %mul3A_209 : vector<16xf32>
        %mul3A_213 = arith.mulf %mul3A_207, %sub3A_212 : vector<16xf32>
        %mul3A_214 = arith.mulf %mul3A_201, %mul3A_213 : vector<16xf32>
        %mul3A_215 = arith.mulf %mul3A_214, %mul3A_213 : vector<16xf32>
        %sub3A_216 = arith.constant 1.500000e+00 : f32
        %sub3A_217 = vector.broadcast %sub3A_216 : f32 to vector<16xf32>
        %sub3A_218 = arith.subf %sub3A_217, %mul3A_215 : vector<16xf32>
        %mul3A_219 = arith.mulf %mul3A_213, %sub3A_218 : vector<16xf32>
        %mul3A_220 = arith.mulf %add3A_191, %mul3A_219 : vector<16xf32>
        %get3A_221 = arith.index_cast %mul3A_87 : i32 to index
        %get3A_222 = tpu.vector_load %arg34[%get3A_221] {strides = array<i32>} : memref<1024xf32, #tpu.memory_space<vmem>>, vector<16xf32>,
        %get3A_223 = vector.shape_cast %get3A_222 : vector<16xf32> to vector<16xf32>
        %neg3A = arith.constant 0.000000e+00 : f32
        %neg3A_224 = vector.broadcast %neg3A : f32 to vector<16xf32>
        %neg3A_225 = arith.subf %neg3A_224, %get3A_223 : vector<16xf32>
        %mul3A_226 = arith.mulf %neg3A_225, %mul3A_220 : vector<16xf32>
        %exp3A = math.exp %mul3A_226 : vector<16xf32>
        %sub3A_227 = arith.constant 1.000000e+00 : f32
        %sub3A_228 = vector.broadcast %sub3A_227 : f32 to vector<16xf32>
        %sub3A_229 = arith.subf %sub3A_228, %exp3A : vector<16xf32>
        %swap3A = arith.index_cast %mul3A_87 : i32 to index
        %swap3A_230 = tpu.vector_load %arg35[%swap3A] {strides = array<i32>} : memref<1024xf32, #tpu.memory_space<vmem>>, vector<16xf32>,
        %swap3A_231 = vector.shape_cast %swap3A_230 : vector<16xf32> to vector<16xf32>
        %swap3A_232 = vector.shape_cast %sub3A_229 : vector<16xf32> to vector<16xf32>
        tpu.vector_store %arg35[%swap3A], %swap3A_232 {strides = array<i32>} : memref<1024xf32, #tpu.memory_space<vmem>>, vector<16xf32>,
      }
      %scan3A_73 = arith.constant 64 : i32
      %mul3A_74 = arith.constant 32 : i32
      %mul3A_75 = arith.muli %mul3A_55, %mul3A_74 : i32
      %add3A_76 = arith.addi %add3A, %mul3A_75 : i32
      %mul3A_77 = arith.constant 1024 : i32
      %mul3A_78 = arith.muli %add3A_76, %mul3A_77 : i32
      "tpu.region"() ({
        %run_scoped3A = tpu.sem_alloc : memref<!tpu.dma_semaphore, #tpu.memory_space<semaphore_mem>>
        %dma_start3A = tpu.memref_slice %arg9[%mul3A_78] : memref<3200000xf32, #tpu.memory_space<hbm>> -> memref<1024xf32, #tpu.memory_space<hbm>>
        %dma_start3A_85 = tpu.memref_slice %arg9[%mul3A_78] : memref<3200000xf32, #tpu.memory_space<hbm>> -> memref<1024xf32, #tpu.memory_space<hbm>>
        tpu.enqueue_dma source(%arg35 : memref<1024xf32, #tpu.memory_space<vmem>>) target(%dma_start3A_85 : memref<1024xf32, #tpu.memory_space<hbm>>) target_semaphore(%run_scoped3A : memref<!tpu.dma_semaphore, #tpu.memory_space<semaphore_mem>>)
        %dma_wait3A = tpu.memref_slice %arg9[%mul3A_78] : memref<3200000xf32, #tpu.memory_space<hbm>> -> memref<1024xf32, #tpu.memory_space<hbm>>
        %dma_wait3A_86 = tpu.memref_slice %arg9[%mul3A_78] : memref<3200000xf32, #tpu.memory_space<hbm>> -> memref<1024xf32, #tpu.memory_space<hbm>>
        tpu.wait_dma2 semaphore(%run_scoped3A : memref<!tpu.dma_semaphore, #tpu.memory_space<semaphore_mem>>) src(%arg35 : memref<1024xf32, #tpu.memory_space<vmem>>) dst(%dma_wait3A_86 : memref<1024xf32, #tpu.memory_space<hbm>>)
        tpu.yield
      }) : () -> ()
      %add3A_79 = arith.constant 1 : i32
      %add3A_80 = arith.addi %mul3A_55, %add3A_79 : i32
      %lt3A_81 = arith.cmpi slt, %add3A_80, %select_n3A : i32
      %convert_element_type3A_82 = arith.extui %lt3A_81 : i1 to i32
      %cond3A_83 = arith.constant 0 : i32
      %cond3A_84 = arith.cmpi ne, %convert_element_type3A_82, %cond3A_83 : i32
      scf.if %cond3A_84 {
        %add3A_85 = arith.constant 2 : i32
        %add3A_86 = arith.addi %mul3A_55, %add3A_85 : i32
        %lt3A_87 = arith.cmpi slt, %add3A_86, %select_n3A : i32
        %convert_element_type3A_88 = arith.extui %lt3A_87 : i1 to i32
        %cond3A_89 = arith.constant 0 : i32
        %cond3A_90 = arith.cmpi ne, %convert_element_type3A_88, %cond3A_89 : i32
        scf.if %cond3A_90 {
          %add3A_111 = arith.constant 2 : i32
          %add3A_112 = arith.addi %mul3A_55, %add3A_111 : i32
          %mul3A_113 = arith.constant 32 : i32
          %mul3A_114 = arith.muli %add3A_112, %mul3A_113 : i32
          %add3A_115 = arith.addi %add3A, %mul3A_114 : i32
          %mul3A_116 = arith.constant 8 : i32
          %mul3A_117 = arith.muli %add3A_115, %mul3A_116 : i32
          "tpu.region"() ({
            %run_scoped3A = tpu.sem_alloc : memref<!tpu.dma_semaphore, #tpu.memory_space<semaphore_mem>>
            %dma_start3A = arith.constant 0 : i32
            %dma_start3A_132 = tpu.memref_slice %arg4[%mul3A_117, %dma_start3A] : memref<25000x128xi32, #tpu.memory_space<hbm>> -> memref<8x128xi32, #tpu.memory_space<hbm>>
            %dma_start3A_133 = arith.constant 0 : i32
            %dma_start3A_134 = tpu.memref_slice %arg4[%mul3A_117, %dma_start3A_133] : memref<25000x128xi32, #tpu.memory_space<hbm>> -> memref<8x128xi32, #tpu.memory_space<hbm>>
            tpu.enqueue_dma source(%dma_start3A_134 : memref<8x128xi32, #tpu.memory_space<hbm>>) target(%arg10 : memref<8x128xi32, #tpu.memory_space<vmem>>) target_semaphore(%run_scoped3A : memref<!tpu.dma_semaphore, #tpu.memory_space<semaphore_mem>>)
            %dma_wait3A = arith.constant 0 : i32
            %dma_wait3A_135 = tpu.memref_slice %arg4[%mul3A_117, %dma_wait3A] : memref<25000x128xi32, #tpu.memory_space<hbm>> -> memref<8x128xi32, #tpu.memory_space<hbm>>
            %dma_wait3A_136 = arith.constant 0 : i32
            %dma_wait3A_137 = tpu.memref_slice %arg4[%mul3A_117, %dma_wait3A_136] : memref<25000x128xi32, #tpu.memory_space<hbm>> -> memref<8x128xi32, #tpu.memory_space<hbm>>
            tpu.wait_dma2 semaphore(%run_scoped3A : memref<!tpu.dma_semaphore, #tpu.memory_space<semaphore_mem>>) src(%dma_wait3A_137 : memref<8x128xi32, #tpu.memory_space<hbm>>) dst(%arg10 : memref<8x128xi32, #tpu.memory_space<vmem>>)
            tpu.yield
          }) : () -> ()
          %mul3A_118 = arith.constant 8 : i32
          %mul3A_119 = arith.muli %add3A_115, %mul3A_118 : i32
          "tpu.region"() ({
            %run_scoped3A = tpu.sem_alloc : memref<!tpu.dma_semaphore, #tpu.memory_space<semaphore_mem>>
            %dma_start3A = arith.constant 0 : i32
            %dma_start3A_132 = tpu.memref_slice %arg5[%mul3A_119, %dma_start3A] : memref<25000x128xi32, #tpu.memory_space<hbm>> -> memref<8x128xi32, #tpu.memory_space<hbm>>
            %dma_start3A_133 = arith.constant 0 : i32
            %dma_start3A_134 = tpu.memref_slice %arg5[%mul3A_119, %dma_start3A_133] : memref<25000x128xi32, #tpu.memory_space<hbm>> -> memref<8x128xi32, #tpu.memory_space<hbm>>
            tpu.enqueue_dma source(%dma_start3A_134 : memref<8x128xi32, #tpu.memory_space<hbm>>) target(%arg11 : memref<8x128xi32, #tpu.memory_space<vmem>>) target_semaphore(%run_scoped3A : memref<!tpu.dma_semaphore, #tpu.memory_space<semaphore_mem>>)
            %dma_wait3A = arith.constant 0 : i32
            %dma_wait3A_135 = tpu.memref_slice %arg5[%mul3A_119, %dma_wait3A] : memref<25000x128xi32, #tpu.memory_space<hbm>> -> memref<8x128xi32, #tpu.memory_space<hbm>>
            %dma_wait3A_136 = arith.constant 0 : i32
            %dma_wait3A_137 = tpu.memref_slice %arg5[%mul3A_119, %dma_wait3A_136] : memref<25000x128xi32, #tpu.memory_space<hbm>> -> memref<8x128xi32, #tpu.memory_space<hbm>>
            tpu.wait_dma2 semaphore(%run_scoped3A : memref<!tpu.dma_semaphore, #tpu.memory_space<semaphore_mem>>) src(%dma_wait3A_137 : memref<8x128xi32, #tpu.memory_space<hbm>>) dst(%arg11 : memref<8x128xi32, #tpu.memory_space<vmem>>)
            tpu.yield
          }) : () -> ()
          %mul3A_120 = arith.constant 8 : i32
          %mul3A_121 = arith.muli %add3A_115, %mul3A_120 : i32
          "tpu.region"() ({
            %run_scoped3A = tpu.sem_alloc : memref<!tpu.dma_semaphore, #tpu.memory_space<semaphore_mem>>
            %dma_start3A = arith.constant 0 : i32
            %dma_start3A_132 = tpu.memref_slice %arg6[%mul3A_121, %dma_start3A] : memref<25000x128xi32, #tpu.memory_space<hbm>> -> memref<8x128xi32, #tpu.memory_space<hbm>>
            %dma_start3A_133 = arith.constant 0 : i32
            %dma_start3A_134 = tpu.memref_slice %arg6[%mul3A_121, %dma_start3A_133] : memref<25000x128xi32, #tpu.memory_space<hbm>> -> memref<8x128xi32, #tpu.memory_space<hbm>>
            tpu.enqueue_dma source(%dma_start3A_134 : memref<8x128xi32, #tpu.memory_space<hbm>>) target(%arg12 : memref<8x128xi32, #tpu.memory_space<vmem>>) target_semaphore(%run_scoped3A : memref<!tpu.dma_semaphore, #tpu.memory_space<semaphore_mem>>)
            %dma_wait3A = arith.constant 0 : i32
            %dma_wait3A_135 = tpu.memref_slice %arg6[%mul3A_121, %dma_wait3A] : memref<25000x128xi32, #tpu.memory_space<hbm>> -> memref<8x128xi32, #tpu.memory_space<hbm>>
            %dma_wait3A_136 = arith.constant 0 : i32
            %dma_wait3A_137 = tpu.memref_slice %arg6[%mul3A_121, %dma_wait3A_136] : memref<25000x128xi32, #tpu.memory_space<hbm>> -> memref<8x128xi32, #tpu.memory_space<hbm>>
            tpu.wait_dma2 semaphore(%run_scoped3A : memref<!tpu.dma_semaphore, #tpu.memory_space<semaphore_mem>>) src(%dma_wait3A_137 : memref<8x128xi32, #tpu.memory_space<hbm>>) dst(%arg12 : memref<8x128xi32, #tpu.memory_space<vmem>>)
            tpu.yield
          }) : () -> ()
          %mul3A_122 = arith.constant 8 : i32
          %mul3A_123 = arith.muli %add3A_115, %mul3A_122 : i32
          "tpu.region"() ({
            %run_scoped3A = tpu.sem_alloc : memref<!tpu.dma_semaphore, #tpu.memory_space<semaphore_mem>>
            %dma_start3A = arith.constant 0 : i32
            %dma_start3A_132 = tpu.memref_slice %arg7[%mul3A_123, %dma_start3A] : memref<25000x128xi32, #tpu.memory_space<hbm>> -> memref<8x128xi32, #tpu.memory_space<hbm>>
            %dma_start3A_133 = arith.constant 0 : i32
            %dma_start3A_134 = tpu.memref_slice %arg7[%mul3A_123, %dma_start3A_133] : memref<25000x128xi32, #tpu.memory_space<hbm>> -> memref<8x128xi32, #tpu.memory_space<hbm>>
            tpu.enqueue_dma source(%dma_start3A_134 : memref<8x128xi32, #tpu.memory_space<hbm>>) target(%arg13 : memref<8x128xi32, #tpu.memory_space<vmem>>) target_semaphore(%run_scoped3A : memref<!tpu.dma_semaphore, #tpu.memory_space<semaphore_mem>>)
            %dma_wait3A = arith.constant 0 : i32
            %dma_wait3A_135 = tpu.memref_slice %arg7[%mul3A_123, %dma_wait3A] : memref<25000x128xi32, #tpu.memory_space<hbm>> -> memref<8x128xi32, #tpu.memory_space<hbm>>
            %dma_wait3A_136 = arith.constant 0 : i32
            %dma_wait3A_137 = tpu.memref_slice %arg7[%mul3A_123, %dma_wait3A_136] : memref<25000x128xi32, #tpu.memory_space<hbm>> -> memref<8x128xi32, #tpu.memory_space<hbm>>
            tpu.wait_dma2 semaphore(%run_scoped3A : memref<!tpu.dma_semaphore, #tpu.memory_space<semaphore_mem>>) src(%dma_wait3A_137 : memref<8x128xi32, #tpu.memory_space<hbm>>) dst(%arg13 : memref<8x128xi32, #tpu.memory_space<vmem>>)
            tpu.yield
          }) : () -> ()
          %mul3A_124 = arith.constant 1024 : i32
          %mul3A_125 = arith.muli %add3A_115, %mul3A_124 : i32
          "tpu.region"() ({
            %run_scoped3A = tpu.sem_alloc : memref<!tpu.dma_semaphore, #tpu.memory_space<semaphore_mem>>
            %dma_start3A = tpu.memref_slice %arg8[%mul3A_125] : memref<3200000xf32, #tpu.memory_space<hbm>> -> memref<1024xf32, #tpu.memory_space<hbm>>
            %dma_start3A_132 = tpu.memref_slice %arg8[%mul3A_125] : memref<3200000xf32, #tpu.memory_space<hbm>> -> memref<1024xf32, #tpu.memory_space<hbm>>
            tpu.enqueue_dma source(%dma_start3A_132 : memref<1024xf32, #tpu.memory_space<hbm>>) target(%arg34 : memref<1024xf32, #tpu.memory_space<vmem>>) target_semaphore(%run_scoped3A : memref<!tpu.dma_semaphore, #tpu.memory_space<semaphore_mem>>)
            %dma_wait3A = tpu.memref_slice %arg8[%mul3A_125] : memref<3200000xf32, #tpu.memory_space<hbm>> -> memref<1024xf32, #tpu.memory_space<hbm>>
            %dma_wait3A_133 = tpu.memref_slice %arg8[%mul3A_125] : memref<3200000xf32, #tpu.memory_space<hbm>> -> memref<1024xf32, #tpu.memory_space<hbm>>
            tpu.wait_dma2 semaphore(%run_scoped3A : memref<!tpu.dma_semaphore, #tpu.memory_space<semaphore_mem>>) src(%dma_wait3A_133 : memref<1024xf32, #tpu.memory_space<hbm>>) dst(%arg34 : memref<1024xf32, #tpu.memory_space<vmem>>)
            tpu.yield
          }) : () -> ()
          %scan3A_126 = arith.constant 0 : i32
          %scan3A_127 = arith.constant 0 : i32
          %scan3A_128 = arith.constant 8 : i32
          %scan3A_129 = arith.addi %scan3A_127, %scan3A_128 : i32
          %scan3A_130 = arith.constant 1 : i32
          scf.for %scan3A_132 = %scan3A_127 to %scan3A_129 step %scan3A_130  : i32 {
            %mul3A_133 = arith.constant 128 : i32
            %mul3A_134 = arith.muli %scan3A_132, %mul3A_133 : i32
            %dma_start3A = tpu.memref_slice %arg18[%mul3A_134] : memref<1024xi32, #tpu.memory_space<vmem>> -> memref<128xi32, #tpu.memory_space<vmem>>
            %dma_start3A_135 = arith.constant 0 : i32
            %dma_start3A_136 = tpu.memref_slice %arg10[%scan3A_132, %dma_start3A_135] : memref<8x128xi32, #tpu.memory_space<vmem>> -> memref<1x128xi32, #tpu.memory_space<vmem>>
            %dma_start3A_137 = tpu.memref_squeeze %dma_start3A_136 : memref<1x128xi32, #tpu.memory_space<vmem>> -> memref<128xi32, #tpu.memory_space<vmem>>
            %dma_start3A_138 = arith.constant 0 : i32
            %dma_start3A_139 = tpu.memref_slice %arg40[%dma_start3A_138] : memref<100000xi32, #tpu.memory_space<vmem_shared>> -> memref<100000xi32, #tpu.memory_space<vmem_shared>>
            tpu.enqueue_indirect_dma source(%dma_start3A_139 : memref<100000xi32, #tpu.memory_space<vmem_shared>>) target(%dma_start3A : memref<128xi32, #tpu.memory_space<vmem>>) offsets(%dma_start3A_137 : memref<128xi32, #tpu.memory_space<vmem>>) semaphore(%arg38 : memref<!tpu.dma_semaphore, #tpu.memory_space<semaphore_mem>>)
            %mul3A_140 = arith.constant 128 : i32
            %mul3A_141 = arith.muli %scan3A_132, %mul3A_140 : i32
            %dma_start3A_142 = tpu.memref_slice %arg26[%mul3A_141] : memref<1024xf32, #tpu.memory_space<vmem>> -> memref<128xf32, #tpu.memory_space<vmem>>
            %dma_start3A_143 = arith.constant 0 : i32
            %dma_start3A_144 = tpu.memref_slice %arg10[%scan3A_132, %dma_start3A_143] : memref<8x128xi32, #tpu.memory_space<vmem>> -> memref<1x128xi32, #tpu.memory_space<vmem>>
            %dma_start3A_145 = tpu.memref_squeeze %dma_start3A_144 : memref<1x128xi32, #tpu.memory_space<vmem>> -> memref<128xi32, #tpu.memory_space<vmem>>
            %dma_start3A_146 = arith.constant 0 : i32
            %dma_start3A_147 = tpu.memref_slice %arg41[%dma_start3A_146] : memref<100000xf32, #tpu.memory_space<vmem_shared>> -> memref<100000xf32, #tpu.memory_space<vmem_shared>>
            tpu.enqueue_indirect_dma source(%dma_start3A_147 : memref<100000xf32, #tpu.memory_space<vmem_shared>>) target(%dma_start3A_142 : memref<128xf32, #tpu.memory_space<vmem>>) offsets(%dma_start3A_145 : memref<128xi32, #tpu.memory_space<vmem>>) semaphore(%arg38 : memref<!tpu.dma_semaphore, #tpu.memory_space<semaphore_mem>>)
            %mul3A_148 = arith.constant 128 : i32
            %mul3A_149 = arith.muli %scan3A_132, %mul3A_148 : i32
            %dma_start3A_150 = tpu.memref_slice %arg19[%mul3A_149] : memref<1024xi32, #tpu.memory_space<vmem>> -> memref<128xi32, #tpu.memory_space<vmem>>
            %dma_start3A_151 = arith.constant 0 : i32
            %dma_start3A_152 = tpu.memref_slice %arg11[%scan3A_132, %dma_start3A_151] : memref<8x128xi32, #tpu.memory_space<vmem>> -> memref<1x128xi32, #tpu.memory_space<vmem>>
            %dma_start3A_153 = tpu.memref_squeeze %dma_start3A_152 : memref<1x128xi32, #tpu.memory_space<vmem>> -> memref<128xi32, #tpu.memory_space<vmem>>
            %dma_start3A_154 = arith.constant 0 : i32
            %dma_start3A_155 = tpu.memref_slice %arg40[%dma_start3A_154] : memref<100000xi32, #tpu.memory_space<vmem_shared>> -> memref<100000xi32, #tpu.memory_space<vmem_shared>>
            tpu.enqueue_indirect_dma source(%dma_start3A_155 : memref<100000xi32, #tpu.memory_space<vmem_shared>>) target(%dma_start3A_150 : memref<128xi32, #tpu.memory_space<vmem>>) offsets(%dma_start3A_153 : memref<128xi32, #tpu.memory_space<vmem>>) semaphore(%arg38 : memref<!tpu.dma_semaphore, #tpu.memory_space<semaphore_mem>>)
            %mul3A_156 = arith.constant 128 : i32
            %mul3A_157 = arith.muli %scan3A_132, %mul3A_156 : i32
            %dma_start3A_158 = tpu.memref_slice %arg27[%mul3A_157] : memref<1024xf32, #tpu.memory_space<vmem>> -> memref<128xf32, #tpu.memory_space<vmem>>
            %dma_start3A_159 = arith.constant 0 : i32
            %dma_start3A_160 = tpu.memref_slice %arg11[%scan3A_132, %dma_start3A_159] : memref<8x128xi32, #tpu.memory_space<vmem>> -> memref<1x128xi32, #tpu.memory_space<vmem>>
            %dma_start3A_161 = tpu.memref_squeeze %dma_start3A_160 : memref<1x128xi32, #tpu.memory_space<vmem>> -> memref<128xi32, #tpu.memory_space<vmem>>
            %dma_start3A_162 = arith.constant 0 : i32
            %dma_start3A_163 = tpu.memref_slice %arg41[%dma_start3A_162] : memref<100000xf32, #tpu.memory_space<vmem_shared>> -> memref<100000xf32, #tpu.memory_space<vmem_shared>>
            tpu.enqueue_indirect_dma source(%dma_start3A_163 : memref<100000xf32, #tpu.memory_space<vmem_shared>>) target(%dma_start3A_158 : memref<128xf32, #tpu.memory_space<vmem>>) offsets(%dma_start3A_161 : memref<128xi32, #tpu.memory_space<vmem>>) semaphore(%arg38 : memref<!tpu.dma_semaphore, #tpu.memory_space<semaphore_mem>>)
            %mul3A_164 = arith.constant 128 : i32
            %mul3A_165 = arith.muli %scan3A_132, %mul3A_164 : i32
            %dma_start3A_166 = tpu.memref_slice %arg20[%mul3A_165] : memref<1024xi32, #tpu.memory_space<vmem>> -> memref<128xi32, #tpu.memory_space<vmem>>
            %dma_start3A_167 = arith.constant 0 : i32
            %dma_start3A_168 = tpu.memref_slice %arg12[%scan3A_132, %dma_start3A_167] : memref<8x128xi32, #tpu.memory_space<vmem>> -> memref<1x128xi32, #tpu.memory_space<vmem>>
            %dma_start3A_169 = tpu.memref_squeeze %dma_start3A_168 : memref<1x128xi32, #tpu.memory_space<vmem>> -> memref<128xi32, #tpu.memory_space<vmem>>
            %dma_start3A_170 = arith.constant 0 : i32
            %dma_start3A_171 = tpu.memref_slice %arg40[%dma_start3A_170] : memref<100000xi32, #tpu.memory_space<vmem_shared>> -> memref<100000xi32, #tpu.memory_space<vmem_shared>>
            tpu.enqueue_indirect_dma source(%dma_start3A_171 : memref<100000xi32, #tpu.memory_space<vmem_shared>>) target(%dma_start3A_166 : memref<128xi32, #tpu.memory_space<vmem>>) offsets(%dma_start3A_169 : memref<128xi32, #tpu.memory_space<vmem>>) semaphore(%arg38 : memref<!tpu.dma_semaphore, #tpu.memory_space<semaphore_mem>>)
            %mul3A_172 = arith.constant 128 : i32
            %mul3A_173 = arith.muli %scan3A_132, %mul3A_172 : i32
            %dma_start3A_174 = tpu.memref_slice %arg28[%mul3A_173] : memref<1024xf32, #tpu.memory_space<vmem>> -> memref<128xf32, #tpu.memory_space<vmem>>
            %dma_start3A_175 = arith.constant 0 : i32
            %dma_start3A_176 = tpu.memref_slice %arg12[%scan3A_132, %dma_start3A_175] : memref<8x128xi32, #tpu.memory_space<vmem>> -> memref<1x128xi32, #tpu.memory_space<vmem>>
            %dma_start3A_177 = tpu.memref_squeeze %dma_start3A_176 : memref<1x128xi32, #tpu.memory_space<vmem>> -> memref<128xi32, #tpu.memory_space<vmem>>
            %dma_start3A_178 = arith.constant 0 : i32
            %dma_start3A_179 = tpu.memref_slice %arg41[%dma_start3A_178] : memref<100000xf32, #tpu.memory_space<vmem_shared>> -> memref<100000xf32, #tpu.memory_space<vmem_shared>>
            tpu.enqueue_indirect_dma source(%dma_start3A_179 : memref<100000xf32, #tpu.memory_space<vmem_shared>>) target(%dma_start3A_174 : memref<128xf32, #tpu.memory_space<vmem>>) offsets(%dma_start3A_177 : memref<128xi32, #tpu.memory_space<vmem>>) semaphore(%arg38 : memref<!tpu.dma_semaphore, #tpu.memory_space<semaphore_mem>>)
            %mul3A_180 = arith.constant 128 : i32
            %mul3A_181 = arith.muli %scan3A_132, %mul3A_180 : i32
            %dma_start3A_182 = tpu.memref_slice %arg21[%mul3A_181] : memref<1024xi32, #tpu.memory_space<vmem>> -> memref<128xi32, #tpu.memory_space<vmem>>
            %dma_start3A_183 = arith.constant 0 : i32
            %dma_start3A_184 = tpu.memref_slice %arg13[%scan3A_132, %dma_start3A_183] : memref<8x128xi32, #tpu.memory_space<vmem>> -> memref<1x128xi32, #tpu.memory_space<vmem>>
            %dma_start3A_185 = tpu.memref_squeeze %dma_start3A_184 : memref<1x128xi32, #tpu.memory_space<vmem>> -> memref<128xi32, #tpu.memory_space<vmem>>
            %dma_start3A_186 = arith.constant 0 : i32
            %dma_start3A_187 = tpu.memref_slice %arg40[%dma_start3A_186] : memref<100000xi32, #tpu.memory_space<vmem_shared>> -> memref<100000xi32, #tpu.memory_space<vmem_shared>>
            tpu.enqueue_indirect_dma source(%dma_start3A_187 : memref<100000xi32, #tpu.memory_space<vmem_shared>>) target(%dma_start3A_182 : memref<128xi32, #tpu.memory_space<vmem>>) offsets(%dma_start3A_185 : memref<128xi32, #tpu.memory_space<vmem>>) semaphore(%arg38 : memref<!tpu.dma_semaphore, #tpu.memory_space<semaphore_mem>>)
            %mul3A_188 = arith.constant 128 : i32
            %mul3A_189 = arith.muli %scan3A_132, %mul3A_188 : i32
            %dma_start3A_190 = tpu.memref_slice %arg29[%mul3A_189] : memref<1024xf32, #tpu.memory_space<vmem>> -> memref<128xf32, #tpu.memory_space<vmem>>
            %dma_start3A_191 = arith.constant 0 : i32
            %dma_start3A_192 = tpu.memref_slice %arg13[%scan3A_132, %dma_start3A_191] : memref<8x128xi32, #tpu.memory_space<vmem>> -> memref<1x128xi32, #tpu.memory_space<vmem>>
            %dma_start3A_193 = tpu.memref_squeeze %dma_start3A_192 : memref<1x128xi32, #tpu.memory_space<vmem>> -> memref<128xi32, #tpu.memory_space<vmem>>
            %dma_start3A_194 = arith.constant 0 : i32
            %dma_start3A_195 = tpu.memref_slice %arg41[%dma_start3A_194] : memref<100000xf32, #tpu.memory_space<vmem_shared>> -> memref<100000xf32, #tpu.memory_space<vmem_shared>>
            tpu.enqueue_indirect_dma source(%dma_start3A_195 : memref<100000xf32, #tpu.memory_space<vmem_shared>>) target(%dma_start3A_190 : memref<128xf32, #tpu.memory_space<vmem>>) offsets(%dma_start3A_193 : memref<128xi32, #tpu.memory_space<vmem>>) semaphore(%arg38 : memref<!tpu.dma_semaphore, #tpu.memory_space<semaphore_mem>>)
          }
          %scan3A_131 = arith.constant 8 : i32
        } else {
        }
        %scan3A_91 = arith.constant 0 : i32
        %scan3A_92 = arith.constant 0 : i32
        %scan3A_93 = arith.constant 8 : i32
        %scan3A_94 = arith.addi %scan3A_92, %scan3A_93 : i32
        %scan3A_95 = arith.constant 1 : i32
        scf.for %scan3A_111 = %scan3A_92 to %scan3A_94 step %scan3A_95  : i32 {
          %mul3A_112 = arith.constant 128 : i32
          %mul3A_113 = arith.muli %scan3A_111, %mul3A_112 : i32
          %dma_wait3A = tpu.memref_slice %arg22[%mul3A_113] : memref<1024xi32, #tpu.memory_space<vmem>> -> memref<128xi32, #tpu.memory_space<vmem>>
          %dma_wait3A_114 = arith.constant 0 : i32
          %dma_wait3A_115 = tpu.memref_slice %arg14[%scan3A_111, %dma_wait3A_114] : memref<8x128xi32, #tpu.memory_space<vmem>> -> memref<1x128xi32, #tpu.memory_space<vmem>>
          %dma_wait3A_116 = tpu.memref_squeeze %dma_wait3A_115 : memref<1x128xi32, #tpu.memory_space<vmem>> -> memref<128xi32, #tpu.memory_space<vmem>>
          %dma_wait3A_117 = arith.constant 0 : i32
          %dma_wait3A_118 = tpu.memref_slice %arg40[%dma_wait3A_117] : memref<100000xi32, #tpu.memory_space<vmem_shared>> -> memref<100000xi32, #tpu.memory_space<vmem_shared>>
          tpu.wait_indirect_dma semaphore(%arg39 : memref<!tpu.dma_semaphore, #tpu.memory_space<semaphore_mem>>) src(%dma_wait3A_118 : memref<100000xi32, #tpu.memory_space<vmem_shared>>) dst(%dma_wait3A : memref<128xi32, #tpu.memory_space<vmem>>)
          %mul3A_119 = arith.constant 128 : i32
          %mul3A_120 = arith.muli %scan3A_111, %mul3A_119 : i32
          %dma_wait3A_121 = tpu.memref_slice %arg30[%mul3A_120] : memref<1024xf32, #tpu.memory_space<vmem>> -> memref<128xf32, #tpu.memory_space<vmem>>
          %dma_wait3A_122 = arith.constant 0 : i32
          %dma_wait3A_123 = tpu.memref_slice %arg14[%scan3A_111, %dma_wait3A_122] : memref<8x128xi32, #tpu.memory_space<vmem>> -> memref<1x128xi32, #tpu.memory_space<vmem>>
          %dma_wait3A_124 = tpu.memref_squeeze %dma_wait3A_123 : memref<1x128xi32, #tpu.memory_space<vmem>> -> memref<128xi32, #tpu.memory_space<vmem>>
          %dma_wait3A_125 = arith.constant 0 : i32
          %dma_wait3A_126 = tpu.memref_slice %arg41[%dma_wait3A_125] : memref<100000xf32, #tpu.memory_space<vmem_shared>> -> memref<100000xf32, #tpu.memory_space<vmem_shared>>
          tpu.wait_indirect_dma semaphore(%arg39 : memref<!tpu.dma_semaphore, #tpu.memory_space<semaphore_mem>>) src(%dma_wait3A_126 : memref<100000xf32, #tpu.memory_space<vmem_shared>>) dst(%dma_wait3A_121 : memref<128xf32, #tpu.memory_space<vmem>>)
          %mul3A_127 = arith.constant 128 : i32
          %mul3A_128 = arith.muli %scan3A_111, %mul3A_127 : i32
          %dma_wait3A_129 = tpu.memref_slice %arg23[%mul3A_128] : memref<1024xi32, #tpu.memory_space<vmem>> -> memref<128xi32, #tpu.memory_space<vmem>>
          %dma_wait3A_130 = arith.constant 0 : i32
          %dma_wait3A_131 = tpu.memref_slice %arg15[%scan3A_111, %dma_wait3A_130] : memref<8x128xi32, #tpu.memory_space<vmem>> -> memref<1x128xi32, #tpu.memory_space<vmem>>
          %dma_wait3A_132 = tpu.memref_squeeze %dma_wait3A_131 : memref<1x128xi32, #tpu.memory_space<vmem>> -> memref<128xi32, #tpu.memory_space<vmem>>
          %dma_wait3A_133 = arith.constant 0 : i32
          %dma_wait3A_134 = tpu.memref_slice %arg40[%dma_wait3A_133] : memref<100000xi32, #tpu.memory_space<vmem_shared>> -> memref<100000xi32, #tpu.memory_space<vmem_shared>>
          tpu.wait_indirect_dma semaphore(%arg39 : memref<!tpu.dma_semaphore, #tpu.memory_space<semaphore_mem>>) src(%dma_wait3A_134 : memref<100000xi32, #tpu.memory_space<vmem_shared>>) dst(%dma_wait3A_129 : memref<128xi32, #tpu.memory_space<vmem>>)
          %mul3A_135 = arith.constant 128 : i32
          %mul3A_136 = arith.muli %scan3A_111, %mul3A_135 : i32
          %dma_wait3A_137 = tpu.memref_slice %arg31[%mul3A_136] : memref<1024xf32, #tpu.memory_space<vmem>> -> memref<128xf32, #tpu.memory_space<vmem>>
          %dma_wait3A_138 = arith.constant 0 : i32
          %dma_wait3A_139 = tpu.memref_slice %arg15[%scan3A_111, %dma_wait3A_138] : memref<8x128xi32, #tpu.memory_space<vmem>> -> memref<1x128xi32, #tpu.memory_space<vmem>>
          %dma_wait3A_140 = tpu.memref_squeeze %dma_wait3A_139 : memref<1x128xi32, #tpu.memory_space<vmem>> -> memref<128xi32, #tpu.memory_space<vmem>>
          %dma_wait3A_141 = arith.constant 0 : i32
          %dma_wait3A_142 = tpu.memref_slice %arg41[%dma_wait3A_141] : memref<100000xf32, #tpu.memory_space<vmem_shared>> -> memref<100000xf32, #tpu.memory_space<vmem_shared>>
          tpu.wait_indirect_dma semaphore(%arg39 : memref<!tpu.dma_semaphore, #tpu.memory_space<semaphore_mem>>) src(%dma_wait3A_142 : memref<100000xf32, #tpu.memory_space<vmem_shared>>) dst(%dma_wait3A_137 : memref<128xf32, #tpu.memory_space<vmem>>)
          %mul3A_143 = arith.constant 128 : i32
          %mul3A_144 = arith.muli %scan3A_111, %mul3A_143 : i32
          %dma_wait3A_145 = tpu.memref_slice %arg24[%mul3A_144] : memref<1024xi32, #tpu.memory_space<vmem>> -> memref<128xi32, #tpu.memory_space<vmem>>
          %dma_wait3A_146 = arith.constant 0 : i32
          %dma_wait3A_147 = tpu.memref_slice %arg16[%scan3A_111, %dma_wait3A_146] : memref<8x128xi32, #tpu.memory_space<vmem>> -> memref<1x128xi32, #tpu.memory_space<vmem>>
          %dma_wait3A_148 = tpu.memref_squeeze %dma_wait3A_147 : memref<1x128xi32, #tpu.memory_space<vmem>> -> memref<128xi32, #tpu.memory_space<vmem>>
          %dma_wait3A_149 = arith.constant 0 : i32
          %dma_wait3A_150 = tpu.memref_slice %arg40[%dma_wait3A_149] : memref<100000xi32, #tpu.memory_space<vmem_shared>> -> memref<100000xi32, #tpu.memory_space<vmem_shared>>
          tpu.wait_indirect_dma semaphore(%arg39 : memref<!tpu.dma_semaphore, #tpu.memory_space<semaphore_mem>>) src(%dma_wait3A_150 : memref<100000xi32, #tpu.memory_space<vmem_shared>>) dst(%dma_wait3A_145 : memref<128xi32, #tpu.memory_space<vmem>>)
          %mul3A_151 = arith.constant 128 : i32
          %mul3A_152 = arith.muli %scan3A_111, %mul3A_151 : i32
          %dma_wait3A_153 = tpu.memref_slice %arg32[%mul3A_152] : memref<1024xf32, #tpu.memory_space<vmem>> -> memref<128xf32, #tpu.memory_space<vmem>>
          %dma_wait3A_154 = arith.constant 0 : i32
          %dma_wait3A_155 = tpu.memref_slice %arg16[%scan3A_111, %dma_wait3A_154] : memref<8x128xi32, #tpu.memory_space<vmem>> -> memref<1x128xi32, #tpu.memory_space<vmem>>
          %dma_wait3A_156 = tpu.memref_squeeze %dma_wait3A_155 : memref<1x128xi32, #tpu.memory_space<vmem>> -> memref<128xi32, #tpu.memory_space<vmem>>
          %dma_wait3A_157 = arith.constant 0 : i32
          %dma_wait3A_158 = tpu.memref_slice %arg41[%dma_wait3A_157] : memref<100000xf32, #tpu.memory_space<vmem_shared>> -> memref<100000xf32, #tpu.memory_space<vmem_shared>>
          tpu.wait_indirect_dma semaphore(%arg39 : memref<!tpu.dma_semaphore, #tpu.memory_space<semaphore_mem>>) src(%dma_wait3A_158 : memref<100000xf32, #tpu.memory_space<vmem_shared>>) dst(%dma_wait3A_153 : memref<128xf32, #tpu.memory_space<vmem>>)
          %mul3A_159 = arith.constant 128 : i32
          %mul3A_160 = arith.muli %scan3A_111, %mul3A_159 : i32
          %dma_wait3A_161 = tpu.memref_slice %arg25[%mul3A_160] : memref<1024xi32, #tpu.memory_space<vmem>> -> memref<128xi32, #tpu.memory_space<vmem>>
          %dma_wait3A_162 = arith.constant 0 : i32
          %dma_wait3A_163 = tpu.memref_slice %arg17[%scan3A_111, %dma_wait3A_162] : memref<8x128xi32, #tpu.memory_space<vmem>> -> memref<1x128xi32, #tpu.memory_space<vmem>>
          %dma_wait3A_164 = tpu.memref_squeeze %dma_wait3A_163 : memref<1x128xi32, #tpu.memory_space<vmem>> -> memref<128xi32, #tpu.memory_space<vmem>>
          %dma_wait3A_165 = arith.constant 0 : i32
          %dma_wait3A_166 = tpu.memref_slice %arg40[%dma_wait3A_165] : memref<100000xi32, #tpu.memory_space<vmem_shared>> -> memref<100000xi32, #tpu.memory_space<vmem_shared>>
          tpu.wait_indirect_dma semaphore(%arg39 : memref<!tpu.dma_semaphore, #tpu.memory_space<semaphore_mem>>) src(%dma_wait3A_166 : memref<100000xi32, #tpu.memory_space<vmem_shared>>) dst(%dma_wait3A_161 : memref<128xi32, #tpu.memory_space<vmem>>)
          %mul3A_167 = arith.constant 128 : i32
          %mul3A_168 = arith.muli %scan3A_111, %mul3A_167 : i32
          %dma_wait3A_169 = tpu.memref_slice %arg33[%mul3A_168] : memref<1024xf32, #tpu.memory_space<vmem>> -> memref<128xf32, #tpu.memory_space<vmem>>
          %dma_wait3A_170 = arith.constant 0 : i32
          %dma_wait3A_171 = tpu.memref_slice %arg17[%scan3A_111, %dma_wait3A_170] : memref<8x128xi32, #tpu.memory_space<vmem>> -> memref<1x128xi32, #tpu.memory_space<vmem>>
          %dma_wait3A_172 = tpu.memref_squeeze %dma_wait3A_171 : memref<1x128xi32, #tpu.memory_space<vmem>> -> memref<128xi32, #tpu.memory_space<vmem>>
          %dma_wait3A_173 = arith.constant 0 : i32
          %dma_wait3A_174 = tpu.memref_slice %arg41[%dma_wait3A_173] : memref<100000xf32, #tpu.memory_space<vmem_shared>> -> memref<100000xf32, #tpu.memory_space<vmem_shared>>
          tpu.wait_indirect_dma semaphore(%arg39 : memref<!tpu.dma_semaphore, #tpu.memory_space<semaphore_mem>>) src(%dma_wait3A_174 : memref<100000xf32, #tpu.memory_space<vmem_shared>>) dst(%dma_wait3A_169 : memref<128xf32, #tpu.memory_space<vmem>>)
        }
        %scan3A_96 = arith.constant 8 : i32
        %add3A_97 = arith.constant 1 : i32
        %add3A_98 = arith.addi %mul3A_55, %add3A_97 : i32
        %scan3A_99 = arith.constant 0 : i32
        %scan3A_100 = arith.constant -65536 : i32
        %scan3A_101 = arith.constant 0 : i32
        %scan3A_102 = arith.constant 64 : i32
        %scan3A_103 = arith.addi %scan3A_101, %scan3A_102 : i32
        %scan3A_104 = arith.constant 1 : i32
        scf.for %scan3A_111 = %scan3A_101 to %scan3A_103 step %scan3A_104  : i32 {
          %mul3A_112 = arith.constant 16 : i32
          %mul3A_113 = arith.muli %scan3A_111, %mul3A_112 : i32
          %get3A = arith.index_cast %mul3A_113 : i32 to index
          %get3A_114 = tpu.vector_load %arg22[%get3A] {strides = array<i32>} : memref<1024xi32, #tpu.memory_space<vmem>>, vector<16xi32>,
          %get3A_115 = vector.shape_cast %get3A_114 : vector<16xi32> to vector<16xi32>
          %and3A_116 = vector.broadcast %scan3A_100 : i32 to vector<16xi32>
          %and3A_117 = arith.andi %get3A_115, %and3A_116 : vector<16xi32>
          %bitcast_convert_type3A = tpu.bitcast %and3A_117 : vector<16xi32> -> vector<16xf32>
          %shift_left3A = arith.constant 16 : i32
          %shift_left3A_118 = vector.broadcast %shift_left3A : i32 to vector<16xi32>
          %shift_left3A_119 = arith.shli %get3A_115, %shift_left3A_118 : vector<16xi32>
          %bitcast_convert_type3A_120 = tpu.bitcast %shift_left3A_119 : vector<16xi32> -> vector<16xf32>
          %get3A_121 = arith.index_cast %mul3A_113 : i32 to index
          %get3A_122 = tpu.vector_load %arg30[%get3A_121] {strides = array<i32>} : memref<1024xf32, #tpu.memory_space<vmem>>, vector<16xf32>,
          %get3A_123 = vector.shape_cast %get3A_122 : vector<16xf32> to vector<16xf32>
          %get3A_124 = arith.index_cast %mul3A_113 : i32 to index
          %get3A_125 = tpu.vector_load %arg23[%get3A_124] {strides = array<i32>} : memref<1024xi32, #tpu.memory_space<vmem>>, vector<16xi32>,
          %get3A_126 = vector.shape_cast %get3A_125 : vector<16xi32> to vector<16xi32>
          %and3A_127 = vector.broadcast %scan3A_100 : i32 to vector<16xi32>
          %and3A_128 = arith.andi %get3A_126, %and3A_127 : vector<16xi32>
          %bitcast_convert_type3A_129 = tpu.bitcast %and3A_128 : vector<16xi32> -> vector<16xf32>
          %shift_left3A_130 = arith.constant 16 : i32
          %shift_left3A_131 = vector.broadcast %shift_left3A_130 : i32 to vector<16xi32>
          %shift_left3A_132 = arith.shli %get3A_126, %shift_left3A_131 : vector<16xi32>
          %bitcast_convert_type3A_133 = tpu.bitcast %shift_left3A_132 : vector<16xi32> -> vector<16xf32>
          %get3A_134 = arith.index_cast %mul3A_113 : i32 to index
          %get3A_135 = tpu.vector_load %arg31[%get3A_134] {strides = array<i32>} : memref<1024xf32, #tpu.memory_space<vmem>>, vector<16xf32>,
          %get3A_136 = vector.shape_cast %get3A_135 : vector<16xf32> to vector<16xf32>
          %get3A_137 = arith.index_cast %mul3A_113 : i32 to index
          %get3A_138 = tpu.vector_load %arg24[%get3A_137] {strides = array<i32>} : memref<1024xi32, #tpu.memory_space<vmem>>, vector<16xi32>,
          %get3A_139 = vector.shape_cast %get3A_138 : vector<16xi32> to vector<16xi32>
          %and3A_140 = vector.broadcast %scan3A_100 : i32 to vector<16xi32>
          %and3A_141 = arith.andi %get3A_139, %and3A_140 : vector<16xi32>
          %bitcast_convert_type3A_142 = tpu.bitcast %and3A_141 : vector<16xi32> -> vector<16xf32>
          %shift_left3A_143 = arith.constant 16 : i32
          %shift_left3A_144 = vector.broadcast %shift_left3A_143 : i32 to vector<16xi32>
          %shift_left3A_145 = arith.shli %get3A_139, %shift_left3A_144 : vector<16xi32>
          %bitcast_convert_type3A_146 = tpu.bitcast %shift_left3A_145 : vector<16xi32> -> vector<16xf32>
          %get3A_147 = arith.index_cast %mul3A_113 : i32 to index
          %get3A_148 = tpu.vector_load %arg32[%get3A_147] {strides = array<i32>} : memref<1024xf32, #tpu.memory_space<vmem>>, vector<16xf32>,
          %get3A_149 = vector.shape_cast %get3A_148 : vector<16xf32> to vector<16xf32>
          %get3A_150 = arith.index_cast %mul3A_113 : i32 to index
          %get3A_151 = tpu.vector_load %arg25[%get3A_150] {strides = array<i32>} : memref<1024xi32, #tpu.memory_space<vmem>>, vector<16xi32>,
          %get3A_152 = vector.shape_cast %get3A_151 : vector<16xi32> to vector<16xi32>
          %and3A_153 = vector.broadcast %scan3A_100 : i32 to vector<16xi32>
          %and3A_154 = arith.andi %get3A_152, %and3A_153 : vector<16xi32>
          %bitcast_convert_type3A_155 = tpu.bitcast %and3A_154 : vector<16xi32> -> vector<16xf32>
          %shift_left3A_156 = arith.constant 16 : i32
          %shift_left3A_157 = vector.broadcast %shift_left3A_156 : i32 to vector<16xi32>
          %shift_left3A_158 = arith.shli %get3A_152, %shift_left3A_157 : vector<16xi32>
          %bitcast_convert_type3A_159 = tpu.bitcast %shift_left3A_158 : vector<16xi32> -> vector<16xf32>
          %get3A_160 = arith.index_cast %mul3A_113 : i32 to index
          %get3A_161 = tpu.vector_load %arg33[%get3A_160] {strides = array<i32>} : memref<1024xf32, #tpu.memory_space<vmem>>, vector<16xf32>,
          %get3A_162 = vector.shape_cast %get3A_161 : vector<16xf32> to vector<16xf32>
          %sub3A_163 = arith.subf %bitcast_convert_type3A, %bitcast_convert_type3A_129 : vector<16xf32>
          %sub3A_164 = arith.subf %bitcast_convert_type3A_120, %bitcast_convert_type3A_133 : vector<16xf32>
          %sub3A_165 = arith.subf %get3A_123, %get3A_136 : vector<16xf32>
          %mul3A_166 = arith.mulf %sub3A_163, %sub3A_163 : vector<16xf32>
          %mul3A_167 = arith.mulf %sub3A_164, %sub3A_164 : vector<16xf32>
          %add3A_168 = arith.addf %mul3A_166, %mul3A_167 : vector<16xf32>
          %mul3A_169 = arith.mulf %sub3A_165, %sub3A_165 : vector<16xf32>
          %add3A_170 = arith.addf %add3A_168, %mul3A_169 : vector<16xf32>
          %sub3A_171 = arith.subf %bitcast_convert_type3A, %bitcast_convert_type3A_142 : vector<16xf32>
          %sub3A_172 = arith.subf %bitcast_convert_type3A_120, %bitcast_convert_type3A_146 : vector<16xf32>
          %sub3A_173 = arith.subf %get3A_123, %get3A_149 : vector<16xf32>
          %mul3A_174 = arith.mulf %sub3A_171, %sub3A_171 : vector<16xf32>
          %mul3A_175 = arith.mulf %sub3A_172, %sub3A_172 : vector<16xf32>
          %add3A_176 = arith.addf %mul3A_174, %mul3A_175 : vector<16xf32>
          %mul3A_177 = arith.mulf %sub3A_173, %sub3A_173 : vector<16xf32>
          %add3A_178 = arith.addf %add3A_176, %mul3A_177 : vector<16xf32>
          %min3A = arith.minimumf %add3A_170, %add3A_178 : vector<16xf32>
          %sub3A_179 = arith.subf %bitcast_convert_type3A, %bitcast_convert_type3A_155 : vector<16xf32>
          %sub3A_180 = arith.subf %bitcast_convert_type3A_120, %bitcast_convert_type3A_159 : vector<16xf32>
          %sub3A_181 = arith.subf %get3A_123, %get3A_162 : vector<16xf32>
          %mul3A_182 = arith.mulf %sub3A_179, %sub3A_179 : vector<16xf32>
          %mul3A_183 = arith.mulf %sub3A_180, %sub3A_180 : vector<16xf32>
          %add3A_184 = arith.addf %mul3A_182, %mul3A_183 : vector<16xf32>
          %mul3A_185 = arith.mulf %sub3A_181, %sub3A_181 : vector<16xf32>
          %add3A_186 = arith.addf %add3A_184, %mul3A_185 : vector<16xf32>
          %min3A_187 = arith.minimumf %min3A, %add3A_186 : vector<16xf32>
          %sub3A_188 = arith.subf %bitcast_convert_type3A_129, %bitcast_convert_type3A_142 : vector<16xf32>
          %sub3A_189 = arith.subf %bitcast_convert_type3A_133, %bitcast_convert_type3A_146 : vector<16xf32>
          %sub3A_190 = arith.subf %get3A_136, %get3A_149 : vector<16xf32>
          %mul3A_191 = arith.mulf %sub3A_188, %sub3A_188 : vector<16xf32>
          %mul3A_192 = arith.mulf %sub3A_189, %sub3A_189 : vector<16xf32>
          %add3A_193 = arith.addf %mul3A_191, %mul3A_192 : vector<16xf32>
          %mul3A_194 = arith.mulf %sub3A_190, %sub3A_190 : vector<16xf32>
          %add3A_195 = arith.addf %add3A_193, %mul3A_194 : vector<16xf32>
          %min3A_196 = arith.minimumf %min3A_187, %add3A_195 : vector<16xf32>
          %sub3A_197 = arith.subf %bitcast_convert_type3A_129, %bitcast_convert_type3A_155 : vector<16xf32>
          %sub3A_198 = arith.subf %bitcast_convert_type3A_133, %bitcast_convert_type3A_159 : vector<16xf32>
          %sub3A_199 = arith.subf %get3A_136, %get3A_162 : vector<16xf32>
          %mul3A_200 = arith.mulf %sub3A_197, %sub3A_197 : vector<16xf32>
          %mul3A_201 = arith.mulf %sub3A_198, %sub3A_198 : vector<16xf32>
          %add3A_202 = arith.addf %mul3A_200, %mul3A_201 : vector<16xf32>
          %mul3A_203 = arith.mulf %sub3A_199, %sub3A_199 : vector<16xf32>
          %add3A_204 = arith.addf %add3A_202, %mul3A_203 : vector<16xf32>
          %min3A_205 = arith.minimumf %min3A_196, %add3A_204 : vector<16xf32>
          %sub3A_206 = arith.subf %bitcast_convert_type3A_142, %bitcast_convert_type3A_155 : vector<16xf32>
          %sub3A_207 = arith.subf %bitcast_convert_type3A_146, %bitcast_convert_type3A_159 : vector<16xf32>
          %sub3A_208 = arith.subf %get3A_149, %get3A_162 : vector<16xf32>
          %mul3A_209 = arith.mulf %sub3A_206, %sub3A_206 : vector<16xf32>
          %mul3A_210 = arith.mulf %sub3A_207, %sub3A_207 : vector<16xf32>
          %add3A_211 = arith.addf %mul3A_209, %mul3A_210 : vector<16xf32>
          %mul3A_212 = arith.mulf %sub3A_208, %sub3A_208 : vector<16xf32>
          %add3A_213 = arith.addf %add3A_211, %mul3A_212 : vector<16xf32>
          %min3A_214 = arith.minimumf %min3A_205, %add3A_213 : vector<16xf32>
          %add3A_215 = arith.constant 9.99999996E-13 : f32
          %add3A_216 = vector.broadcast %add3A_215 : f32 to vector<16xf32>
          %add3A_217 = arith.addf %min3A_214, %add3A_216 : vector<16xf32>
          %bitcast_convert_type3A_218 = tpu.bitcast %add3A_217 : vector<16xf32> -> vector<16xi32>
          %shift_right_arithmetic3A = arith.constant 1 : i32
          %shift_right_arithmetic3A_219 = vector.broadcast %shift_right_arithmetic3A : i32 to vector<16xi32>
          %shift_right_arithmetic3A_220 = arith.shrsi %bitcast_convert_type3A_218, %shift_right_arithmetic3A_219 : vector<16xi32>
          %sub3A_221 = arith.constant 1597463007 : i32
          %sub3A_222 = vector.broadcast %sub3A_221 : i32 to vector<16xi32>
          %sub3A_223 = arith.subi %sub3A_222, %shift_right_arithmetic3A_220 : vector<16xi32>
          %bitcast_convert_type3A_224 = tpu.bitcast %sub3A_223 : vector<16xi32> -> vector<16xf32>
          %mul3A_225 = arith.constant 5.000000e-01 : f32
          %mul3A_226 = vector.broadcast %mul3A_225 : f32 to vector<16xf32>
          %mul3A_227 = arith.mulf %mul3A_226, %add3A_217 : vector<16xf32>
          %mul3A_228 = arith.mulf %mul3A_227, %bitcast_convert_type3A_224 : vector<16xf32>
          %mul3A_229 = arith.mulf %mul3A_228, %bitcast_convert_type3A_224 : vector<16xf32>
          %sub3A_230 = arith.constant 1.500000e+00 : f32
          %sub3A_231 = vector.broadcast %sub3A_230 : f32 to vector<16xf32>
          %sub3A_232 = arith.subf %sub3A_231, %mul3A_229 : vector<16xf32>
          %mul3A_233 = arith.mulf %bitcast_convert_type3A_224, %sub3A_232 : vector<16xf32>
          %mul3A_234 = arith.mulf %mul3A_227, %mul3A_233 : vector<16xf32>
          %mul3A_235 = arith.mulf %mul3A_234, %mul3A_233 : vector<16xf32>
          %sub3A_236 = arith.constant 1.500000e+00 : f32
          %sub3A_237 = vector.broadcast %sub3A_236 : f32 to vector<16xf32>
          %sub3A_238 = arith.subf %sub3A_237, %mul3A_235 : vector<16xf32>
          %mul3A_239 = arith.mulf %mul3A_233, %sub3A_238 : vector<16xf32>
          %mul3A_240 = arith.mulf %mul3A_227, %mul3A_239 : vector<16xf32>
          %mul3A_241 = arith.mulf %mul3A_240, %mul3A_239 : vector<16xf32>
          %sub3A_242 = arith.constant 1.500000e+00 : f32
          %sub3A_243 = vector.broadcast %sub3A_242 : f32 to vector<16xf32>
          %sub3A_244 = arith.subf %sub3A_243, %mul3A_241 : vector<16xf32>
          %mul3A_245 = arith.mulf %mul3A_239, %sub3A_244 : vector<16xf32>
          %mul3A_246 = arith.mulf %add3A_217, %mul3A_245 : vector<16xf32>
          %get3A_247 = arith.index_cast %mul3A_113 : i32 to index
          %get3A_248 = tpu.vector_load %arg36[%get3A_247] {strides = array<i32>} : memref<1024xf32, #tpu.memory_space<vmem>>, vector<16xf32>,
          %get3A_249 = vector.shape_cast %get3A_248 : vector<16xf32> to vector<16xf32>
          %neg3A = arith.constant 0.000000e+00 : f32
          %neg3A_250 = vector.broadcast %neg3A : f32 to vector<16xf32>
          %neg3A_251 = arith.subf %neg3A_250, %get3A_249 : vector<16xf32>
          %mul3A_252 = arith.mulf %neg3A_251, %mul3A_246 : vector<16xf32>
          %exp3A = math.exp %mul3A_252 : vector<16xf32>
          %sub3A_253 = arith.constant 1.000000e+00 : f32
          %sub3A_254 = vector.broadcast %sub3A_253 : f32 to vector<16xf32>
          %sub3A_255 = arith.subf %sub3A_254, %exp3A : vector<16xf32>
          %swap3A = arith.index_cast %mul3A_113 : i32 to index
          %swap3A_256 = tpu.vector_load %arg37[%swap3A] {strides = array<i32>} : memref<1024xf32, #tpu.memory_space<vmem>>, vector<16xf32>,
          %swap3A_257 = vector.shape_cast %swap3A_256 : vector<16xf32> to vector<16xf32>
          %swap3A_258 = vector.shape_cast %sub3A_255 : vector<16xf32> to vector<16xf32>
          tpu.vector_store %arg37[%swap3A], %swap3A_258 {strides = array<i32>} : memref<1024xf32, #tpu.memory_space<vmem>>, vector<16xf32>,
        }
        %scan3A_105 = arith.constant 64 : i32
        %mul3A_106 = arith.constant 32 : i32
        %mul3A_107 = arith.muli %add3A_98, %mul3A_106 : i32
        %add3A_108 = arith.addi %add3A, %mul3A_107 : i32
        %mul3A_109 = arith.constant 1024 : i32
        %mul3A_110 = arith.muli %add3A_108, %mul3A_109 : i32
        "tpu.region"() ({
          %run_scoped3A = tpu.sem_alloc : memref<!tpu.dma_semaphore, #tpu.memory_space<semaphore_mem>>
          %dma_start3A = tpu.memref_slice %arg9[%mul3A_110] : memref<3200000xf32, #tpu.memory_space<hbm>> -> memref<1024xf32, #tpu.memory_space<hbm>>
          %dma_start3A_111 = tpu.memref_slice %arg9[%mul3A_110] : memref<3200000xf32, #tpu.memory_space<hbm>> -> memref<1024xf32, #tpu.memory_space<hbm>>
          tpu.enqueue_dma source(%arg37 : memref<1024xf32, #tpu.memory_space<vmem>>) target(%dma_start3A_111 : memref<1024xf32, #tpu.memory_space<hbm>>) target_semaphore(%run_scoped3A : memref<!tpu.dma_semaphore, #tpu.memory_space<semaphore_mem>>)
          %dma_wait3A = tpu.memref_slice %arg9[%mul3A_110] : memref<3200000xf32, #tpu.memory_space<hbm>> -> memref<1024xf32, #tpu.memory_space<hbm>>
          %dma_wait3A_112 = tpu.memref_slice %arg9[%mul3A_110] : memref<3200000xf32, #tpu.memory_space<hbm>> -> memref<1024xf32, #tpu.memory_space<hbm>>
          tpu.wait_dma2 semaphore(%run_scoped3A : memref<!tpu.dma_semaphore, #tpu.memory_space<semaphore_mem>>) src(%arg37 : memref<1024xf32, #tpu.memory_space<vmem>>) dst(%dma_wait3A_112 : memref<1024xf32, #tpu.memory_space<hbm>>)
          tpu.yield
        }) : () -> ()
      } else {
      }
    }
    %scan3A_52 = arith.constant 49 : i32
    return
  }
}

</mosaic_0001>

<sc_bundles>
// kernel: kernel.3.cloned.1.call-start
scs
__scs_entry_jumppad:
0x0: {  	(pc) =	sbr.rel $0x88, $3  }
0x1: {  	(tag) =	ssettag $0x0;
	lr =	simm.s32 $0x1  }
0x2: {  	[smem:$0x3F9E] =	sst lr;
	_ =	strace $0xD0000000  }
0x3: {  	_ = 	snop  }
0x4: {  	_ = 	snop  }
0x5: {  	_ = 	snop  }
0x6: {  	_ = 	snop  }
0x7: {  	_ = 	snop  }
__scs_overlays_trampoline_lowered:
0x8: {  	[smem:$0x3FAD] =	sst s0  }
0x9: {  	[smem:$0x3FAE] =	sst s1  }
0xa: {  	[smem:$0x3FAF] =	sst s2  }
0xb: {  	[smem:$0x3FB0] =	sst s3  }
0xc: {  	[smem:$0x3FB1] =	sst s4  }
0xd: {  	[smem:$0x3FB2] =	sst s5  }
0xe: {  	[smem:$0x3FB3] =	sst s6  }
0xf: {  	[smem:$0x3FB4] =	sst s7  }
0x10: {  	[smem:$0x3FB5] =	sst s8  }
0x11: {  	[smem:$0x3FB6] =	sst s9;
	s0 =	simm.s32 @!p0 $0x0  }
0x12: {  	s1 =	sld [smem:$0x3F9C];
	s0 =	simm.s32 @p0 $0x1  }
0x13: {  	[smem:$0x3FB7] =	sst s0;
	s0 =	simm.s32 @!p1 $0x0  }
0x14: {  	s2 =	sld [smem:$0x3F9B];
	s0 =	simm.s32 @p1 $0x1  }
0x15: {  	[smem:$0x3FB8] =	sst s0;
	s0 =	simm.s32 @!p2 $0x0  }
0x16: {  	s3 =	sld [smem:$0x3FDB];
	s0 =	simm.s32 @p2 $0x1  }
0x17: {  	s4 =	simm.s32 $0x1BF5;
	[smem:$0x3FBA] =	sst s0  }
0x18: {  	s0 =	sld [smem:$0x3F9D];
	_ =	swait.ge [sflag:s4], $0x0  }
0x19: {  	s7 =	sld [smem:$0x3F9E]  }
0x1a: {  	s8 =	sadd.s32 $0xFFFFE003, lr  }
0x1b: {  	s9 =	sadd.s32 $0xFFFFFEF7, lr;
	s5 =	simm.s32 $0xFFFFFFFF;
	p2 =	slt.u32 s8, $0xFFFFF086  }
0x1c: {  	p1 =	slt.u32 s9, $0xF7A;
	s5 =	simm.s32 @!p2 $0x0  }
0x1d: {  	s5 =	simm.s32 @p1 $0x1;
	p0 =	seq.s32 s7, s2  }
0x1e: {  	s7 =	smul.u32 @!p0 $0xF7A, s2;
	p2 =	seq.s32 @!p0 s5, $0x0  }
0x1f: {  	s9 =	smul.u32 $0xF7A, s1;
	s8 =	simm.s32 @!p0 $0x1BF5;
	p2 =	por !p2, p0  }
0x20: {  	[sflag:s8] =	ssyncset.s32 @!p0 $0xFFFFF086;
	s6 =	sadd.s32 @!p0 s3, s7;
	s7 =	simm.s32 @!p0 $0x108  }
0x21: {  	s3 =	sadd.s32 s3, s9;
	s6 =	sadd.s32 @!p0 $0x88, s6;
	s7 =	simm.s32 @p2 $0x1082  }
0x22: {  	[simem:s7], [sflag:s8] =	dma.local @!p0 [hbm:s6], $0xF7A  }
0x23: {  	s9 =	sor.u32 $0xD0000000, s2;
	s6 =	simm.s32 $0x108;
	_ =	swait.ge @!p0 [sflag:s8], $0x0  }
0x24: {  	s3 =	sadd.s32 $0x88, s3;
	s6 =	simm.s32 @!p1 $0x1082;
	[sflag:s4] =	ssyncset.s32 $0xFFFFF086  }
0x25: {  	[simem:s6], [sflag:s4] =	dma.local [hbm:s3], $0xF7A  }
0x26: {  	[smem:$0x3F9E] =	sst s1;
	(tag) =	ssettag s2;
	_ =	strace s9  }
0x27: {  	s1 =	sld [smem:$0x3FAE]  }
0x28: {  	s2 =	sld [smem:$0x3FAF]  }
0x29: {  	s4 =	sld [smem:$0x3FB1]  }
0x2a: {  	p0 =	seq.s32 s5, $0x0;
	s5 =	sld [smem:$0x3FB2]  }
0x2b: {  	s6 =	sld [smem:$0x3FB3]  }
0x2c: {  	s7 =	sld [smem:$0x3FB4]  }
0x2d: {  	s3 =	simm.s32 $0x108;
	s8 =	sld [smem:$0x3FB5]  }
0x2e: {  	s3 =	simm.s32 @!p0 $0x1082;
	s9 =	sld [smem:$0x3FB6]  }
0x2f: {  	lr =	sadd.s32 s0, s3;
	s0 =	sld [smem:$0x3FAD]  }
0x30: {  	s3 =	sld [smem:$0x3FB0]  }
0x31: {  	[smem:$0x3FB9] =	sst s10  }
0x32: {  	s10 =	sld [smem:$0x3FB7];
	_ =	sdelay $0x3  }
0x33: {  	p0 =	seq.s32 s10, $0x1;
	s10 =	sld [smem:$0x3FB9];
	_ =	sdelay $0x3  }
0x34: {  	[smem:$0x3FB9] =	sst s10  }
0x35: {  	s10 =	sld [smem:$0x3FB8];
	_ =	sdelay $0x3  }
0x36: {  	p1 =	seq.s32 s10, $0x1;
	s10 =	sld [smem:$0x3FB9];
	_ =	sdelay $0x3  }
0x37: {  	[smem:$0x3FB9] =	sst s10  }
0x38: {  	s10 =	sld [smem:$0x3FBA]  }
0x39: {  	_ = 	snop;
	(pc) =	sbr.ind lr, $3  }
0x3a: {  	_ = 	snop  }
0x3b: {  	_ = 	snop  }
0x3c: {  	p2 =	seq.s32 s10, $0x1;
	s10 =	sld [smem:$0x3FB9]  }
0x3d: {  	_ =	shalt  }
0x3e: {  	_ =	shalt  }
0x3f: {  	_ =	shalt  }
0x40: {  	_ =	shalt  }
0x41: {  	_ =	shalt  }
0x42: {  	_ =	shalt  }
0x43: {  	_ =	shalt  }
0x44: {  	_ =	shalt  }
0x45: {  	_ =	shalt  }
0x46: {  	_ =	shalt  }
0x47: {  	_ =	shalt  }
0x48: {  	_ =	shalt  }
0x49: {  	_ =	shalt  }
0x4a: {  	_ =	shalt  }
0x4b: {  	_ =	shalt  }
0x4c: {  	_ =	shalt  }
0x4d: {  	_ =	shalt  }
0x4e: {  	_ =	shalt  }
0x4f: {  	_ =	shalt  }
0x50: {  	_ =	shalt  }
0x51: {  	_ =	shalt  }
0x52: {  	_ =	shalt  }
0x53: {  	_ =	shalt  }
0x54: {  	_ =	shalt  }
0x55: {  	_ =	shalt  }
0x56: {  	_ =	shalt  }
0x57: {  	_ =	shalt  }
0x58: {  	_ =	shalt  }
0x59: {  	_ =	shalt  }
0x5a: {  	_ =	shalt  }
0x5b: {  	_ =	shalt  }
0x5c: {  	_ =	shalt  }
0x5d: {  	_ =	shalt  }
0x5e: {  	_ =	shalt  }
0x5f: {  	_ =	shalt  }
0x60: {  	_ =	shalt  }
0x61: {  	_ =	shalt  }
0x62: {  	_ =	shalt  }
0x63: {  	_ =	shalt  }
0x64: {  	_ =	shalt  }
0x65: {  	_ =	shalt  }
0x66: {  	_ =	shalt  }
0x67: {  	_ =	shalt  }
0x68: {  	_ =	shalt  }
0x69: {  	_ =	shalt  }
0x6a: {  	_ =	shalt  }
0x6b: {  	_ =	shalt  }
0x6c: {  	_ =	shalt  }
0x6d: {  	_ =	shalt  }
0x6e: {  	_ =	shalt  }
0x6f: {  	_ =	shalt  }
0x70: {  	_ =	shalt  }
0x71: {  	_ =	shalt  }
0x72: {  	_ =	shalt  }
0x73: {  	_ =	shalt  }
0x74: {  	_ =	shalt  }
0x75: {  	_ =	shalt  }
0x76: {  	_ =	shalt  }
0x77: {  	_ =	shalt  }
0x78: {  	_ =	shalt  }
0x79: {  	_ =	shalt  }
0x7a: {  	_ =	shalt  }
0x7b: {  	_ =	shalt  }
0x7c: {  	_ =	shalt  }
0x7d: {  	_ =	shalt  }
0x7e: {  	_ =	shalt  }
0x7f: {  	_ =	shalt  }
0x80: {  	_ =	shalt  }
0x81: {  	_ =	shalt  }
0x82: {  	_ =	shalt  }
0x83: {  	_ =	shalt  }
0x84: {  	_ =	shalt  }
0x85: {  	_ =	shalt  }
0x86: {  	_ =	shalt  }
0x87: {  	_ =	shalt  }
.Lfunc_end0:
.L_simem_size_0:
called_computation_lowered:
.L_overlay_start_0:
0x88: {  	s2 =	sld [smem:$0x3FD9]  }
0x89: {  	s3 =	sld [smem:$0x3FFE];
	_ =	sdelay $0x1  }
0x8a: {  	s1 =	srdreg.scid  }
0x8b: {  	s0 =	sand.u32 $0x1, s1  }
0x8c: {  	s17 =	sshll.u32 s0, $0xA;
	s2 =	sadd.s32 s3, s2  }
0x8d: {  	s2 =	sadd.s32 s2, s17  }
0x8e: {  	[smem:$0x3FC5] =	sst s2  }
0x8f: {  	_ = 	snop  }
0x90: {  	s2 =	sld [smem:$0x3FC7]  }
0x91: {  	s18 =	sld [smem:$0x3FD0];
	(tm) =	ssettm $0x1  }
0x92: {  	s4 =	sld [smem:$0x3FFB];
	_ =	sdelay $0x3  }
0x93: {  	_ =	strace s4  }
0x94: {  	s4 =	sld [smem:$0x3FFC];
	_ =	sdelay $0x3  }
0x95: {  	_ =	strace s4  }
0x96: {  	s4 =	sld [smem:$0x3FFD];
	_ =	sdelay $0x3  }
0x97: {  	_ =	strace s4  }
0x98: {  	_ =	strace $0x8FFFFFFF  }
0x99: {  	s19 =	sld [smem:$0x3FDB];
	_ =	sdelay $0x1  }
0x9a: {  	s5 =	simm.s32 $_scs_section_size  }
0x9b: {  	s6 =	simm.s32 $_size__tile_overlayer_lowered;
	s7 =	simm.s32 $_tile_overlayer_lowered  }
0x9c: {  	s22 =	simm.s32 $0x1BFF;
	s21 =	sshll.u32 s7, $0x1;
	s4 =	sadd.s32 s5, s19  }
0x9d: {  	s8 =	simm.s32 $0x0;
	s20 =	sshll.u32 s6, $0x1;
	s6 =	sadd.s32 s21, s4  }
0x9e: {  	[timem:s8], [sflag:s22] =	dma.local [hbm:s6], s20  }
0x9f: {  	_ =	swait.ge [sflag:s22], s20  }
0xa0: {  	s5 =	ssub.s32 $0x0, s20;
	[sflag:s22] =	ssyncset.done $0x0  }
0xa1: {  	[sflag:s22] =	ssyncadd.s32 s5;
	_ =	sdelay $0x1  }
0xa2: {  	s23 =	simm.s32 $0x1B8B  }
0xa3: {  	_ =	swait.ge [sflag:s23], $0x1  }
0xa4: {  	[sflag:s23] =	ssyncset.done $0x0  }
0xa5: {  	s25 =	simm.s32 $0x1B8E;
	s24 =	sld [smem:$0x3FFE];
	[sflag:s23] =	ssyncadd.s32 $0xFFFFFFFF  }
0xa6: {  	s26 =	simm.s32 $execute0_lowered;
	[smem:$0x3FD2] =	sst s25  }
0xa7: {  	s6 =	sshll.u32 s26, $0x1;
	_ =	strace $0x80000046;
	[dreg:$0x1] =	wrdreg $0xFFFFFFFF  }
0xa8: {  	s28 =	simm.s32 $_size_execute0_lowered;
	s4 =	sadd.s32 s4, s6;
	[dreg:$0x0] =	wrdreg $0x0  }
0xa9: {  	s6 =	sshll.u32 s28, $0x1;
	[dreg:$0x2] =	wrdreg s4  }
0xaa: {  	[dreg:$0x3] =	wrdreg s6  }
0xab: {  	[dreg:$0x4] =	wrdreg $0xC0  }
0xac: {  	_ =	task [dreg:s8], $0x5FFFF  }
0xad: {  	[dreg:$0x1] =	wrdreg $0xFFFFFFFF  }
0xae: {  	[dreg:$0x0] =	wrdreg $0x60  }
0xaf: {  	[dreg:$0x2] =	wrdreg s24  }
0xb0: {  	[dreg:$0x3] =	wrdreg s2  }
0xb1: {  	[dreg:$0x4] =	wrdreg s18  }
0xb2: {  	[dreg:$0x5] =	wrdreg $0x70000  }
0xb3: {  	[dreg:$0x6] =	wrdreg $0x88700  }
0xb4: {  	[dreg:$0x7] =	wrdreg $0x9  }
0xb5: {  	_ =	task.clear_ibuf [dreg:s8], $0x8FFFF;
	_ =	strace $0x90000046  }
0xb6: {  	s29 =	simm.s32 $0x9;
	_ =	strace $0x80000048  }
0xb7: {  	_ =	swait.ge [sflag:s29], $0x1  }
0xb8: {  	[sflag:s29] =	ssyncadd.s32 $0xFFFFFFFF  }
0xb9: {  	_ =	strace $0x90000048  }
0xba: {  	_ =	sfence  }
0xbb: {  	s30 =	sld [smem:$0x0];
	_ =	sdelay $0x2  }
0xbc: {  	s31 =	sshll.u32 s1, $0xD;
	s1 =	sshrl.u32 s1, $0x2  }
0xbd: {  	s3 =	sand.u32 $0x4000, s31;
	s1 =	sadd.s32 s1, s30  }
0xbe: {  	s0 =	sor.u32 s3, s0;
	s1 =	sshll.u32 s1, $0x11  }
0xbf: {  	s0 =	sor.u32 s1, s0  }
0xc0: {  	s0 =	sadd.s32 $0x8F2B, s0  }
0xc1: {  	[sflag:s0] =	ssyncadd.remote.s32 $0x1  }
0xc2: {  	_ =	sfence.sel $0xFFFF  }
0xc3: {  	[dreg:$0x0] =	wrdreg $0xFFFFFFFF;
	(pc) =	sbr.abs _section_cstart, $3  }
0xc4: {  	[dreg:$0x1] =	wrdreg $0xFFFFFFFF  }
0xc5: {  	_ =	task.clear_ibuf [dreg:s8], $0x2FFFF;
	_ =	strace $0x9FFFFFFF  }
0xc6: {  	(tm) =	ssettm $0x7FFFFFFF  }
0xc7: {  	_ =	shalt  }
tec
execute0_lowered:
.L_overlay_start_1:
0x0: {  	(tag) =	ssettag $0x1  }
0x1: {  	s10 =	rddreg [dreg:$0x0]  }
0x2: {  	s13 =	rddreg [dreg:$0x1]  }
0x3: {  	s0 =	rddreg [dreg:$0x2]  }
0x4: {  	s3 =	rddreg [dreg:$0x3]  }
0x5: {  	s4 =	rddreg [dreg:$0x4];
	s5 =	simm.s32 $0x0;
	s21 =	srdreg.scid  }
0x6: {  	s2 =	stileid.u32;
	s28 =	simm.s32 $0x80;
	s17 =	simm.s32 $0x1400  }
0x7: {  	s15 =	simm.s32 $0x1800;
	s19 =	simm.s32 $0x1C00;
	s30 =	simm.s32 $0x1  }
0x8: {  	s20 =	simm.s32 $0x2;
	[smem:$0x7FF] =	sst s5;
	s1 =	sadd.s32 $0x3200, s10  }
0x9: {  	s7 =	sadd.s32 $0x12B800, s10;
	s8 =	sadd.s32 $0xC9C00, s10;
	s9 =	sadd.s32 $0x68000, s10  }
0xa: {  	s11 =	sshll.u32 s2, $0x1;
	s10 =	sadd.s32 $0x6400, s10;
	p1 =	seq.s32 s2, $0x1  }
0xb: {  	s31 =	sshrl.u32 s4, $0x3;
	p0 =	sne.s32 s2, $0x0;
	s2 =	simm.s32 $0x1380  }
0xc: {  	_ =	strace $0x80000047;
	[dreg:$0x6] =	wrdreg s1;
	s1 =	sand.u32 $0x1, s21  }
0xd: {  	[dreg:$0xd] =	wrdreg s31;
	s6 =	ssub.s32 $0x2, s1;
	s1 =	sor.u32 s1, s11  }
0xe: {  	s21 =	simm.s32 $0x6400;
	s12 =	sshrl.u32 s6, $0x1;
	s11 =	sshll.u32 s1, $0x7  }
0xf: {  	s22 =	ssub.s32 $0xC54, s1;
	s6 =	ssub.s32 s6, s12;
	s1 =	sadd.s32 s7, s11  }
0x10: {  	s12 =	sshrl.u32 s22, $0x5;
	s23 =	sadd.s32 s8, s11;
	[dreg:$0x7] =	wrdreg s1  }
0x11: {  	s24 =	sadd.s32 s9, s11;
	s25 =	sadd.s32 s10, s11;
	[dreg:$0x8] =	wrdreg s23  }
.Ltmp0:
0x12: {  	s26 =	sadd.s32 s13, s11;
	[dreg:$0x9] =	wrdreg s24;
	(pc) =	sbr.rel .LBB2_1-.Ltmp0, $4  }
0x13: {  	s18 =	sadd.s32 s0, s11;
	s22 =	simm.s32 $0x3;
	[dreg:$0xa] =	wrdreg s25  }
0x14: {  	[dreg:$0xb] =	wrdreg s26;
	s29 =	smax.u32 s6, $0x1;
	s26 =	simm.s32 $0x1000  }
0x15: {  	s6 =	simm.s32 $0x4;
	s23 =	simm.s32 $0x1780;
	s24 =	simm.s32 $0x1B80  }
0x16: {  	s25 =	simm.s32 $0x1F80;
	s1 =	simm.s32 $0x0;
	[dreg:$0xc] =	wrdreg s29  }
.LBB2_22:
0x17: {  	s1 =	rddreg [dreg:$0xe]  }
0x18: {  	s0 =	rddreg [dreg:$0xc];
	s1 =	sadd.s32 $0x1, s1  }
0x19: {  	p2 =	sne.s32 s1, s0  }
.Ltmp1:
0x1a: {  	_ = 	snop;
	(pc) =	sbr.rel @!p2 .LBB2_23-.Ltmp1, $1  }
0x1b: {  	_ =	sdelay $0x3  }
.LBB2_1:
.Ltmp2:
0x1c: {  	(pc) =	sbr.rel @p1 .LBB2_4-.Ltmp2, $2  }
0x1d: {  	_ =	sdelay $0x2  }
0x1e: {  	[dreg:$0xe] =	wrdreg s1  }
.Ltmp3:
0x1f: {  	(pc) =	sbr.rel @p0 .LBB2_6-.Ltmp3, $1  }
0x20: {  	_ =	sdelay $0x3  }
.Ltmp4:
0x21: {  	(pc) =	sbr.rel .LBB2_5-.Ltmp4, $3  }
0x22: {  	_ =	sdelay $0x1  }
0x23: {  	s0 =	sshrl.u32 s3, $0x3;
	s1 =	rddreg [dreg:$0x6];
	s13 =	simm.s32 $0x1C03  }
0x24: {  	[spmem:s0], [sflag:s13] =	dma.local [hbm:s1], $0x30E0  }
.LBB2_4:
0x25: {  	s0 =	rddreg [dreg:$0x0]  }
0x26: {  	s1 =	rddreg [dreg:$0xd];
	s13 =	simm.s32 $0x1C43  }
0x27: {  	[spmem:s1], [sflag:s13] =	dma.local [hbm:s0], $0x30E0  }
.LBB2_5:
0x28: {  	_ =	swait.ge [sflag:s22], $0x30E0  }
0x29: {  	[sflag:s22] =	ssyncset.done $0x0  }
0x2a: {  	[sflag:s22] =	ssyncadd.s32 $0xFFFFCF20  }
.LBB2_6:
0x2b: {  	[bflag:$0x0] =	sbarrier.arrive $0xFFFF  }
0x2c: {  	s16 =	simm.s32 $0x0;
	s0 =	rddreg [dreg:$0x7]  }
0x2d: {  	[tilespmem:s16], [sflag:$0x3] =	stream.linear.gather [hbm4b:s0+s16], $0x400, $0x38;
	[tilespmem:$0xA0E0] =	vst v63  }
0x2e: {  	_ =	swait.ge [sflag:s22], $0x400  }
0x2f: {  	[sflag:s22] =	ssyncset.done $0x0  }
0x30: {  	s1 =	simm.s32 $0x400;
	s13 =	rddreg [dreg:$0x8];
	[sflag:s22] =	ssyncadd.s32 $0xFFFFFC00  }
0x31: {  	[tilespmem:s1], [sflag:$0x3] =	stream.linear.gather [hbm4b:s13+s16], $0x400, $0x38;
	[tilespmem:$0xA0E0] =	vst v63  }
0x32: {  	_ =	swait.ge [sflag:s22], $0x400  }
0x33: {  	[sflag:s22] =	ssyncset.done $0x0  }
0x34: {  	s13 =	simm.s32 $0x800;
	s14 =	rddreg [dreg:$0x9];
	[sflag:s22] =	ssyncadd.s32 $0xFFFFFC00  }
0x35: {  	[tilespmem:s13], [sflag:$0x3] =	stream.linear.gather [hbm4b:s14+s16], $0x400, $0x38;
	[tilespmem:$0xA0E0] =	vst v63  }
0x36: {  	_ =	swait.ge [sflag:s22], $0x400  }
0x37: {  	[sflag:s22] =	ssyncset.done $0x0  }
0x38: {  	s14 =	simm.s32 $0xC00;
	s29 =	rddreg [dreg:$0xa];
	[sflag:s22] =	ssyncadd.s32 $0xFFFFFC00  }
0x39: {  	[tilespmem:s14], [sflag:$0x3] =	stream.linear.gather [hbm4b:s29+s16], $0x400, $0x38;
	[tilespmem:$0xA0E0] =	vst v63  }
0x3a: {  	_ =	swait.ge [sflag:s22], $0x400  }
0x3b: {  	[sflag:s22] =	ssyncset.done $0x0  }
0x3c: {  	s29 =	simm.s32 $0x6000;
	s31 =	rddreg [dreg:$0xb];
	[sflag:s22] =	ssyncadd.s32 $0xFFFFFC00  }
0x3d: {  	[tilespmem:s29], [sflag:$0x3] =	stream.linear.gather [hbm4b:s31+s16], $0x400, $0x38;
	[tilespmem:$0xA0E0] =	vst v63  }
0x3e: {  	_ =	swait.ge [sflag:s22], $0x400  }
0x3f: {  	[sflag:s22] =	ssyncset.done $0x0  }
0x40: {  	s29 =	simm.s32 $0x2000;
	[sflag:s22] =	ssyncadd.s32 $0xFFFFFC00  }
0x41: {  	[tilespmem:s29], [sflag:$0x1] =	stream.indirect.gather [spmem:s3], $0x1, s16, s28, $0xb8;
	[tilespmem:$0xA0E0] =	vst v63  }
0x42: {  	s31 =	simm.s32 $0x4000  }
0x43: {  	[tilespmem:s31], [sflag:$0x1] =	stream.indirect.gather [spmem:s4], $0x1, s16, s28, $0xb8;
	[tilespmem:$0xA0E0] =	vst v63  }
0x44: {  	s29 =	simm.s32 $0x2400  }
0x45: {  	[tilespmem:s29], [sflag:$0x1] =	stream.indirect.gather [spmem:s3], $0x1, s1, s28, $0xb8;
	[tilespmem:$0xA0E0] =	vst v63  }
0x46: {  	s31 =	simm.s32 $0x4400  }
0x47: {  	[tilespmem:s31], [sflag:$0x1] =	stream.indirect.gather [spmem:s4], $0x1, s1, s28, $0xb8;
	[tilespmem:$0xA0E0] =	vst v63  }
0x48: {  	s29 =	simm.s32 $0x2800  }
0x49: {  	[tilespmem:s29], [sflag:$0x1] =	stream.indirect.gather [spmem:s3], $0x1, s13, s28, $0xb8;
	[tilespmem:$0xA0E0] =	vst v63  }
0x4a: {  	s31 =	simm.s32 $0x4800  }
0x4b: {  	[tilespmem:s31], [sflag:$0x1] =	stream.indirect.gather [spmem:s4], $0x1, s13, s28, $0xb8;
	[tilespmem:$0xA0E0] =	vst v63  }
0x4c: {  	s1 =	simm.s32 $0x2C00  }
0x4d: {  	[tilespmem:s1], [sflag:$0x1] =	stream.indirect.gather [spmem:s3], $0x1, s14, s28, $0xb8;
	[tilespmem:$0xA0E0] =	vst v63  }
0x4e: {  	s13 =	simm.s32 $0x4C00  }
0x4f: {  	[tilespmem:s13], [sflag:$0x1] =	stream.indirect.gather [spmem:s4], $0x1, s14, s28, $0xb8;
	[tilespmem:$0xA0E0] =	vst v63  }
0x50: {  	s14 =	simm.s32 $0x2080  }
0x51: {  	[tilespmem:s14], [sflag:$0x1] =	stream.indirect.gather [spmem:s3], $0x1, s28, s28, $0xb8;
	[tilespmem:$0xA0E0] =	vst v63  }
0x52: {  	s29 =	simm.s32 $0x4080  }
0x53: {  	[tilespmem:s29], [sflag:$0x1] =	stream.indirect.gather [spmem:s4], $0x1, s28, s28, $0xb8;
	[tilespmem:$0xA0E0] =	vst v63  }
0x54: {  	s31 =	simm.s32 $0x480;
	s13 =	simm.s32 $0x2480  }
0x55: {  	[tilespmem:s13], [sflag:$0x1] =	stream.indirect.gather [spmem:s3], $0x1, s31, s28, $0xb8;
	[tilespmem:$0xA0E0] =	vst v63  }
0x56: {  	s14 =	simm.s32 $0x4480  }
0x57: {  	[tilespmem:s14], [sflag:$0x1] =	stream.indirect.gather [spmem:s4], $0x1, s31, s28, $0xb8;
	[tilespmem:$0xA0E0] =	vst v63  }
0x58: {  	s29 =	simm.s32 $0x880;
	s31 =	simm.s32 $0x2880  }
0x59: {  	[tilespmem:s31], [sflag:$0x1] =	stream.indirect.gather [spmem:s3], $0x1, s29, s28, $0xb8;
	[tilespmem:$0xA0E0] =	vst v63  }
0x5a: {  	s13 =	simm.s32 $0x4880  }
0x5b: {  	[tilespmem:s13], [sflag:$0x1] =	stream.indirect.gather [spmem:s4], $0x1, s29, s28, $0xb8;
	[tilespmem:$0xA0E0] =	vst v63  }
0x5c: {  	s14 =	simm.s32 $0xC80;
	s29 =	simm.s32 $0x2C80  }
0x5d: {  	[tilespmem:s29], [sflag:$0x1] =	stream.indirect.gather [spmem:s3], $0x1, s14, s28, $0xb8;
	[tilespmem:$0xA0E0] =	vst v63  }
0x5e: {  	s31 =	simm.s32 $0x4C80  }
0x5f: {  	[tilespmem:s31], [sflag:$0x1] =	stream.indirect.gather [spmem:s4], $0x1, s14, s28, $0xb8;
	[tilespmem:$0xA0E0] =	vst v63  }
0x60: {  	s13 =	simm.s32 $0x100;
	s14 =	simm.s32 $0x2100  }
0x61: {  	[tilespmem:s14], [sflag:$0x1] =	stream.indirect.gather [spmem:s3], $0x1, s13, s28, $0xb8;
	[tilespmem:$0xA0E0] =	vst v63  }
0x62: {  	s29 =	simm.s32 $0x4100  }
0x63: {  	[tilespmem:s29], [sflag:$0x1] =	stream.indirect.gather [spmem:s4], $0x1, s13, s28, $0xb8;
	[tilespmem:$0xA0E0] =	vst v63  }
0x64: {  	s31 =	simm.s32 $0x500;
	s13 =	simm.s32 $0x2500  }
0x65: {  	[tilespmem:s13], [sflag:$0x1] =	stream.indirect.gather [spmem:s3], $0x1, s31, s28, $0xb8;
	[tilespmem:$0xA0E0] =	vst v63  }
0x66: {  	s14 =	simm.s32 $0x4500  }
0x67: {  	[tilespmem:s14], [sflag:$0x1] =	stream.indirect.gather [spmem:s4], $0x1, s31, s28, $0xb8;
	[tilespmem:$0xA0E0] =	vst v63  }
0x68: {  	s29 =	simm.s32 $0x900;
	s31 =	simm.s32 $0x2900  }
0x69: {  	[tilespmem:s31], [sflag:$0x1] =	stream.indirect.gather [spmem:s3], $0x1, s29, s28, $0xb8;
	[tilespmem:$0xA0E0] =	vst v63  }
0x6a: {  	s13 =	simm.s32 $0x4900  }
0x6b: {  	[tilespmem:s13], [sflag:$0x1] =	stream.indirect.gather [spmem:s4], $0x1, s29, s28, $0xb8;
	[tilespmem:$0xA0E0] =	vst v63  }
0x6c: {  	s14 =	simm.s32 $0xD00;
	s29 =	simm.s32 $0x2D00  }
0x6d: {  	[tilespmem:s29], [sflag:$0x1] =	stream.indirect.gather [spmem:s3], $0x1, s14, s28, $0xb8;
	[tilespmem:$0xA0E0] =	vst v63  }
0x6e: {  	s31 =	simm.s32 $0x4D00  }
0x6f: {  	[tilespmem:s31], [sflag:$0x1] =	stream.indirect.gather [spmem:s4], $0x1, s14, s28, $0xb8;
	[tilespmem:$0xA0E0] =	vst v63  }
0x70: {  	s13 =	simm.s32 $0x180;
	s14 =	simm.s32 $0x2180  }
0x71: {  	[tilespmem:s14], [sflag:$0x1] =	stream.indirect.gather [spmem:s3], $0x1, s13, s28, $0xb8;
	[tilespmem:$0xA0E0] =	vst v63  }
0x72: {  	s29 =	simm.s32 $0x4180  }
0x73: {  	[tilespmem:s29], [sflag:$0x1] =	stream.indirect.gather [spmem:s4], $0x1, s13, s28, $0xb8;
	[tilespmem:$0xA0E0] =	vst v63  }
0x74: {  	s31 =	simm.s32 $0x580;
	s13 =	simm.s32 $0x2580  }
0x75: {  	[tilespmem:s13], [sflag:$0x1] =	stream.indirect.gather [spmem:s3], $0x1, s31, s28, $0xb8;
	[tilespmem:$0xA0E0] =	vst v63  }
0x76: {  	s14 =	simm.s32 $0x4580  }
0x77: {  	[tilespmem:s14], [sflag:$0x1] =	stream.indirect.gather [spmem:s4], $0x1, s31, s28, $0xb8;
	[tilespmem:$0xA0E0] =	vst v63  }
0x78: {  	s29 =	simm.s32 $0x980;
	s31 =	simm.s32 $0x2980  }
0x79: {  	[tilespmem:s31], [sflag:$0x1] =	stream.indirect.gather [spmem:s3], $0x1, s29, s28, $0xb8;
	[tilespmem:$0xA0E0] =	vst v63  }
0x7a: {  	s13 =	simm.s32 $0x4980  }
0x7b: {  	[tilespmem:s13], [sflag:$0x1] =	stream.indirect.gather [spmem:s4], $0x1, s29, s28, $0xb8;
	[tilespmem:$0xA0E0] =	vst v63  }
0x7c: {  	s14 =	simm.s32 $0xD80;
	s29 =	simm.s32 $0x2D80  }
0x7d: {  	[tilespmem:s29], [sflag:$0x1] =	stream.indirect.gather [spmem:s3], $0x1, s14, s28, $0xb8;
	[tilespmem:$0xA0E0] =	vst v63  }
0x7e: {  	s31 =	simm.s32 $0x4D80  }
0x7f: {  	[tilespmem:s31], [sflag:$0x1] =	stream.indirect.gather [spmem:s4], $0x1, s14, s28, $0xb8;
	[tilespmem:$0xA0E0] =	vst v63  }
0x80: {  	s13 =	simm.s32 $0x200;
	s14 =	simm.s32 $0x2200  }
0x81: {  	[tilespmem:s14], [sflag:$0x1] =	stream.indirect.gather [spmem:s3], $0x1, s13, s28, $0xb8;
	[tilespmem:$0xA0E0] =	vst v63  }
0x82: {  	s29 =	simm.s32 $0x4200  }
0x83: {  	[tilespmem:s29], [sflag:$0x1] =	stream.indirect.gather [spmem:s4], $0x1, s13, s28, $0xb8;
	[tilespmem:$0xA0E0] =	vst v63  }
0x84: {  	s31 =	simm.s32 $0x600;
	s13 =	simm.s32 $0x2600  }
0x85: {  	[tilespmem:s13], [sflag:$0x1] =	stream.indirect.gather [spmem:s3], $0x1, s31, s28, $0xb8;
	[tilespmem:$0xA0E0] =	vst v63  }
0x86: {  	s14 =	simm.s32 $0x4600  }
0x87: {  	[tilespmem:s14], [sflag:$0x1] =	stream.indirect.gather [spmem:s4], $0x1, s31, s28, $0xb8;
	[tilespmem:$0xA0E0] =	vst v63  }
0x88: {  	s29 =	simm.s32 $0xA00;
	s31 =	simm.s32 $0x2A00  }
0x89: {  	[tilespmem:s31], [sflag:$0x1] =	stream.indirect.gather [spmem:s3], $0x1, s29, s28, $0xb8;
	[tilespmem:$0xA0E0] =	vst v63  }
0x8a: {  	s13 =	simm.s32 $0x4A00  }
0x8b: {  	[tilespmem:s13], [sflag:$0x1] =	stream.indirect.gather [spmem:s4], $0x1, s29, s28, $0xb8;
	[tilespmem:$0xA0E0] =	vst v63  }
0x8c: {  	s14 =	simm.s32 $0xE00;
	s29 =	simm.s32 $0x2E00  }
0x8d: {  	[tilespmem:s29], [sflag:$0x1] =	stream.indirect.gather [spmem:s3], $0x1, s14, s28, $0xb8;
	[tilespmem:$0xA0E0] =	vst v63  }
0x8e: {  	s31 =	simm.s32 $0x4E00  }
0x8f: {  	[tilespmem:s31], [sflag:$0x1] =	stream.indirect.gather [spmem:s4], $0x1, s14, s28, $0xb8;
	[tilespmem:$0xA0E0] =	vst v63  }
0x90: {  	s13 =	simm.s32 $0x280;
	s14 =	simm.s32 $0x2280  }
0x91: {  	[tilespmem:s14], [sflag:$0x1] =	stream.indirect.gather [spmem:s3], $0x1, s13, s28, $0xb8;
	[tilespmem:$0xA0E0] =	vst v63  }
0x92: {  	s29 =	simm.s32 $0x4280  }
0x93: {  	[tilespmem:s29], [sflag:$0x1] =	stream.indirect.gather [spmem:s4], $0x1, s13, s28, $0xb8;
	[tilespmem:$0xA0E0] =	vst v63  }
0x94: {  	s31 =	simm.s32 $0x680;
	s13 =	simm.s32 $0x2680  }
0x95: {  	[tilespmem:s13], [sflag:$0x1] =	stream.indirect.gather [spmem:s3], $0x1, s31, s28, $0xb8;
	[tilespmem:$0xA0E0] =	vst v63  }
0x96: {  	s14 =	simm.s32 $0x4680  }
0x97: {  	[tilespmem:s14], [sflag:$0x1] =	stream.indirect.gather [spmem:s4], $0x1, s31, s28, $0xb8;
	[tilespmem:$0xA0E0] =	vst v63  }
0x98: {  	s29 =	simm.s32 $0xA80;
	s31 =	simm.s32 $0x2A80  }
0x99: {  	[tilespmem:s31], [sflag:$0x1] =	stream.indirect.gather [spmem:s3], $0x1, s29, s28, $0xb8;
	[tilespmem:$0xA0E0] =	vst v63  }
0x9a: {  	s13 =	simm.s32 $0x4A80  }
0x9b: {  	[tilespmem:s13], [sflag:$0x1] =	stream.indirect.gather [spmem:s4], $0x1, s29, s28, $0xb8;
	[tilespmem:$0xA0E0] =	vst v63  }
0x9c: {  	s14 =	simm.s32 $0xE80;
	s29 =	simm.s32 $0x2E80  }
0x9d: {  	[tilespmem:s29], [sflag:$0x1] =	stream.indirect.gather [spmem:s3], $0x1, s14, s28, $0xb8;
	[tilespmem:$0xA0E0] =	vst v63  }
0x9e: {  	s31 =	simm.s32 $0x4E80  }
0x9f: {  	[tilespmem:s31], [sflag:$0x1] =	stream.indirect.gather [spmem:s4], $0x1, s14, s28, $0xb8;
	[tilespmem:$0xA0E0] =	vst v63  }
0xa0: {  	s13 =	simm.s32 $0x300;
	s14 =	simm.s32 $0x2300  }
0xa1: {  	[tilespmem:s14], [sflag:$0x1] =	stream.indirect.gather [spmem:s3], $0x1, s13, s28, $0xb8;
	[tilespmem:$0xA0E0] =	vst v63  }
0xa2: {  	s29 =	simm.s32 $0x4300  }
0xa3: {  	[tilespmem:s29], [sflag:$0x1] =	stream.indirect.gather [spmem:s4], $0x1, s13, s28, $0xb8;
	[tilespmem:$0xA0E0] =	vst v63  }
0xa4: {  	s31 =	simm.s32 $0x700;
	s13 =	simm.s32 $0x2700  }
0xa5: {  	[tilespmem:s13], [sflag:$0x1] =	stream.indirect.gather [spmem:s3], $0x1, s31, s28, $0xb8;
	[tilespmem:$0xA0E0] =	vst v63  }
0xa6: {  	s14 =	simm.s32 $0x4700  }
0xa7: {  	[tilespmem:s14], [sflag:$0x1] =	stream.indirect.gather [spmem:s4], $0x1, s31, s28, $0xb8;
	[tilespmem:$0xA0E0] =	vst v63  }
0xa8: {  	s29 =	simm.s32 $0xB00;
	s31 =	simm.s32 $0x2B00  }
0xa9: {  	[tilespmem:s31], [sflag:$0x1] =	stream.indirect.gather [spmem:s3], $0x1, s29, s28, $0xb8;
	[tilespmem:$0xA0E0] =	vst v63  }
0xaa: {  	s13 =	simm.s32 $0x4B00  }
0xab: {  	[tilespmem:s13], [sflag:$0x1] =	stream.indirect.gather [spmem:s4], $0x1, s29, s28, $0xb8;
	[tilespmem:$0xA0E0] =	vst v63  }
0xac: {  	s14 =	simm.s32 $0xF00;
	s29 =	simm.s32 $0x2F00  }
0xad: {  	[tilespmem:s29], [sflag:$0x1] =	stream.indirect.gather [spmem:s3], $0x1, s14, s28, $0xb8;
	[tilespmem:$0xA0E0] =	vst v63  }
0xae: {  	s31 =	simm.s32 $0x4F00  }
0xaf: {  	[tilespmem:s31], [sflag:$0x1] =	stream.indirect.gather [spmem:s4], $0x1, s14, s28, $0xb8;
	[tilespmem:$0xA0E0] =	vst v63  }
0xb0: {  	s13 =	simm.s32 $0x380;
	s14 =	simm.s32 $0x2380  }
0xb1: {  	[tilespmem:s14], [sflag:$0x1] =	stream.indirect.gather [spmem:s3], $0x1, s13, s28, $0xb8;
	[tilespmem:$0xA0E0] =	vst v63  }
0xb2: {  	s29 =	simm.s32 $0x4380  }
0xb3: {  	[tilespmem:s29], [sflag:$0x1] =	stream.indirect.gather [spmem:s4], $0x1, s13, s28, $0xb8;
	[tilespmem:$0xA0E0] =	vst v63  }
0xb4: {  	s31 =	simm.s32 $0x780;
	s13 =	simm.s32 $0x2780  }
0xb5: {  	[tilespmem:s13], [sflag:$0x1] =	stream.indirect.gather [spmem:s3], $0x1, s31, s28, $0xb8;
	[tilespmem:$0xA0E0] =	vst v63  }
0xb6: {  	s14 =	simm.s32 $0x4780  }
0xb7: {  	[tilespmem:s14], [sflag:$0x1] =	stream.indirect.gather [spmem:s4], $0x1, s31, s28, $0xb8;
	[tilespmem:$0xA0E0] =	vst v63  }
0xb8: {  	s29 =	simm.s32 $0xB80;
	s31 =	simm.s32 $0x2B80  }
0xb9: {  	[tilespmem:s31], [sflag:$0x1] =	stream.indirect.gather [spmem:s3], $0x1, s29, s28, $0xb8;
	[tilespmem:$0xA0E0] =	vst v63  }
0xba: {  	s13 =	simm.s32 $0x4B80  }
0xbb: {  	[tilespmem:s13], [sflag:$0x1] =	stream.indirect.gather [spmem:s4], $0x1, s29, s28, $0xb8;
	[tilespmem:$0xA0E0] =	vst v63  }
.Ltmp5:
0xbc: {  	_ = 	snop;
	(pc) =	sbr.rel .LBB2_7-.Ltmp5, $4  }
0xbd: {  	s14 =	simm.s32 $0xF80;
	s29 =	simm.s32 $0x2F80  }
0xbe: {  	[tilespmem:s29], [sflag:$0x1] =	stream.indirect.gather [spmem:s3], $0x1, s14, s28, $0xb8;
	[tilespmem:$0xA0E0] =	vst v63  }
0xbf: {  	s31 =	simm.s32 $0x4F80  }
0xc0: {  	[tilespmem:s31], [sflag:$0x1] =	stream.indirect.gather [spmem:s4], $0x1, s14, s28, $0xb8;
	[tilespmem:$0xA0E0] =	vst v63  }
.LBB2_21:
0xc1: {  	s16 =	sadd.s32 $0x1, s16  }
0xc2: {  	p2 =	sne.s32 s16, $0x31  }
.Ltmp6:
0xc3: {  	_ = 	snop;
	(pc) =	sbr.rel @!p2 .LBB2_22-.Ltmp6, $1  }
0xc4: {  	_ =	sdelay $0x3  }
.LBB2_7:
0xc5: {  	s0 =	sshllo.u32 s16, $0x1  }
0xc6: {  	p2 =	sge.u32 s0, s12  }
.Ltmp7:
0xc7: {  	_ = 	snop;
	(pc) =	sbr.rel @p2 .LBB2_9-.Ltmp7, $2  }
0xc8: {  	_ =	sdelay $0x2  }
0xc9: {  	s29 =	sshll.u32 s0, $0xC  }
0xca: {  	s0 =	sor.u32 s11, s29  }
0xcb: {  	s1 =	sadd.s32 s7, s0  }
0xcc: {  	[tilespmem:s26], [sflag:$0x4] =	stream.linear.gather [hbm4b:s1+s5], $0x400, $0x38;
	[tilespmem:$0xA0E0] =	vst v63  }
0xcd: {  	_ =	swait.ge [sflag:s6], $0x400  }
0xce: {  	[sflag:s6] =	ssyncset.done $0x0  }
0xcf: {  	s14 =	sadd.s32 s8, s0;
	[sflag:s6] =	ssyncadd.s32 $0xFFFFFC00  }
0xd0: {  	[tilespmem:s17], [sflag:$0x4] =	stream.linear.gather [hbm4b:s14+s5], $0x400, $0x38;
	[tilespmem:$0xA0E0] =	vst v63  }
0xd1: {  	_ =	swait.ge [sflag:s6], $0x400  }
0xd2: {  	[sflag:s6] =	ssyncset.done $0x0  }
0xd3: {  	s31 =	sadd.s32 s9, s0;
	[sflag:s6] =	ssyncadd.s32 $0xFFFFFC00  }
0xd4: {  	[tilespmem:s15], [sflag:$0x4] =	stream.linear.gather [hbm4b:s31+s5], $0x400, $0x38;
	[tilespmem:$0xA0E0] =	vst v63  }
0xd5: {  	_ =	swait.ge [sflag:s6], $0x400  }
0xd6: {  	[sflag:s6] =	ssyncset.done $0x0  }
0xd7: {  	s13 =	sadd.s32 s10, s0;
	[sflag:s6] =	ssyncadd.s32 $0xFFFFFC00  }
0xd8: {  	[tilespmem:s19], [sflag:$0x4] =	stream.linear.gather [hbm4b:s13+s5], $0x400, $0x38;
	[tilespmem:$0xA0E0] =	vst v63  }
0xd9: {  	_ =	swait.ge [sflag:s6], $0x400  }
0xda: {  	[sflag:s6] =	ssyncset.done $0x0  }
0xdb: {  	[sflag:s6] =	ssyncadd.s32 $0xFFFFFC00  }
0xdc: {  	s14 =	rddreg [dreg:$0x1]  }
0xdd: {  	s31 =	simm.s32 $0x6800;
	s0 =	sadd.s32 s14, s0  }
0xde: {  	[tilespmem:s31], [sflag:$0x4] =	stream.linear.gather [hbm4b:s0+s5], $0x400, $0x38;
	[tilespmem:$0xA0E0] =	vst v63  }
0xdf: {  	_ =	swait.ge [sflag:s6], $0x400  }
0xe0: {  	[sflag:s6] =	ssyncset.done $0x0  }
0xe1: {  	s13 =	simm.s32 $0x3000;
	[sflag:s6] =	ssyncadd.s32 $0xFFFFFC00  }
0xe2: {  	[tilespmem:s13], [sflag:$0x2] =	stream.indirect.gather [spmem:s3], $0x1, s26, s28, $0xb8;
	[tilespmem:$0xA0E0] =	vst v63  }
0xe3: {  	s14 =	simm.s32 $0x5000  }
0xe4: {  	[tilespmem:s14], [sflag:$0x2] =	stream.indirect.gather [spmem:s4], $0x1, s26, s28, $0xb8;
	[tilespmem:$0xA0E0] =	vst v63  }
0xe5: {  	s31 =	simm.s32 $0x3400  }
0xe6: {  	[tilespmem:s31], [sflag:$0x2] =	stream.indirect.gather [spmem:s3], $0x1, s17, s28, $0xb8;
	[tilespmem:$0xA0E0] =	vst v63  }
0xe7: {  	s1 =	simm.s32 $0x5400  }
0xe8: {  	[tilespmem:s1], [sflag:$0x2] =	stream.indirect.gather [spmem:s4], $0x1, s17, s28, $0xb8;
	[tilespmem:$0xA0E0] =	vst v63  }
0xe9: {  	s13 =	simm.s32 $0x3800  }
0xea: {  	[tilespmem:s13], [sflag:$0x2] =	stream.indirect.gather [spmem:s3], $0x1, s15, s28, $0xb8;
	[tilespmem:$0xA0E0] =	vst v63  }
0xeb: {  	s14 =	simm.s32 $0x5800  }
0xec: {  	[tilespmem:s14], [sflag:$0x2] =	stream.indirect.gather [spmem:s4], $0x1, s15, s28, $0xb8;
	[tilespmem:$0xA0E0] =	vst v63  }
0xed: {  	s31 =	simm.s32 $0x3C00  }
0xee: {  	[tilespmem:s31], [sflag:$0x2] =	stream.indirect.gather [spmem:s3], $0x1, s19, s28, $0xb8;
	[tilespmem:$0xA0E0] =	vst v63  }
0xef: {  	s1 =	simm.s32 $0x5C00  }
0xf0: {  	[tilespmem:s1], [sflag:$0x2] =	stream.indirect.gather [spmem:s4], $0x1, s19, s28, $0xb8;
	[tilespmem:$0xA0E0] =	vst v63  }
0xf1: {  	s13 =	simm.s32 $0x1080;
	s14 =	simm.s32 $0x3080  }
0xf2: {  	[tilespmem:s14], [sflag:$0x2] =	stream.indirect.gather [spmem:s3], $0x1, s13, s28, $0xb8;
	[tilespmem:$0xA0E0] =	vst v63  }
0xf3: {  	s31 =	simm.s32 $0x5080  }
0xf4: {  	[tilespmem:s31], [sflag:$0x2] =	stream.indirect.gather [spmem:s4], $0x1, s13, s28, $0xb8;
	[tilespmem:$0xA0E0] =	vst v63  }
0xf5: {  	s14 =	simm.s32 $0x3480;
	s13 =	simm.s32 $0x1480  }
0xf6: {  	[tilespmem:s14], [sflag:$0x2] =	stream.indirect.gather [spmem:s3], $0x1, s13, s28, $0xb8;
	[tilespmem:$0xA0E0] =	vst v63  }
0xf7: {  	s31 =	simm.s32 $0x5480  }
0xf8: {  	[tilespmem:s31], [sflag:$0x2] =	stream.indirect.gather [spmem:s4], $0x1, s13, s28, $0xb8;
	[tilespmem:$0xA0E0] =	vst v63  }
0xf9: {  	s14 =	simm.s32 $0x3880;
	s13 =	simm.s32 $0x1880  }
0xfa: {  	[tilespmem:s14], [sflag:$0x2] =	stream.indirect.gather [spmem:s3], $0x1, s13, s28, $0xb8;
	[tilespmem:$0xA0E0] =	vst v63  }
0xfb: {  	s31 =	simm.s32 $0x5880  }
0xfc: {  	[tilespmem:s31], [sflag:$0x2] =	stream.indirect.gather [spmem:s4], $0x1, s13, s28, $0xb8;
	[tilespmem:$0xA0E0] =	vst v63  }
0xfd: {  	s14 =	simm.s32 $0x3C80;
	s13 =	simm.s32 $0x1C80  }
0xfe: {  	[tilespmem:s14], [sflag:$0x2] =	stream.indirect.gather [spmem:s3], $0x1, s13, s28, $0xb8;
	[tilespmem:$0xA0E0] =	vst v63  }
0xff: {  	s31 =	simm.s32 $0x5C80  }
0x100: {  	[tilespmem:s31], [sflag:$0x2] =	stream.indirect.gather [spmem:s4], $0x1, s13, s28, $0xb8;
	[tilespmem:$0xA0E0] =	vst v63  }
0x101: {  	s14 =	simm.s32 $0x3100;
	s13 =	simm.s32 $0x1100  }
0x102: {  	[tilespmem:s14], [sflag:$0x2] =	stream.indirect.gather [spmem:s3], $0x1, s13, s28, $0xb8;
	[tilespmem:$0xA0E0] =	vst v63  }
0x103: {  	s31 =	simm.s32 $0x5100  }
0x104: {  	[tilespmem:s31], [sflag:$0x2] =	stream.indirect.gather [spmem:s4], $0x1, s13, s28, $0xb8;
	[tilespmem:$0xA0E0] =	vst v63  }
0x105: {  	s14 =	simm.s32 $0x3500;
	s13 =	simm.s32 $0x1500  }
0x106: {  	[tilespmem:s14], [sflag:$0x2] =	stream.indirect.gather [spmem:s3], $0x1, s13, s28, $0xb8;
	[tilespmem:$0xA0E0] =	vst v63  }
0x107: {  	s31 =	simm.s32 $0x5500  }
0x108: {  	[tilespmem:s31], [sflag:$0x2] =	stream.indirect.gather [spmem:s4], $0x1, s13, s28, $0xb8;
	[tilespmem:$0xA0E0] =	vst v63  }
0x109: {  	s14 =	simm.s32 $0x3900;
	s13 =	simm.s32 $0x1900  }
0x10a: {  	[tilespmem:s14], [sflag:$0x2] =	stream.indirect.gather [spmem:s3], $0x1, s13, s28, $0xb8;
	[tilespmem:$0xA0E0] =	vst v63  }
0x10b: {  	s31 =	simm.s32 $0x5900  }
0x10c: {  	[tilespmem:s31], [sflag:$0x2] =	stream.indirect.gather [spmem:s4], $0x1, s13, s28, $0xb8;
	[tilespmem:$0xA0E0] =	vst v63  }
0x10d: {  	s14 =	simm.s32 $0x3D00;
	s13 =	simm.s32 $0x1D00  }
0x10e: {  	[tilespmem:s14], [sflag:$0x2] =	stream.indirect.gather [spmem:s3], $0x1, s13, s28, $0xb8;
	[tilespmem:$0xA0E0] =	vst v63  }
0x10f: {  	s31 =	simm.s32 $0x5D00  }
0x110: {  	[tilespmem:s31], [sflag:$0x2] =	stream.indirect.gather [spmem:s4], $0x1, s13, s28, $0xb8;
	[tilespmem:$0xA0E0] =	vst v63  }
0x111: {  	s14 =	simm.s32 $0x3180;
	s13 =	simm.s32 $0x1180  }
0x112: {  	[tilespmem:s14], [sflag:$0x2] =	stream.indirect.gather [spmem:s3], $0x1, s13, s28, $0xb8;
	[tilespmem:$0xA0E0] =	vst v63  }
0x113: {  	s31 =	simm.s32 $0x5180  }
0x114: {  	[tilespmem:s31], [sflag:$0x2] =	stream.indirect.gather [spmem:s4], $0x1, s13, s28, $0xb8;
	[tilespmem:$0xA0E0] =	vst v63  }
0x115: {  	s14 =	simm.s32 $0x3580;
	s13 =	simm.s32 $0x1580  }
0x116: {  	[tilespmem:s14], [sflag:$0x2] =	stream.indirect.gather [spmem:s3], $0x1, s13, s28, $0xb8;
	[tilespmem:$0xA0E0] =	vst v63  }
0x117: {  	s31 =	simm.s32 $0x5580  }
0x118: {  	[tilespmem:s31], [sflag:$0x2] =	stream.indirect.gather [spmem:s4], $0x1, s13, s28, $0xb8;
	[tilespmem:$0xA0E0] =	vst v63  }
0x119: {  	s14 =	simm.s32 $0x3980;
	s13 =	simm.s32 $0x1980  }
0x11a: {  	[tilespmem:s14], [sflag:$0x2] =	stream.indirect.gather [spmem:s3], $0x1, s13, s28, $0xb8;
	[tilespmem:$0xA0E0] =	vst v63  }
0x11b: {  	s31 =	simm.s32 $0x5980  }
0x11c: {  	[tilespmem:s31], [sflag:$0x2] =	stream.indirect.gather [spmem:s4], $0x1, s13, s28, $0xb8;
	[tilespmem:$0xA0E0] =	vst v63  }
0x11d: {  	s14 =	simm.s32 $0x3D80;
	s13 =	simm.s32 $0x1D80  }
0x11e: {  	[tilespmem:s14], [sflag:$0x2] =	stream.indirect.gather [spmem:s3], $0x1, s13, s28, $0xb8;
	[tilespmem:$0xA0E0] =	vst v63  }
0x11f: {  	s31 =	simm.s32 $0x5D80  }
0x120: {  	[tilespmem:s31], [sflag:$0x2] =	stream.indirect.gather [spmem:s4], $0x1, s13, s28, $0xb8;
	[tilespmem:$0xA0E0] =	vst v63  }
0x121: {  	s14 =	simm.s32 $0x3200;
	s13 =	simm.s32 $0x1200  }
0x122: {  	[tilespmem:s14], [sflag:$0x2] =	stream.indirect.gather [spmem:s3], $0x1, s13, s28, $0xb8;
	[tilespmem:$0xA0E0] =	vst v63  }
0x123: {  	s31 =	simm.s32 $0x5200  }
0x124: {  	[tilespmem:s31], [sflag:$0x2] =	stream.indirect.gather [spmem:s4], $0x1, s13, s28, $0xb8;
	[tilespmem:$0xA0E0] =	vst v63  }
0x125: {  	s14 =	simm.s32 $0x3600;
	s13 =	simm.s32 $0x1600  }
0x126: {  	[tilespmem:s14], [sflag:$0x2] =	stream.indirect.gather [spmem:s3], $0x1, s13, s28, $0xb8;
	[tilespmem:$0xA0E0] =	vst v63  }
0x127: {  	s31 =	simm.s32 $0x5600  }
0x128: {  	[tilespmem:s31], [sflag:$0x2] =	stream.indirect.gather [spmem:s4], $0x1, s13, s28, $0xb8;
	[tilespmem:$0xA0E0] =	vst v63  }
0x129: {  	s14 =	simm.s32 $0x3A00;
	s13 =	simm.s32 $0x1A00  }
0x12a: {  	[tilespmem:s14], [sflag:$0x2] =	stream.indirect.gather [spmem:s3], $0x1, s13, s28, $0xb8;
	[tilespmem:$0xA0E0] =	vst v63  }
0x12b: {  	s31 =	simm.s32 $0x5A00  }
0x12c: {  	[tilespmem:s31], [sflag:$0x2] =	stream.indirect.gather [spmem:s4], $0x1, s13, s28, $0xb8;
	[tilespmem:$0xA0E0] =	vst v63  }
0x12d: {  	s14 =	simm.s32 $0x3E00;
	s13 =	simm.s32 $0x1E00  }
0x12e: {  	[tilespmem:s14], [sflag:$0x2] =	stream.indirect.gather [spmem:s3], $0x1, s13, s28, $0xb8;
	[tilespmem:$0xA0E0] =	vst v63  }
0x12f: {  	s31 =	simm.s32 $0x5E00  }
0x130: {  	[tilespmem:s31], [sflag:$0x2] =	stream.indirect.gather [spmem:s4], $0x1, s13, s28, $0xb8;
	[tilespmem:$0xA0E0] =	vst v63  }
0x131: {  	s14 =	simm.s32 $0x3280;
	s13 =	simm.s32 $0x1280  }
0x132: {  	[tilespmem:s14], [sflag:$0x2] =	stream.indirect.gather [spmem:s3], $0x1, s13, s28, $0xb8;
	[tilespmem:$0xA0E0] =	vst v63  }
0x133: {  	s31 =	simm.s32 $0x5280  }
0x134: {  	[tilespmem:s31], [sflag:$0x2] =	stream.indirect.gather [spmem:s4], $0x1, s13, s28, $0xb8;
	[tilespmem:$0xA0E0] =	vst v63  }
0x135: {  	s14 =	simm.s32 $0x3680;
	s13 =	simm.s32 $0x1680  }
0x136: {  	[tilespmem:s14], [sflag:$0x2] =	stream.indirect.gather [spmem:s3], $0x1, s13, s28, $0xb8;
	[tilespmem:$0xA0E0] =	vst v63  }
0x137: {  	s31 =	simm.s32 $0x5680  }
0x138: {  	[tilespmem:s31], [sflag:$0x2] =	stream.indirect.gather [spmem:s4], $0x1, s13, s28, $0xb8;
	[tilespmem:$0xA0E0] =	vst v63  }
0x139: {  	s14 =	simm.s32 $0x3A80;
	s13 =	simm.s32 $0x1A80  }
0x13a: {  	[tilespmem:s14], [sflag:$0x2] =	stream.indirect.gather [spmem:s3], $0x1, s13, s28, $0xb8;
	[tilespmem:$0xA0E0] =	vst v63  }
0x13b: {  	s31 =	simm.s32 $0x5A80  }
0x13c: {  	[tilespmem:s31], [sflag:$0x2] =	stream.indirect.gather [spmem:s4], $0x1, s13, s28, $0xb8;
	[tilespmem:$0xA0E0] =	vst v63  }
0x13d: {  	s14 =	simm.s32 $0x3E80;
	s13 =	simm.s32 $0x1E80  }
0x13e: {  	[tilespmem:s14], [sflag:$0x2] =	stream.indirect.gather [spmem:s3], $0x1, s13, s28, $0xb8;
	[tilespmem:$0xA0E0] =	vst v63  }
0x13f: {  	s31 =	simm.s32 $0x5E80  }
0x140: {  	[tilespmem:s31], [sflag:$0x2] =	stream.indirect.gather [spmem:s4], $0x1, s13, s28, $0xb8;
	[tilespmem:$0xA0E0] =	vst v63  }
0x141: {  	s14 =	simm.s32 $0x3300;
	s13 =	simm.s32 $0x1300  }
0x142: {  	[tilespmem:s14], [sflag:$0x2] =	stream.indirect.gather [spmem:s3], $0x1, s13, s28, $0xb8;
	[tilespmem:$0xA0E0] =	vst v63  }
0x143: {  	s31 =	simm.s32 $0x5300  }
0x144: {  	[tilespmem:s31], [sflag:$0x2] =	stream.indirect.gather [spmem:s4], $0x1, s13, s28, $0xb8;
	[tilespmem:$0xA0E0] =	vst v63  }
0x145: {  	s14 =	simm.s32 $0x3700;
	s13 =	simm.s32 $0x1700  }
0x146: {  	[tilespmem:s14], [sflag:$0x2] =	stream.indirect.gather [spmem:s3], $0x1, s13, s28, $0xb8;
	[tilespmem:$0xA0E0] =	vst v63  }
0x147: {  	s31 =	simm.s32 $0x5700  }
0x148: {  	[tilespmem:s31], [sflag:$0x2] =	stream.indirect.gather [spmem:s4], $0x1, s13, s28, $0xb8;
	[tilespmem:$0xA0E0] =	vst v63  }
0x149: {  	s14 =	simm.s32 $0x3B00;
	s13 =	simm.s32 $0x1B00  }
0x14a: {  	[tilespmem:s14], [sflag:$0x2] =	stream.indirect.gather [spmem:s3], $0x1, s13, s28, $0xb8;
	[tilespmem:$0xA0E0] =	vst v63  }
0x14b: {  	s31 =	simm.s32 $0x5B00  }
0x14c: {  	[tilespmem:s31], [sflag:$0x2] =	stream.indirect.gather [spmem:s4], $0x1, s13, s28, $0xb8;
	[tilespmem:$0xA0E0] =	vst v63  }
0x14d: {  	s14 =	simm.s32 $0x3F00;
	s13 =	simm.s32 $0x1F00  }
0x14e: {  	[tilespmem:s14], [sflag:$0x2] =	stream.indirect.gather [spmem:s3], $0x1, s13, s28, $0xb8;
	[tilespmem:$0xA0E0] =	vst v63  }
0x14f: {  	s31 =	simm.s32 $0x5F00  }
0x150: {  	[tilespmem:s31], [sflag:$0x2] =	stream.indirect.gather [spmem:s4], $0x1, s13, s28, $0xb8;
	[tilespmem:$0xA0E0] =	vst v63  }
0x151: {  	s1 =	simm.s32 $0x3380  }
0x152: {  	[tilespmem:s1], [sflag:$0x2] =	stream.indirect.gather [spmem:s3], $0x1, s2, s28, $0xb8;
	[tilespmem:$0xA0E0] =	vst v63  }
0x153: {  	s13 =	simm.s32 $0x5380  }
0x154: {  	[tilespmem:s13], [sflag:$0x2] =	stream.indirect.gather [spmem:s4], $0x1, s2, s28, $0xb8;
	[tilespmem:$0xA0E0] =	vst v63  }
0x155: {  	s14 =	simm.s32 $0x3780  }
0x156: {  	[tilespmem:s14], [sflag:$0x2] =	stream.indirect.gather [spmem:s3], $0x1, s23, s28, $0xb8;
	[tilespmem:$0xA0E0] =	vst v63  }
0x157: {  	s31 =	simm.s32 $0x5780  }
0x158: {  	[tilespmem:s31], [sflag:$0x2] =	stream.indirect.gather [spmem:s4], $0x1, s23, s28, $0xb8;
	[tilespmem:$0xA0E0] =	vst v63  }
0x159: {  	s1 =	simm.s32 $0x3B80  }
0x15a: {  	[tilespmem:s1], [sflag:$0x2] =	stream.indirect.gather [spmem:s3], $0x1, s24, s28, $0xb8;
	[tilespmem:$0xA0E0] =	vst v63  }
0x15b: {  	s13 =	simm.s32 $0x5B80  }
0x15c: {  	[tilespmem:s13], [sflag:$0x2] =	stream.indirect.gather [spmem:s4], $0x1, s24, s28, $0xb8;
	[tilespmem:$0xA0E0] =	vst v63  }
0x15d: {  	s14 =	simm.s32 $0x3F80  }
0x15e: {  	[tilespmem:s14], [sflag:$0x2] =	stream.indirect.gather [spmem:s3], $0x1, s25, s28, $0xb8;
	[tilespmem:$0xA0E0] =	vst v63  }
0x15f: {  	s31 =	simm.s32 $0x5F80  }
0x160: {  	[tilespmem:s31], [sflag:$0x2] =	stream.indirect.gather [spmem:s4], $0x1, s25, s28, $0xb8;
	[tilespmem:$0xA0E0] =	vst v63  }
.LBB2_9:
0x161: {  	_ =	swait.ge [sflag:s30], $0x80  }
0x162: {  	[sflag:s30] =	ssyncset.done $0x0  }
0x163: {  	[sflag:s30] =	ssyncadd.s32 $0xFFFFFF80  }
0x164: {  	_ =	swait.ge [sflag:s30], $0x80  }
0x165: {  	[sflag:s30] =	ssyncset.done $0x0  }
0x166: {  	[sflag:s30] =	ssyncadd.s32 $0xFFFFFF80  }
0x167: {  	_ =	swait.ge [sflag:s30], $0x80  }
0x168: {  	[sflag:s30] =	ssyncset.done $0x0  }
0x169: {  	[sflag:s30] =	ssyncadd.s32 $0xFFFFFF80  }
0x16a: {  	_ =	swait.ge [sflag:s30], $0x80  }
0x16b: {  	[sflag:s30] =	ssyncset.done $0x0  }
0x16c: {  	[sflag:s30] =	ssyncadd.s32 $0xFFFFFF80  }
0x16d: {  	_ =	swait.ge [sflag:s30], $0x80  }
0x16e: {  	[sflag:s30] =	ssyncset.done $0x0  }
0x16f: {  	[sflag:s30] =	ssyncadd.s32 $0xFFFFFF80  }
0x170: {  	_ =	swait.ge [sflag:s30], $0x80  }
0x171: {  	[sflag:s30] =	ssyncset.done $0x0  }
0x172: {  	[sflag:s30] =	ssyncadd.s32 $0xFFFFFF80  }
0x173: {  	_ =	swait.ge [sflag:s30], $0x80  }
0x174: {  	[sflag:s30] =	ssyncset.done $0x0  }
0x175: {  	[sflag:s30] =	ssyncadd.s32 $0xFFFFFF80  }
0x176: {  	_ =	swait.ge [sflag:s30], $0x80  }
0x177: {  	s1 =	sshll.u32 s16, $0x1;
	s0 =	simm.s32 $0x7;
	[sflag:s30] =	ssyncset.done $0x0  }
.LBB2_10:
0x178: {  	p3 =	sne.s32 s0, $0x1;
	s0 =	sadd.s32 $0xFFFFFFFF, s0;
	[sflag:s30] =	ssyncadd.s32 $0xFFFFFF80  }
0x179: {  	_ =	swait.ge [sflag:s30], $0x80  }
0x17a: {  	[sflag:s30] =	ssyncset.done $0x0  }
0x17b: {  	[sflag:s30] =	ssyncadd.s32 $0xFFFFFF80  }
0x17c: {  	_ =	swait.ge [sflag:s30], $0x80  }
0x17d: {  	[sflag:s30] =	ssyncset.done $0x0  }
0x17e: {  	[sflag:s30] =	ssyncadd.s32 $0xFFFFFF80  }
0x17f: {  	_ =	swait.ge [sflag:s30], $0x80  }
0x180: {  	[sflag:s30] =	ssyncset.done $0x0  }
0x181: {  	[sflag:s30] =	ssyncadd.s32 $0xFFFFFF80  }
0x182: {  	_ =	swait.ge [sflag:s30], $0x80  }
0x183: {  	[sflag:s30] =	ssyncset.done $0x0  }
0x184: {  	[sflag:s30] =	ssyncadd.s32 $0xFFFFFF80  }
0x185: {  	_ =	swait.ge [sflag:s30], $0x80  }
0x186: {  	[sflag:s30] =	ssyncset.done $0x0  }
0x187: {  	[sflag:s30] =	ssyncadd.s32 $0xFFFFFF80  }
0x188: {  	_ =	swait.ge [sflag:s30], $0x80  }
0x189: {  	[sflag:s30] =	ssyncset.done $0x0  }
0x18a: {  	[sflag:s30] =	ssyncadd.s32 $0xFFFFFF80  }
.Ltmp8:
0x18b: {  	_ =	swait.ge [sflag:s30], $0x80;
	(pc) =	sbr.rel @p3 .LBB2_10-.Ltmp8, $4  }
0x18c: {  	[sflag:s30] =	ssyncset.done $0x0  }
0x18d: {  	[sflag:s30] =	ssyncadd.s32 $0xFFFFFF80  }
0x18e: {  	_ =	swait.ge [sflag:s30], $0x80  }
0x18f: {  	[sflag:s30] =	ssyncset.done $0x0  }
0x190: {  	[sflag:s30] =	ssyncadd.s32 $0xFFFFFF80;
	s14 =	simm.s32 $0x0  }
0x191: {  	v0 =	vld [tilespmem:s14+$0x4C00]  }
0x192: {  	v1 =	vld [tilespmem:s14+$0x4800]  }
0x193: {  	v2 =	vld [tilespmem:s14+$0x4400]  }
0x194: {  	v3 =	vld [tilespmem:s14+$0x4000]  }
0x195: {  	v4 =	vld [tilespmem:s14+$0x2C00]  }
0x196: {  	v6 =	vld [tilespmem:s14+$0x2400]  }
0x197: {  	v7 =	vld [tilespmem:s14+$0x2800];
	_ =	sdelay $0x1  }
0x198: {  	v5 =	vld [tilespmem:s14+$0x2000];
	v8 =	vsub.f32 v1, v0;
	v9 =	vsub.f32 v2, v1  }
0x199: {  	v10 =	vsub.f32 v2, v0;
	v0 =	vsub.f32 v3, v0  }
0x19a: {  	v2 =	vsub.f32 v3, v2;
	v1 =	vsub.f32 v3, v1;
	v3 =	vand.u32 $0xFFFF0000, v4  }
0x19b: {  	v4 =	vshll.u32 v4, $0x10;
	v12 =	vand.u32 $0xFFFF0000, v6;
	v13 =	vand.u32 $0xFFFF0000, v7  }
0x19c: {  	v6 =	vshll.u32 v6, $0x10;
	v7 =	vshll.u32 v7, $0x10;
	v14 =	vsub.f32 v13, v3  }
0x19d: {  	v11 =	vand.u32 $0xFFFF0000, v5;
	v15 =	vsub.f32 v12, v13;
	v16 =	vsub.f32 v6, v7  }
0x19e: {  	v5 =	vshll.u32 v5, $0x10;
	v17 =	vsub.f32 v11, v3;
	v18 =	vsub.f32 v11, v12  }
0x19f: {  	v19 =	vsub.f32 v5, v6;
	v8 =	vmul.f32 v8, v8;
	v9 =	vmul.f32 v9, v9  }
0x1a0: {  	v11 =	vsub.f32 v11, v13;
	v0 =	vmul.f32 v0, v0;
	v2 =	vmul.f32 v2, v2  }
0x1a1: {  	v3 =	vsub.f32 v12, v3;
	v1 =	vmul.f32 v1, v1;
	v14 =	vmul.f32 v14, v14  }
0x1a2: {  	v13 =	vmul.f32 v16, v16;
	v16 =	vmul.f32 v18, v18;
	v18 =	vsub.f32 v5, v7  }
0x1a3: {  	v15 =	vmul.f32 v15, v15;
	v5 =	vsub.f32 v5, v4;
	v19 =	vmul.f32 v19, v19  }
0x1a4: {  	v6 =	vsub.f32 v6, v4;
	v11 =	vmul.f32 v11, v11;
	v12 =	vmul.f32 v18, v18  }
0x1a5: {  	v17 =	vmul.f32 v17, v17;
	v4 =	vsub.f32 v7, v4;
	v5 =	vmul.f32 v5, v5  }
0x1a6: {  	v3 =	vmul.f32 v3, v3;
	v7 =	vadd.f32 v19, v16;
	v11 =	vadd.f32 v12, v11  }
0x1a7: {  	v6 =	vmul.f32 v6, v6;
	v5 =	vadd.f32 v5, v17;
	v12 =	vadd.f32 v13, v15  }
0x1a8: {  	s31 =	simm.s32 $0x10;
	v4 =	vmul.f32 v4, v4;
	v2 =	vadd.f32 v7, v2;
	v1 =	vadd.f32 v11, v1  }
0x1a9: {  	v3 =	vadd.f32 v6, v3;
	v6 =	vld [tilespmem:s31+$0x4400];
	v7 =	vmul.f32 v10, v10;
	v0 =	vadd.f32 v5, v0  }
0x1aa: {  	v10 =	vld [tilespmem:s31+$0x4C00];
	v4 =	vadd.f32 v4, v14;
	v1 =	vmin.f32 v2, v1;
	v2 =	vadd.f32 v12, v9  }
0x1ab: {  	v5 =	vld [tilespmem:s31+$0x4800];
	v0 =	vmin.f32 v1, v0;
	v1 =	vadd.f32 v3, v7  }
0x1ac: {  	v11 =	vld [tilespmem:s31+$0x2800];
	v0 =	vmin.f32 v0, v2;
	v2 =	vadd.f32 v4, v8  }
0x1ad: {  	v0 =	vmin.f32 v0, v1  }
0x1ae: {  	v3 =	vld [tilespmem:s31+$0x4000];
	v0 =	vmin.f32 v0, v2  }
0x1af: {  	v4 =	vadd.f32 $9.999999960e-13, v0  }
0x1b0: {  	v9 =	vsub.f32 v6, v10;
	v8 =	vld [tilespmem:s31+$0x2400];
	v7 =	vsub.f32 v6, v5  }
0x1b1: {  	v1 =	vld [tilespmem:s31+$0x2C00];
	v17 =	vand.u32 $0xFFFF0000, v11;
	v12 =	vshra.s32 v4, $0x1;
	v13 =	vmul.f32 $5.000000000e-01, v4  }
0x1b2: {  	v11 =	vshll.u32 v11, $0x10;
	v9 =	vmul.f32 v9, v9;
	v12 =	vsub.s32 $0x5F3759DF, v12  }
0x1b3: {  	v0 =	vsub.f32 v5, v10;
	v10 =	vsub.f32 v3, v10;
	v14 =	vmul.f32 v12, v13  }
0x1b4: {  	v2 =	vld [tilespmem:s31+$0x2000];
	v7 =	vmul.f32 v7, v7;
	v6 =	vsub.f32 v3, v6;
	v3 =	vsub.f32 v3, v5  }
0x1b5: {  	v16 =	vand.u32 $0xFFFF0000, v8;
	v8 =	vshll.u32 v8, $0x10;
	v14 =	vmul.f32 v12, v14  }
0x1b6: {  	v0 =	vmul.f32 v0, v0;
	v5 =	vand.u32 $0xFFFF0000, v1;
	v1 =	vshll.u32 v1, $0x10  }
0x1b7: {  	v20 =	vsub.f32 v16, v17;
	v10 =	vmul.f32 v10, v10;
	v14 =	vsub.f32 $1.500000000e+00, v14  }
0x1b8: {  	v21 =	vsub.f32 v8, v11;
	v6 =	vmul.f32 v6, v6;
	v3 =	vmul.f32 v3, v3  }
0x1b9: {  	v15 =	vand.u32 $0xFFFF0000, v2;
	v18 =	vsub.f32 v16, v5;
	v12 =	vmul.f32 v12, v14  }
0x1ba: {  	v2 =	vshll.u32 v2, $0x10;
	v19 =	vsub.f32 v17, v5;
	v5 =	vsub.f32 v15, v5  }
0x1bb: {  	v16 =	vsub.f32 v15, v16;
	v23 =	vsub.f32 v2, v8;
	v22 =	vmul.f32 v12, v13  }
0x1bc: {  	v20 =	vmul.f32 v20, v20;
	v15 =	vsub.f32 v15, v17;
	v21 =	vmul.f32 v21, v21  }
0x1bd: {  	v14 =	vsub.f32 v2, v1;
	v2 =	vsub.f32 v2, v11;
	v17 =	vmul.f32 v22, v12  }
0x1be: {  	v8 =	vsub.f32 v8, v1;
	v19 =	vmul.f32 v19, v19;
	v16 =	vmul.f32 v16, v16  }
0x1bf: {  	v15 =	vmul.f32 v15, v15;
	v2 =	vmul.f32 v2, v2;
	v17 =	vsub.f32 $1.500000000e+00, v17  }
0x1c0: {  	v5 =	vmul.f32 v5, v5;
	v1 =	vsub.f32 v11, v1;
	v22 =	vmul.f32 v23, v23  }
0x1c1: {  	v14 =	vmul.f32 v14, v14;
	v2 =	vadd.f32 v2, v15;
	v11 =	vmul.f32 v17, v12  }
0x1c2: {  	s13 =	simm.s32 $0x20;
	v18 =	vmul.f32 v18, v18;
	v8 =	vmul.f32 v8, v8;
	v15 =	vld [tilespmem:s14+$0x6000];
	v12 =	vadd.f32 v22, v16  }
0x1c3: {  	v5 =	vadd.f32 v14, v5;
	v2 =	vadd.f32 v2, v3;
	v3 =	vld [tilespmem:s13+$0x4400];
	v13 =	vmul.f32 v11, v13  }
0x1c4: {  	v1 =	vmul.f32 v1, v1;
	v14 =	vadd.f32 v21, v20;
	v16 =	vld [tilespmem:s13+$0x4C00];
	v6 =	vadd.f32 v12, v6  }
0x1c5: {  	v8 =	vadd.f32 v8, v18;
	v5 =	vadd.f32 v5, v10;
	v17 =	vld [tilespmem:s13+$0x4800];
	v10 =	vmul.f32 v13, v11  }
0x1c6: {  	v1 =	vadd.f32 v1, v19;
	v12 =	vld [tilespmem:s13+$0x4000];
	v2 =	vmin.f32 v6, v2;
	v6 =	vadd.f32 v14, v7  }
0x1c7: {  	v18 =	vld [tilespmem:s13+$0x2800];
	v2 =	vmin.f32 v2, v5;
	v5 =	vadd.f32 v8, v9;
	v7 =	vsub.f32 $1.500000000e+00, v10  }
0x1c8: {  	v0 =	vadd.f32 v1, v0;
	v2 =	vmin.f32 v2, v6  }
0x1c9: {  	v13 =	vld [tilespmem:s13+$0x2400];
	v9 =	vsub.f32 $0.0e+00, v15;
	v1 =	vmin.f32 v2, v5;
	v2 =	vmul.f32 v7, v11  }
0x1ca: {  	v20 =	vsub.f32 v17, v16;
	v10 =	vld [tilespmem:s13+$0x2C00];
	v6 =	vsub.f32 v3, v16;
	v0 =	vmin.f32 v1, v0  }
0x1cb: {  	v5 =	vld [tilespmem:s13+$0x2000];
	v8 =	vsub.f32 v12, v16;
	v0 =	vadd.f32 $9.999999960e-13, v0;
	v2 =	vmul.f32 v2, v4  }
0x1cc: {  	v14 =	vand.u32 $0xFFFF0000, v18;
	v7 =	vsub.f32 v3, v17;
	v11 =	vsub.f32 v12, v3  }
0x1cd: {  	v4 =	vshra.s32 v0, $0x1;
	v1 =	vmul.f32 $5.000000000e-01, v0;
	v2 =	vmul.f32 v2, v9  }
0x1ce: {  	v12 =	vsub.f32 v12, v17;
	v16 =	vand.u32 $0xFFFF0000, v13;
	v17 =	vsub.s32 $0x5F3759DF, v4  }
0x1cf: {  	v15 =	vand.u32 $0xFFFF0000, v10;
	v19 =	vmul.f32 v17, v1;
	v2 =	vmul.f32 $1.442695020e+00, v2  }
0x1d0: {  	v3 =	vshll.u32 v10, $0x10;
	v10 =	vand.u32 $0xFFFF0000, v5;
	v9 =	vshll.u32 v5, $0x10  }
0x1d1: {  	v4 =	vshll.u32 v13, $0x10;
	v21 =	vmul.f32 v17, v19;
	(erf) = vpow2.f32 v2  }
0x1d2: {  	v5 =	vshll.u32 v18, $0x10;
	v13 =	vsub.f32 v16, v15;
	v18 =	vsub.f32 v16, v14  }
0x1d3: {  	s0 =	simm.s32 $0xC0;
	v19 =	vsub.f32 v14, v15;
	v2 =	vmul.f32 v20, v20;
	v20 =	vsub.f32 $1.500000000e+00, v21  }
.LBB2_12:
0x1d4: {  	p3 =	sne.s32 s0, $0xFC0;
	v21 =	vsub.f32 v4, v5;
	v7 =	vmul.f32 v7, v7;
	v6 =	vmul.f32 v6, v6  }
0x1d5: {  	v15 =	vsub.f32 v10, v15;
	v8 =	vmul.f32 v8, v8;
	v17 =	vmul.f32 v17, v20  }
0x1d6: {  	v11 =	vmul.f32 v11, v11;
	v12 =	vmul.f32 v12, v12;
	v20 =	vsub.f32 v9, v3  }
0x1d7: {  	v16 =	vsub.f32 v10, v16;
	v19 =	vmul.f32 v19, v19;
	v24 =	vmul.f32 v17, v1  }
0x1d8: {  	v23 =	vsub.f32 v9, v4;
	v13 =	vmul.f32 v13, v13;
	v18 =	vmul.f32 v18, v18  }
0x1d9: {  	v10 =	vsub.f32 v10, v14;
	v14 =	vmul.f32 v21, v21;
	v21 =	vmul.f32 v24, v17  }
0x1da: {  	v9 =	vsub.f32 v9, v5;
	v16 =	vmul.f32 v16, v16;
	v15 =	vmul.f32 v15, v15;
	v22 =	vpop (erf)  }
0x1db: {  	v23 =	vmul.f32 v23, v23;
	v21 =	vsub.f32 $1.500000000e+00, v21;
	v22 =	vsub.f32 $1.000000000e+00, v22  }
0x1dc: {  	v4 =	vsub.f32 v4, v3;
	v10 =	vmul.f32 v10, v10;
	v9 =	vmul.f32 v9, v9  }
0x1dd: {  	v3 =	vsub.f32 v5, v3;
	v20 =	vmul.f32 v20, v20;
	v5 =	vmul.f32 v21, v17;
	[tilespmem:s14+$0x6400] =	vst v22;
	s14 =	smov.u32 s31;
	s31 =	smov.u32 s13  }
0x1de: {  	v4 =	vmul.f32 v4, v4;
	v16 =	vadd.f32 v23, v16;
	v9 =	vadd.f32 v9, v10;
	s13 =	sshra.s32 s0, $0x2;
	v10 =	vld [tilespmem:s14+$0x6000]  }
0x1df: {  	v14 =	vadd.f32 v14, v18;
	v15 =	vadd.f32 v20, v15;
	v17 =	vld [tilespmem:s13+$0x4C00];
	v1 =	vmul.f32 v5, v1  }
0x1e0: {  	v3 =	vmul.f32 v3, v3;
	v11 =	vadd.f32 v16, v11;
	v9 =	vadd.f32 v9, v12;
	v18 =	vld [tilespmem:s13+$0x4800]  }
0x1e1: {  	v4 =	vadd.f32 v4, v13;
	v8 =	vadd.f32 v15, v8;
	v12 =	vld [tilespmem:s13+$0x4400];
	v1 =	vmul.f32 v1, v5  }
0x1e2: {  	v3 =	vadd.f32 v3, v19;
	v7 =	vadd.f32 v14, v7;
	v9 =	vmin.f32 v11, v9;
	v13 =	vld [tilespmem:s13+$0x4000]  }
0x1e3: {  	v4 =	vadd.f32 v4, v6;
	v8 =	vmin.f32 v9, v8;
	v1 =	vsub.f32 $1.500000000e+00, v1  }
0x1e4: {  	v2 =	vadd.f32 v3, v2;
	v6 =	vmin.f32 v8, v7;
	v3 =	vsub.f32 $0.0e+00, v10  }
0x1e5: {  	v4 =	vmin.f32 v6, v4;
	v9 =	vld [tilespmem:s13+$0x2C00];
	v20 =	vsub.f32 v18, v17;
	v1 =	vmul.f32 v1, v5  }
0x1e6: {  	v2 =	vmin.f32 v4, v2;
	v5 =	vld [tilespmem:s13+$0x2000];
	v7 =	vsub.f32 v12, v18;
	v6 =	vsub.f32 v12, v17  }
0x1e7: {  	v4 =	vld [tilespmem:s13+$0x2400];
	v8 =	vsub.f32 v13, v17;
	v10 =	vmul.f32 v1, v0;
	v0 =	vadd.f32 $9.999999960e-13, v2  }
0x1e8: {  	v11 =	vsub.f32 v13, v12;
	v12 =	vsub.f32 v13, v18;
	v2 =	vld [tilespmem:s13+$0x2800]  }
0x1e9: {  	v13 =	vshra.s32 v0, $0x1;
	v1 =	vmul.f32 $5.000000000e-01, v0;
	v14 =	vmul.f32 v10, v3  }
0x1ea: {  	v15 =	vand.u32 $0xFFFF0000, v9;
	v3 =	vshll.u32 v9, $0x10;
	v17 =	vsub.s32 $0x5F3759DF, v13  }
.Ltmp9:
0x1eb: {  	v10 =	vand.u32 $0xFFFF0000, v5;
	v13 =	vmul.f32 v17, v1;
	v18 =	vmul.f32 $1.442695020e+00, v14;
	(pc) =	sbr.rel @p3 .LBB2_12-.Ltmp9, $4  }
0x1ec: {  	v9 =	vshll.u32 v5, $0x10;
	v16 =	vand.u32 $0xFFFF0000, v4;
	v4 =	vshll.u32 v4, $0x10  }
0x1ed: {  	v14 =	vand.u32 $0xFFFF0000, v2;
	v21 =	vmul.f32 v17, v13;
	(erf) = vpow2.f32 v18  }
0x1ee: {  	v5 =	vshll.u32 v2, $0x10;
	v13 =	vsub.f32 v16, v15;
	v19 =	vsub.f32 v14, v15  }
0x1ef: {  	s0 =	sadd.s32 $0x40, s0;
	v2 =	vmul.f32 v20, v20;
	v18 =	vsub.f32 v16, v14;
	v20 =	vsub.f32 $1.500000000e+00, v21  }
0x1f0: {  	v7 =	vmul.f32 v7, v7;
	v21 =	vsub.f32 v4, v5  }
0x1f1: {  	v15 =	vsub.f32 v10, v15;
	v8 =	vmul.f32 v8, v8;
	v11 =	vmul.f32 v11, v11  }
0x1f2: {  	v12 =	vmul.f32 v12, v12;
	v39 =	vsub.f32 v9, v3;
	v16 =	vsub.f32 v10, v16  }
0x1f3: {  	v23 =	vsub.f32 v9, v4;
	v46 =	vmul.f32 v13, v13;
	v17 =	vmul.f32 v17, v20  }
0x1f4: {  	v40 =	vsub.f32 v10, v14;
	v18 =	vmul.f32 v18, v18;
	v21 =	vmul.f32 v21, v21  }
0x1f5: {  	v42 =	vsub.f32 v9, v5;
	v16 =	vmul.f32 v16, v16;
	v15 =	vmul.f32 v15, v15  }
0x1f6: {  	v44 =	vsub.f32 v4, v3;
	v23 =	vmul.f32 v23, v23;
	v10 =	vmul.f32 v40, v40  }
0x1f7: {  	v9 =	vmul.f32 v42, v42;
	v22 =	vmul.f32 v17, v1  }
0x1f8: {  	v45 =	vsub.f32 v5, v3;
	v20 =	vmul.f32 v39, v39;
	v4 =	vmul.f32 v44, v44  }
0x1f9: {  	v47 =	vadd.f32 v23, v16;
	v9 =	vadd.f32 v9, v10;
	v41 =	vmul.f32 v22, v17  }
0x1fa: {  	v19 =	vmul.f32 v19, v19;
	v48 =	vadd.f32 v20, v15;
	v49 =	vadd.f32 v21, v18  }
0x1fb: {  	v3 =	vmul.f32 v45, v45;
	v4 =	vadd.f32 v4, v46;
	v14 =	vsub.f32 $1.500000000e+00, v41  }
0x1fc: {  	v6 =	vmul.f32 v6, v6;
	v11 =	vadd.f32 v47, v11;
	v9 =	vadd.f32 v9, v12  }
0x1fd: {  	v3 =	vadd.f32 v3, v19;
	v8 =	vadd.f32 v48, v8;
	v50 =	vmul.f32 v14, v17  }
0x1fe: {  	v43 =	vpop (erf);
	v7 =	vadd.f32 v49, v7;
	v4 =	vadd.f32 v4, v6;
	v51 =	vmin.f32 v11, v9  }
0x1ff: {  	v22 =	vsub.f32 $1.000000000e+00, v43;
	v5 =	vmin.f32 v51, v8;
	v52 =	vmul.f32 v50, v1  }
0x200: {  	v2 =	vadd.f32 v3, v2;
	v5 =	vmin.f32 v5, v7  }
0x201: {  	[tilespmem:s14+$0x6400] =	vst v22;
	v53 =	vmin.f32 v5, v4;
	v1 =	vmul.f32 v52, v50  }
0x202: {  	v54 =	vld [tilespmem:s31+$0x6000];
	v2 =	vmin.f32 v53, v2  }
0x203: {  	v2 =	vadd.f32 $9.999999960e-13, v2;
	v1 =	vsub.f32 $1.500000000e+00, v1;
	_ =	sdelay $0x1  }
0x204: {  	v55 =	vshra.s32 v2, $0x1;
	v56 =	vmul.f32 $5.000000000e-01, v2;
	v1 =	vmul.f32 v1, v50  }
0x205: {  	v3 =	vsub.s32 $0x5F3759DF, v55  }
0x206: {  	v4 =	vsub.f32 $0.0e+00, v54;
	v57 =	vmul.f32 v3, v56;
	v0 =	vmul.f32 v1, v0;
	_ =	sdelay $0x1  }
0x207: {  	v1 =	vmul.f32 v3, v57;
	v0 =	vmul.f32 v0, v4;
	_ =	sdelay $0x1  }
0x208: {  	v1 =	vsub.f32 $1.500000000e+00, v1;
	v0 =	vmul.f32 $1.442695020e+00, v0;
	_ =	sdelay $0x1  }
0x209: {  	v58 =	vmul.f32 v3, v1;
	(erf) = vpow2.f32 v0;
	_ =	sdelay $0x1  }
0x20a: {  	v1 =	vmul.f32 v58, v56;
	_ =	sdelay $0x1  }
0x20b: {  	v1 =	vmul.f32 v1, v58;
	_ =	sdelay $0x1  }
0x20c: {  	v1 =	vsub.f32 $1.500000000e+00, v1;
	_ =	sdelay $0x1  }
0x20d: {  	v0 =	vmul.f32 v1, v58  }
0x20e: {  	v59 =	vpop (erf)  }
0x20f: {  	v60 =	vmul.f32 v0, v56;
	v1 =	vsub.f32 $1.000000000e+00, v59;
	_ =	sdelay $0x1  }
0x210: {  	v61 =	vmul.f32 v60, v0;
	[tilespmem:s31+$0x6400] =	vst v1  }
0x211: {  	v62 =	vld [tilespmem:s13+$0x6000]  }
0x212: {  	v1 =	vsub.f32 $1.500000000e+00, v61;
	_ =	sdelay $0x1  }
0x213: {  	v0 =	vmul.f32 v1, v0;
	_ =	sdelay $0x1  }
0x214: {  	v0 =	vmul.f32 v0, v2;
	v63 =	vsub.f32 $0.0e+00, v62;
	_ =	sdelay $0x1  }
0x215: {  	v0 =	vmul.f32 v0, v63;
	_ =	sdelay $0x1  }
0x216: {  	v0 =	vmul.f32 $1.442695020e+00, v0;
	_ =	sdelay $0x1  }
0x217: {  	(erf) = vpow2.f32 v0;
	_ =	sdelay $0x8  }
0x218: {  	v0 =	vpop (erf)  }
0x219: {  	v0 =	vsub.f32 $1.000000000e+00, v0  }
0x21a: {  	s0 =	sshll.u32 s16, $0xD  }
.Ltmp10:
0x21b: {  	s0 =	sadd.s32 s0, s18;
	[tilespmem:s13+$0x6400] =	vst v0;
	(pc) =	sbr.rel @p2 .LBB2_21-.Ltmp10, $4  }
0x21c: {  	[hbm4b:s0+s5] =	stream.linear.scatter [tilespmem:s21], [sflag:$0x4], $0x400, $0x38;
	[tilespmem:$0xA0E0] =	vst v63  }
0x21d: {  	_ =	swait.ge [sflag:s6], $0x400  }
0x21e: {  	[sflag:s6] =	ssyncset.done $0x0  }
0x21f: {  	[sflag:s6] =	ssyncadd.s32 $0xFFFFFC00  }
0x220: {  	s0 =	sadd.s32 $0x2, s1  }
0x221: {  	p2 =	sge.u32 s0, s12  }
.Ltmp11:
0x222: {  	_ = 	snop;
	(pc) =	sbr.rel @p2 .LBB2_16-.Ltmp11, $1  }
0x223: {  	_ =	sdelay $0x3  }
0x224: {  	s0 =	sshll.u32 s0, $0xC  }
0x225: {  	s0 =	sor.u32 s11, s0  }
0x226: {  	s1 =	sadd.s32 s7, s0  }
0x227: {  	[tilespmem:s5], [sflag:$0x4] =	stream.linear.gather [hbm4b:s1+s5], $0x400, $0x38;
	[tilespmem:$0xA0E0] =	vst v63  }
0x228: {  	_ =	swait.ge [sflag:s6], $0x400  }
0x229: {  	[sflag:s6] =	ssyncset.done $0x0  }
0x22a: {  	s13 =	simm.s32 $0x400;
	s14 =	sadd.s32 s8, s0;
	[sflag:s6] =	ssyncadd.s32 $0xFFFFFC00  }
0x22b: {  	[tilespmem:s13], [sflag:$0x4] =	stream.linear.gather [hbm4b:s14+s5], $0x400, $0x38;
	[tilespmem:$0xA0E0] =	vst v63  }
0x22c: {  	_ =	swait.ge [sflag:s6], $0x400  }
0x22d: {  	[sflag:s6] =	ssyncset.done $0x0  }
0x22e: {  	s31 =	sadd.s32 s9, s0;
	s14 =	simm.s32 $0x800;
	[sflag:s6] =	ssyncadd.s32 $0xFFFFFC00  }
0x22f: {  	[tilespmem:s14], [sflag:$0x4] =	stream.linear.gather [hbm4b:s31+s5], $0x400, $0x38;
	[tilespmem:$0xA0E0] =	vst v63  }
0x230: {  	_ =	swait.ge [sflag:s6], $0x400  }
0x231: {  	[sflag:s6] =	ssyncset.done $0x0  }
0x232: {  	s1 =	sadd.s32 s10, s0;
	s31 =	simm.s32 $0xC00;
	[sflag:s6] =	ssyncadd.s32 $0xFFFFFC00  }
0x233: {  	[tilespmem:s31], [sflag:$0x4] =	stream.linear.gather [hbm4b:s1+s5], $0x400, $0x38;
	[tilespmem:$0xA0E0] =	vst v63  }
0x234: {  	_ =	swait.ge [sflag:s6], $0x400  }
0x235: {  	[sflag:s6] =	ssyncset.done $0x0  }
0x236: {  	[sflag:s6] =	ssyncadd.s32 $0xFFFFFC00  }
0x237: {  	s1 =	rddreg [dreg:$0x1]  }
0x238: {  	s0 =	sadd.s32 s1, s0;
	s1 =	simm.s32 $0x6000  }
0x239: {  	[tilespmem:s1], [sflag:$0x4] =	stream.linear.gather [hbm4b:s0+s5], $0x400, $0x38;
	[tilespmem:$0xA0E0] =	vst v63  }
0x23a: {  	_ =	swait.ge [sflag:s6], $0x400  }
0x23b: {  	[sflag:s6] =	ssyncset.done $0x0  }
0x23c: {  	s1 =	simm.s32 $0x2000;
	[sflag:s6] =	ssyncadd.s32 $0xFFFFFC00  }
0x23d: {  	[tilespmem:s1], [sflag:$0x1] =	stream.indirect.gather [spmem:s3], $0x1, s5, s28, $0xb8;
	[tilespmem:$0xA0E0] =	vst v63  }
0x23e: {  	s1 =	simm.s32 $0x4000  }
0x23f: {  	[tilespmem:s1], [sflag:$0x1] =	stream.indirect.gather [spmem:s4], $0x1, s5, s28, $0xb8;
	[tilespmem:$0xA0E0] =	vst v63  }
0x240: {  	s1 =	simm.s32 $0x2400  }
0x241: {  	[tilespmem:s1], [sflag:$0x1] =	stream.indirect.gather [spmem:s3], $0x1, s13, s28, $0xb8;
	[tilespmem:$0xA0E0] =	vst v63  }
0x242: {  	s1 =	simm.s32 $0x4400  }
0x243: {  	[tilespmem:s1], [sflag:$0x1] =	stream.indirect.gather [spmem:s4], $0x1, s13, s28, $0xb8;
	[tilespmem:$0xA0E0] =	vst v63  }
0x244: {  	s13 =	simm.s32 $0x2800  }
0x245: {  	[tilespmem:s13], [sflag:$0x1] =	stream.indirect.gather [spmem:s3], $0x1, s14, s28, $0xb8;
	[tilespmem:$0xA0E0] =	vst v63  }
0x246: {  	s1 =	simm.s32 $0x4800  }
0x247: {  	[tilespmem:s1], [sflag:$0x1] =	stream.indirect.gather [spmem:s4], $0x1, s14, s28, $0xb8;
	[tilespmem:$0xA0E0] =	vst v63  }
0x248: {  	s13 =	simm.s32 $0x2C00  }
0x249: {  	[tilespmem:s13], [sflag:$0x1] =	stream.indirect.gather [spmem:s3], $0x1, s31, s28, $0xb8;
	[tilespmem:$0xA0E0] =	vst v63  }
0x24a: {  	s14 =	simm.s32 $0x4C00  }
0x24b: {  	[tilespmem:s14], [sflag:$0x1] =	stream.indirect.gather [spmem:s4], $0x1, s31, s28, $0xb8;
	[tilespmem:$0xA0E0] =	vst v63  }
0x24c: {  	s31 =	simm.s32 $0x2080  }
0x24d: {  	[tilespmem:s31], [sflag:$0x1] =	stream.indirect.gather [spmem:s3], $0x1, s28, s28, $0xb8;
	[tilespmem:$0xA0E0] =	vst v63  }
0x24e: {  	s1 =	simm.s32 $0x4080  }
0x24f: {  	[tilespmem:s1], [sflag:$0x1] =	stream.indirect.gather [spmem:s4], $0x1, s28, s28, $0xb8;
	[tilespmem:$0xA0E0] =	vst v63  }
0x250: {  	s13 =	simm.s32 $0x480;
	s14 =	simm.s32 $0x2480  }
0x251: {  	[tilespmem:s14], [sflag:$0x1] =	stream.indirect.gather [spmem:s3], $0x1, s13, s28, $0xb8;
	[tilespmem:$0xA0E0] =	vst v63  }
0x252: {  	s31 =	simm.s32 $0x4480  }
0x253: {  	[tilespmem:s31], [sflag:$0x1] =	stream.indirect.gather [spmem:s4], $0x1, s13, s28, $0xb8;
	[tilespmem:$0xA0E0] =	vst v63  }
0x254: {  	s14 =	simm.s32 $0x2880;
	s13 =	simm.s32 $0x880  }
0x255: {  	[tilespmem:s14], [sflag:$0x1] =	stream.indirect.gather [spmem:s3], $0x1, s13, s28, $0xb8;
	[tilespmem:$0xA0E0] =	vst v63  }
0x256: {  	s31 =	simm.s32 $0x4880  }
0x257: {  	[tilespmem:s31], [sflag:$0x1] =	stream.indirect.gather [spmem:s4], $0x1, s13, s28, $0xb8;
	[tilespmem:$0xA0E0] =	vst v63  }
0x258: {  	s14 =	simm.s32 $0x2C80;
	s13 =	simm.s32 $0xC80  }
0x259: {  	[tilespmem:s14], [sflag:$0x1] =	stream.indirect.gather [spmem:s3], $0x1, s13, s28, $0xb8;
	[tilespmem:$0xA0E0] =	vst v63  }
0x25a: {  	s31 =	simm.s32 $0x4C80  }
0x25b: {  	[tilespmem:s31], [sflag:$0x1] =	stream.indirect.gather [spmem:s4], $0x1, s13, s28, $0xb8;
	[tilespmem:$0xA0E0] =	vst v63  }
0x25c: {  	s14 =	simm.s32 $0x2100;
	s13 =	simm.s32 $0x100  }
0x25d: {  	[tilespmem:s14], [sflag:$0x1] =	stream.indirect.gather [spmem:s3], $0x1, s13, s28, $0xb8;
	[tilespmem:$0xA0E0] =	vst v63  }
0x25e: {  	s31 =	simm.s32 $0x4100  }
0x25f: {  	[tilespmem:s31], [sflag:$0x1] =	stream.indirect.gather [spmem:s4], $0x1, s13, s28, $0xb8;
	[tilespmem:$0xA0E0] =	vst v63  }
0x260: {  	s14 =	simm.s32 $0x2500;
	s13 =	simm.s32 $0x500  }
0x261: {  	[tilespmem:s14], [sflag:$0x1] =	stream.indirect.gather [spmem:s3], $0x1, s13, s28, $0xb8;
	[tilespmem:$0xA0E0] =	vst v63  }
0x262: {  	s31 =	simm.s32 $0x4500  }
0x263: {  	[tilespmem:s31], [sflag:$0x1] =	stream.indirect.gather [spmem:s4], $0x1, s13, s28, $0xb8;
	[tilespmem:$0xA0E0] =	vst v63  }
0x264: {  	s14 =	simm.s32 $0x2900;
	s13 =	simm.s32 $0x900  }
0x265: {  	[tilespmem:s14], [sflag:$0x1] =	stream.indirect.gather [spmem:s3], $0x1, s13, s28, $0xb8;
	[tilespmem:$0xA0E0] =	vst v63  }
0x266: {  	s31 =	simm.s32 $0x4900  }
0x267: {  	[tilespmem:s31], [sflag:$0x1] =	stream.indirect.gather [spmem:s4], $0x1, s13, s28, $0xb8;
	[tilespmem:$0xA0E0] =	vst v63  }
0x268: {  	s14 =	simm.s32 $0x2D00;
	s13 =	simm.s32 $0xD00  }
0x269: {  	[tilespmem:s14], [sflag:$0x1] =	stream.indirect.gather [spmem:s3], $0x1, s13, s28, $0xb8;
	[tilespmem:$0xA0E0] =	vst v63  }
0x26a: {  	s31 =	simm.s32 $0x4D00  }
0x26b: {  	[tilespmem:s31], [sflag:$0x1] =	stream.indirect.gather [spmem:s4], $0x1, s13, s28, $0xb8;
	[tilespmem:$0xA0E0] =	vst v63  }
0x26c: {  	s14 =	simm.s32 $0x2180;
	s13 =	simm.s32 $0x180  }
0x26d: {  	[tilespmem:s14], [sflag:$0x1] =	stream.indirect.gather [spmem:s3], $0x1, s13, s28, $0xb8;
	[tilespmem:$0xA0E0] =	vst v63  }
0x26e: {  	s31 =	simm.s32 $0x4180  }
0x26f: {  	[tilespmem:s31], [sflag:$0x1] =	stream.indirect.gather [spmem:s4], $0x1, s13, s28, $0xb8;
	[tilespmem:$0xA0E0] =	vst v63  }
0x270: {  	s14 =	simm.s32 $0x2580;
	s13 =	simm.s32 $0x580  }
0x271: {  	[tilespmem:s14], [sflag:$0x1] =	stream.indirect.gather [spmem:s3], $0x1, s13, s28, $0xb8;
	[tilespmem:$0xA0E0] =	vst v63  }
0x272: {  	s31 =	simm.s32 $0x4580  }
0x273: {  	[tilespmem:s31], [sflag:$0x1] =	stream.indirect.gather [spmem:s4], $0x1, s13, s28, $0xb8;
	[tilespmem:$0xA0E0] =	vst v63  }
0x274: {  	s14 =	simm.s32 $0x2980;
	s13 =	simm.s32 $0x980  }
0x275: {  	[tilespmem:s14], [sflag:$0x1] =	stream.indirect.gather [spmem:s3], $0x1, s13, s28, $0xb8;
	[tilespmem:$0xA0E0] =	vst v63  }
0x276: {  	s31 =	simm.s32 $0x4980  }
0x277: {  	[tilespmem:s31], [sflag:$0x1] =	stream.indirect.gather [spmem:s4], $0x1, s13, s28, $0xb8;
	[tilespmem:$0xA0E0] =	vst v63  }
0x278: {  	s14 =	simm.s32 $0x2D80;
	s13 =	simm.s32 $0xD80  }
0x279: {  	[tilespmem:s14], [sflag:$0x1] =	stream.indirect.gather [spmem:s3], $0x1, s13, s28, $0xb8;
	[tilespmem:$0xA0E0] =	vst v63  }
0x27a: {  	s31 =	simm.s32 $0x4D80  }
0x27b: {  	[tilespmem:s31], [sflag:$0x1] =	stream.indirect.gather [spmem:s4], $0x1, s13, s28, $0xb8;
	[tilespmem:$0xA0E0] =	vst v63  }
0x27c: {  	s14 =	simm.s32 $0x2200;
	s13 =	simm.s32 $0x200  }
0x27d: {  	[tilespmem:s14], [sflag:$0x1] =	stream.indirect.gather [spmem:s3], $0x1, s13, s28, $0xb8;
	[tilespmem:$0xA0E0] =	vst v63  }
0x27e: {  	s31 =	simm.s32 $0x4200  }
0x27f: {  	[tilespmem:s31], [sflag:$0x1] =	stream.indirect.gather [spmem:s4], $0x1, s13, s28, $0xb8;
	[tilespmem:$0xA0E0] =	vst v63  }
0x280: {  	s14 =	simm.s32 $0x2600;
	s13 =	simm.s32 $0x600  }
0x281: {  	[tilespmem:s14], [sflag:$0x1] =	stream.indirect.gather [spmem:s3], $0x1, s13, s28, $0xb8;
	[tilespmem:$0xA0E0] =	vst v63  }
0x282: {  	s31 =	simm.s32 $0x4600  }
0x283: {  	[tilespmem:s31], [sflag:$0x1] =	stream.indirect.gather [spmem:s4], $0x1, s13, s28, $0xb8;
	[tilespmem:$0xA0E0] =	vst v63  }
0x284: {  	s14 =	simm.s32 $0x2A00;
	s13 =	simm.s32 $0xA00  }
0x285: {  	[tilespmem:s14], [sflag:$0x1] =	stream.indirect.gather [spmem:s3], $0x1, s13, s28, $0xb8;
	[tilespmem:$0xA0E0] =	vst v63  }
0x286: {  	s31 =	simm.s32 $0x4A00  }
0x287: {  	[tilespmem:s31], [sflag:$0x1] =	stream.indirect.gather [spmem:s4], $0x1, s13, s28, $0xb8;
	[tilespmem:$0xA0E0] =	vst v63  }
0x288: {  	s14 =	simm.s32 $0x2E00;
	s13 =	simm.s32 $0xE00  }
0x289: {  	[tilespmem:s14], [sflag:$0x1] =	stream.indirect.gather [spmem:s3], $0x1, s13, s28, $0xb8;
	[tilespmem:$0xA0E0] =	vst v63  }
0x28a: {  	s31 =	simm.s32 $0x4E00  }
0x28b: {  	[tilespmem:s31], [sflag:$0x1] =	stream.indirect.gather [spmem:s4], $0x1, s13, s28, $0xb8;
	[tilespmem:$0xA0E0] =	vst v63  }
0x28c: {  	s14 =	simm.s32 $0x2280;
	s13 =	simm.s32 $0x280  }
0x28d: {  	[tilespmem:s14], [sflag:$0x1] =	stream.indirect.gather [spmem:s3], $0x1, s13, s28, $0xb8;
	[tilespmem:$0xA0E0] =	vst v63  }
0x28e: {  	s31 =	simm.s32 $0x4280  }
0x28f: {  	[tilespmem:s31], [sflag:$0x1] =	stream.indirect.gather [spmem:s4], $0x1, s13, s28, $0xb8;
	[tilespmem:$0xA0E0] =	vst v63  }
0x290: {  	s14 =	simm.s32 $0x2680;
	s13 =	simm.s32 $0x680  }
0x291: {  	[tilespmem:s14], [sflag:$0x1] =	stream.indirect.gather [spmem:s3], $0x1, s13, s28, $0xb8;
	[tilespmem:$0xA0E0] =	vst v63  }
0x292: {  	s31 =	simm.s32 $0x4680  }
0x293: {  	[tilespmem:s31], [sflag:$0x1] =	stream.indirect.gather [spmem:s4], $0x1, s13, s28, $0xb8;
	[tilespmem:$0xA0E0] =	vst v63  }
0x294: {  	s14 =	simm.s32 $0x2A80;
	s13 =	simm.s32 $0xA80  }
0x295: {  	[tilespmem:s14], [sflag:$0x1] =	stream.indirect.gather [spmem:s3], $0x1, s13, s28, $0xb8;
	[tilespmem:$0xA0E0] =	vst v63  }
0x296: {  	s31 =	simm.s32 $0x4A80  }
0x297: {  	[tilespmem:s31], [sflag:$0x1] =	stream.indirect.gather [spmem:s4], $0x1, s13, s28, $0xb8;
	[tilespmem:$0xA0E0] =	vst v63  }
0x298: {  	s14 =	simm.s32 $0x2E80;
	s13 =	simm.s32 $0xE80  }
0x299: {  	[tilespmem:s14], [sflag:$0x1] =	stream.indirect.gather [spmem:s3], $0x1, s13, s28, $0xb8;
	[tilespmem:$0xA0E0] =	vst v63  }
0x29a: {  	s31 =	simm.s32 $0x4E80  }
0x29b: {  	[tilespmem:s31], [sflag:$0x1] =	stream.indirect.gather [spmem:s4], $0x1, s13, s28, $0xb8;
	[tilespmem:$0xA0E0] =	vst v63  }
0x29c: {  	s14 =	simm.s32 $0x2300;
	s13 =	simm.s32 $0x300  }
0x29d: {  	[tilespmem:s14], [sflag:$0x1] =	stream.indirect.gather [spmem:s3], $0x1, s13, s28, $0xb8;
	[tilespmem:$0xA0E0] =	vst v63  }
0x29e: {  	s31 =	simm.s32 $0x4300  }
0x29f: {  	[tilespmem:s31], [sflag:$0x1] =	stream.indirect.gather [spmem:s4], $0x1, s13, s28, $0xb8;
	[tilespmem:$0xA0E0] =	vst v63  }
0x2a0: {  	s14 =	simm.s32 $0x2700;
	s13 =	simm.s32 $0x700  }
0x2a1: {  	[tilespmem:s14], [sflag:$0x1] =	stream.indirect.gather [spmem:s3], $0x1, s13, s28, $0xb8;
	[tilespmem:$0xA0E0] =	vst v63  }
0x2a2: {  	s31 =	simm.s32 $0x4700  }
0x2a3: {  	[tilespmem:s31], [sflag:$0x1] =	stream.indirect.gather [spmem:s4], $0x1, s13, s28, $0xb8;
	[tilespmem:$0xA0E0] =	vst v63  }
0x2a4: {  	s14 =	simm.s32 $0x2B00;
	s13 =	simm.s32 $0xB00  }
0x2a5: {  	[tilespmem:s14], [sflag:$0x1] =	stream.indirect.gather [spmem:s3], $0x1, s13, s28, $0xb8;
	[tilespmem:$0xA0E0] =	vst v63  }
0x2a6: {  	s31 =	simm.s32 $0x4B00  }
0x2a7: {  	[tilespmem:s31], [sflag:$0x1] =	stream.indirect.gather [spmem:s4], $0x1, s13, s28, $0xb8;
	[tilespmem:$0xA0E0] =	vst v63  }
0x2a8: {  	s14 =	simm.s32 $0x2F00;
	s13 =	simm.s32 $0xF00  }
0x2a9: {  	[tilespmem:s14], [sflag:$0x1] =	stream.indirect.gather [spmem:s3], $0x1, s13, s28, $0xb8;
	[tilespmem:$0xA0E0] =	vst v63  }
0x2aa: {  	s31 =	simm.s32 $0x4F00  }
0x2ab: {  	[tilespmem:s31], [sflag:$0x1] =	stream.indirect.gather [spmem:s4], $0x1, s13, s28, $0xb8;
	[tilespmem:$0xA0E0] =	vst v63  }
0x2ac: {  	s14 =	simm.s32 $0x2380;
	s13 =	simm.s32 $0x380  }
0x2ad: {  	[tilespmem:s14], [sflag:$0x1] =	stream.indirect.gather [spmem:s3], $0x1, s13, s28, $0xb8;
	[tilespmem:$0xA0E0] =	vst v63  }
0x2ae: {  	s31 =	simm.s32 $0x4380  }
0x2af: {  	[tilespmem:s31], [sflag:$0x1] =	stream.indirect.gather [spmem:s4], $0x1, s13, s28, $0xb8;
	[tilespmem:$0xA0E0] =	vst v63  }
0x2b0: {  	s14 =	simm.s32 $0x2780;
	s13 =	simm.s32 $0x780  }
0x2b1: {  	[tilespmem:s14], [sflag:$0x1] =	stream.indirect.gather [spmem:s3], $0x1, s13, s28, $0xb8;
	[tilespmem:$0xA0E0] =	vst v63  }
0x2b2: {  	s31 =	simm.s32 $0x4780  }
0x2b3: {  	[tilespmem:s31], [sflag:$0x1] =	stream.indirect.gather [spmem:s4], $0x1, s13, s28, $0xb8;
	[tilespmem:$0xA0E0] =	vst v63  }
0x2b4: {  	s14 =	simm.s32 $0x2B80;
	s13 =	simm.s32 $0xB80  }
0x2b5: {  	[tilespmem:s14], [sflag:$0x1] =	stream.indirect.gather [spmem:s3], $0x1, s13, s28, $0xb8;
	[tilespmem:$0xA0E0] =	vst v63  }
0x2b6: {  	s31 =	simm.s32 $0x4B80  }
0x2b7: {  	[tilespmem:s31], [sflag:$0x1] =	stream.indirect.gather [spmem:s4], $0x1, s13, s28, $0xb8;
	[tilespmem:$0xA0E0] =	vst v63  }
0x2b8: {  	s14 =	simm.s32 $0x2F80;
	s13 =	simm.s32 $0xF80  }
0x2b9: {  	[tilespmem:s14], [sflag:$0x1] =	stream.indirect.gather [spmem:s3], $0x1, s13, s28, $0xb8;
	[tilespmem:$0xA0E0] =	vst v63  }
0x2ba: {  	s31 =	simm.s32 $0x4F80  }
0x2bb: {  	[tilespmem:s31], [sflag:$0x1] =	stream.indirect.gather [spmem:s4], $0x1, s13, s28, $0xb8;
	[tilespmem:$0xA0E0] =	vst v63  }
.LBB2_16:
0x2bc: {  	_ =	swait.ge [sflag:s20], $0x80  }
0x2bd: {  	[sflag:s20] =	ssyncset.done $0x0  }
0x2be: {  	[sflag:s20] =	ssyncadd.s32 $0xFFFFFF80  }
0x2bf: {  	_ =	swait.ge [sflag:s20], $0x80  }
0x2c0: {  	[sflag:s20] =	ssyncset.done $0x0  }
0x2c1: {  	[sflag:s20] =	ssyncadd.s32 $0xFFFFFF80  }
0x2c2: {  	_ =	swait.ge [sflag:s20], $0x80  }
0x2c3: {  	[sflag:s20] =	ssyncset.done $0x0  }
0x2c4: {  	[sflag:s20] =	ssyncadd.s32 $0xFFFFFF80  }
0x2c5: {  	_ =	swait.ge [sflag:s20], $0x80  }
0x2c6: {  	[sflag:s20] =	ssyncset.done $0x0  }
0x2c7: {  	[sflag:s20] =	ssyncadd.s32 $0xFFFFFF80  }
0x2c8: {  	_ =	swait.ge [sflag:s20], $0x80  }
0x2c9: {  	[sflag:s20] =	ssyncset.done $0x0  }
0x2ca: {  	[sflag:s20] =	ssyncadd.s32 $0xFFFFFF80  }
0x2cb: {  	_ =	swait.ge [sflag:s20], $0x80  }
0x2cc: {  	[sflag:s20] =	ssyncset.done $0x0  }
0x2cd: {  	[sflag:s20] =	ssyncadd.s32 $0xFFFFFF80  }
0x2ce: {  	_ =	swait.ge [sflag:s20], $0x80  }
0x2cf: {  	[sflag:s20] =	ssyncset.done $0x0  }
0x2d0: {  	[sflag:s20] =	ssyncadd.s32 $0xFFFFFF80  }
0x2d1: {  	_ =	swait.ge [sflag:s20], $0x80  }
0x2d2: {  	s0 =	simm.s32 $0x7;
	[sflag:s20] =	ssyncset.done $0x0  }
.LBB2_17:
0x2d3: {  	p2 =	sne.s32 s0, $0x1;
	s0 =	sadd.s32 $0xFFFFFFFF, s0;
	[sflag:s20] =	ssyncadd.s32 $0xFFFFFF80  }
0x2d4: {  	_ =	swait.ge [sflag:s20], $0x80  }
0x2d5: {  	[sflag:s20] =	ssyncset.done $0x0  }
0x2d6: {  	[sflag:s20] =	ssyncadd.s32 $0xFFFFFF80  }
0x2d7: {  	_ =	swait.ge [sflag:s20], $0x80  }
0x2d8: {  	[sflag:s20] =	ssyncset.done $0x0  }
0x2d9: {  	[sflag:s20] =	ssyncadd.s32 $0xFFFFFF80  }
0x2da: {  	_ =	swait.ge [sflag:s20], $0x80  }
0x2db: {  	[sflag:s20] =	ssyncset.done $0x0  }
0x2dc: {  	[sflag:s20] =	ssyncadd.s32 $0xFFFFFF80  }
0x2dd: {  	_ =	swait.ge [sflag:s20], $0x80  }
0x2de: {  	[sflag:s20] =	ssyncset.done $0x0  }
0x2df: {  	[sflag:s20] =	ssyncadd.s32 $0xFFFFFF80  }
0x2e0: {  	_ =	swait.ge [sflag:s20], $0x80  }
0x2e1: {  	[sflag:s20] =	ssyncset.done $0x0  }
0x2e2: {  	[sflag:s20] =	ssyncadd.s32 $0xFFFFFF80  }
0x2e3: {  	_ =	swait.ge [sflag:s20], $0x80  }
0x2e4: {  	[sflag:s20] =	ssyncset.done $0x0  }
0x2e5: {  	[sflag:s20] =	ssyncadd.s32 $0xFFFFFF80  }
.Ltmp12:
0x2e6: {  	_ =	swait.ge [sflag:s20], $0x80;
	(pc) =	sbr.rel @p2 .LBB2_17-.Ltmp12, $4  }
0x2e7: {  	[sflag:s20] =	ssyncset.done $0x0  }
0x2e8: {  	[sflag:s20] =	ssyncadd.s32 $0xFFFFFF80  }
0x2e9: {  	_ =	swait.ge [sflag:s20], $0x80  }
0x2ea: {  	[sflag:s20] =	ssyncset.done $0x0  }
0x2eb: {  	[sflag:s20] =	ssyncadd.s32 $0xFFFFFF80;
	s1 =	simm.s32 $0x0  }
0x2ec: {  	v0 =	vld [tilespmem:s1+$0x5C00]  }
0x2ed: {  	v1 =	vld [tilespmem:s1+$0x5800]  }
0x2ee: {  	v2 =	vld [tilespmem:s1+$0x5400]  }
0x2ef: {  	v3 =	vld [tilespmem:s1+$0x5000]  }
0x2f0: {  	v4 =	vld [tilespmem:s1+$0x3C00]  }
0x2f1: {  	v6 =	vld [tilespmem:s1+$0x3400]  }
0x2f2: {  	v7 =	vld [tilespmem:s1+$0x3800];
	_ =	sdelay $0x1  }
0x2f3: {  	v5 =	vld [tilespmem:s1+$0x3000];
	v8 =	vsub.f32 v1, v0;
	v9 =	vsub.f32 v2, v1  }
0x2f4: {  	v10 =	vsub.f32 v2, v0;
	v0 =	vsub.f32 v3, v0  }
0x2f5: {  	v2 =	vsub.f32 v3, v2;
	v1 =	vsub.f32 v3, v1;
	v3 =	vand.u32 $0xFFFF0000, v4  }
0x2f6: {  	v4 =	vshll.u32 v4, $0x10;
	v12 =	vand.u32 $0xFFFF0000, v6;
	v13 =	vand.u32 $0xFFFF0000, v7  }
0x2f7: {  	v6 =	vshll.u32 v6, $0x10;
	v7 =	vshll.u32 v7, $0x10;
	v14 =	vsub.f32 v13, v3  }
0x2f8: {  	v11 =	vand.u32 $0xFFFF0000, v5;
	v15 =	vsub.f32 v12, v13;
	v16 =	vsub.f32 v6, v7  }
0x2f9: {  	v5 =	vshll.u32 v5, $0x10;
	v17 =	vsub.f32 v11, v3;
	v18 =	vsub.f32 v11, v12  }
0x2fa: {  	v19 =	vsub.f32 v5, v6;
	v8 =	vmul.f32 v8, v8;
	v9 =	vmul.f32 v9, v9  }
0x2fb: {  	v11 =	vsub.f32 v11, v13;
	v0 =	vmul.f32 v0, v0;
	v2 =	vmul.f32 v2, v2  }
0x2fc: {  	v3 =	vsub.f32 v12, v3;
	v1 =	vmul.f32 v1, v1;
	v14 =	vmul.f32 v14, v14  }
0x2fd: {  	v13 =	vmul.f32 v16, v16;
	v16 =	vmul.f32 v18, v18;
	v18 =	vsub.f32 v5, v7  }
0x2fe: {  	v15 =	vmul.f32 v15, v15;
	v5 =	vsub.f32 v5, v4;
	v19 =	vmul.f32 v19, v19  }
0x2ff: {  	v6 =	vsub.f32 v6, v4;
	v11 =	vmul.f32 v11, v11;
	v12 =	vmul.f32 v18, v18  }
0x300: {  	v17 =	vmul.f32 v17, v17;
	v4 =	vsub.f32 v7, v4;
	v5 =	vmul.f32 v5, v5  }
0x301: {  	v3 =	vmul.f32 v3, v3;
	v7 =	vadd.f32 v19, v16;
	v11 =	vadd.f32 v12, v11  }
0x302: {  	v6 =	vmul.f32 v6, v6;
	v5 =	vadd.f32 v5, v17;
	v12 =	vadd.f32 v13, v15  }
0x303: {  	s14 =	simm.s32 $0x10;
	v4 =	vmul.f32 v4, v4;
	v2 =	vadd.f32 v7, v2;
	v1 =	vadd.f32 v11, v1  }
0x304: {  	v3 =	vadd.f32 v6, v3;
	v6 =	vld [tilespmem:s14+$0x5400];
	v7 =	vmul.f32 v10, v10;
	v0 =	vadd.f32 v5, v0  }
0x305: {  	v10 =	vld [tilespmem:s14+$0x5C00];
	v4 =	vadd.f32 v4, v14;
	v1 =	vmin.f32 v2, v1;
	v2 =	vadd.f32 v12, v9  }
0x306: {  	v5 =	vld [tilespmem:s14+$0x5800];
	v0 =	vmin.f32 v1, v0;
	v1 =	vadd.f32 v3, v7  }
0x307: {  	v11 =	vld [tilespmem:s14+$0x3800];
	v0 =	vmin.f32 v0, v2;
	v2 =	vadd.f32 v4, v8  }
0x308: {  	v0 =	vmin.f32 v0, v1  }
0x309: {  	v3 =	vld [tilespmem:s14+$0x5000];
	v0 =	vmin.f32 v0, v2  }
0x30a: {  	v4 =	vadd.f32 $9.999999960e-13, v0  }
0x30b: {  	v9 =	vsub.f32 v6, v10;
	v8 =	vld [tilespmem:s14+$0x3400];
	v7 =	vsub.f32 v6, v5  }
0x30c: {  	v1 =	vld [tilespmem:s14+$0x3C00];
	v17 =	vand.u32 $0xFFFF0000, v11;
	v12 =	vshra.s32 v4, $0x1;
	v13 =	vmul.f32 $5.000000000e-01, v4  }
0x30d: {  	v11 =	vshll.u32 v11, $0x10;
	v9 =	vmul.f32 v9, v9;
	v12 =	vsub.s32 $0x5F3759DF, v12  }
0x30e: {  	v0 =	vsub.f32 v5, v10;
	v10 =	vsub.f32 v3, v10;
	v14 =	vmul.f32 v12, v13  }
0x30f: {  	v2 =	vld [tilespmem:s14+$0x3000];
	v7 =	vmul.f32 v7, v7;
	v6 =	vsub.f32 v3, v6;
	v3 =	vsub.f32 v3, v5  }
0x310: {  	v16 =	vand.u32 $0xFFFF0000, v8;
	v8 =	vshll.u32 v8, $0x10;
	v14 =	vmul.f32 v12, v14  }
0x311: {  	v0 =	vmul.f32 v0, v0;
	v5 =	vand.u32 $0xFFFF0000, v1;
	v1 =	vshll.u32 v1, $0x10  }
0x312: {  	v20 =	vsub.f32 v16, v17;
	v10 =	vmul.f32 v10, v10;
	v14 =	vsub.f32 $1.500000000e+00, v14  }
0x313: {  	v21 =	vsub.f32 v8, v11;
	v6 =	vmul.f32 v6, v6;
	v3 =	vmul.f32 v3, v3  }
0x314: {  	v15 =	vand.u32 $0xFFFF0000, v2;
	v18 =	vsub.f32 v16, v5;
	v12 =	vmul.f32 v12, v14  }
0x315: {  	v2 =	vshll.u32 v2, $0x10;
	v19 =	vsub.f32 v17, v5;
	v5 =	vsub.f32 v15, v5  }
0x316: {  	v16 =	vsub.f32 v15, v16;
	v23 =	vsub.f32 v2, v8;
	v22 =	vmul.f32 v12, v13  }
0x317: {  	v20 =	vmul.f32 v20, v20;
	v15 =	vsub.f32 v15, v17;
	v21 =	vmul.f32 v21, v21  }
0x318: {  	v14 =	vsub.f32 v2, v1;
	v2 =	vsub.f32 v2, v11;
	v17 =	vmul.f32 v22, v12  }
0x319: {  	v8 =	vsub.f32 v8, v1;
	v19 =	vmul.f32 v19, v19;
	v16 =	vmul.f32 v16, v16  }
0x31a: {  	v15 =	vmul.f32 v15, v15;
	v2 =	vmul.f32 v2, v2;
	v17 =	vsub.f32 $1.500000000e+00, v17  }
0x31b: {  	v5 =	vmul.f32 v5, v5;
	v1 =	vsub.f32 v11, v1;
	v22 =	vmul.f32 v23, v23  }
0x31c: {  	v14 =	vmul.f32 v14, v14;
	v2 =	vadd.f32 v2, v15;
	v11 =	vmul.f32 v17, v12  }
0x31d: {  	s13 =	simm.s32 $0x20;
	v18 =	vmul.f32 v18, v18;
	v8 =	vmul.f32 v8, v8;
	v15 =	vld [tilespmem:s1+$0x6800];
	v12 =	vadd.f32 v22, v16  }
0x31e: {  	v5 =	vadd.f32 v14, v5;
	v2 =	vadd.f32 v2, v3;
	v3 =	vld [tilespmem:s13+$0x5400];
	v13 =	vmul.f32 v11, v13  }
0x31f: {  	v1 =	vmul.f32 v1, v1;
	v14 =	vadd.f32 v21, v20;
	v16 =	vld [tilespmem:s13+$0x5C00];
	v6 =	vadd.f32 v12, v6  }
0x320: {  	v8 =	vadd.f32 v8, v18;
	v5 =	vadd.f32 v5, v10;
	v17 =	vld [tilespmem:s13+$0x5800];
	v10 =	vmul.f32 v13, v11  }
0x321: {  	v1 =	vadd.f32 v1, v19;
	v12 =	vld [tilespmem:s13+$0x5000];
	v2 =	vmin.f32 v6, v2;
	v6 =	vadd.f32 v14, v7  }
0x322: {  	v18 =	vld [tilespmem:s13+$0x3800];
	v2 =	vmin.f32 v2, v5;
	v5 =	vadd.f32 v8, v9;
	v7 =	vsub.f32 $1.500000000e+00, v10  }
0x323: {  	v0 =	vadd.f32 v1, v0;
	v2 =	vmin.f32 v2, v6  }
0x324: {  	v13 =	vld [tilespmem:s13+$0x3400];
	v9 =	vsub.f32 $0.0e+00, v15;
	v1 =	vmin.f32 v2, v5;
	v2 =	vmul.f32 v7, v11  }
0x325: {  	v20 =	vsub.f32 v17, v16;
	v10 =	vld [tilespmem:s13+$0x3C00];
	v6 =	vsub.f32 v3, v16;
	v0 =	vmin.f32 v1, v0  }
0x326: {  	v5 =	vld [tilespmem:s13+$0x3000];
	v8 =	vsub.f32 v12, v16;
	v0 =	vadd.f32 $9.999999960e-13, v0;
	v2 =	vmul.f32 v2, v4  }
0x327: {  	v14 =	vand.u32 $0xFFFF0000, v18;
	v7 =	vsub.f32 v3, v17;
	v11 =	vsub.f32 v12, v3  }
0x328: {  	v4 =	vshra.s32 v0, $0x1;
	v1 =	vmul.f32 $5.000000000e-01, v0;
	v2 =	vmul.f32 v2, v9  }
0x329: {  	v12 =	vsub.f32 v12, v17;
	v16 =	vand.u32 $0xFFFF0000, v13;
	v17 =	vsub.s32 $0x5F3759DF, v4  }
0x32a: {  	v15 =	vand.u32 $0xFFFF0000, v10;
	v19 =	vmul.f32 v17, v1;
	v2 =	vmul.f32 $1.442695020e+00, v2  }
0x32b: {  	v3 =	vshll.u32 v10, $0x10;
	v10 =	vand.u32 $0xFFFF0000, v5;
	v9 =	vshll.u32 v5, $0x10  }
0x32c: {  	v4 =	vshll.u32 v13, $0x10;
	v21 =	vmul.f32 v17, v19;
	(erf) = vpow2.f32 v2  }
0x32d: {  	v5 =	vshll.u32 v18, $0x10;
	v13 =	vsub.f32 v16, v15;
	v18 =	vsub.f32 v16, v14  }
0x32e: {  	s0 =	simm.s32 $0xC0;
	v19 =	vsub.f32 v14, v15;
	v2 =	vmul.f32 v20, v20;
	v20 =	vsub.f32 $1.500000000e+00, v21  }
.LBB2_19:
0x32f: {  	p2 =	sne.s32 s0, $0xFC0;
	v21 =	vsub.f32 v4, v5;
	v7 =	vmul.f32 v7, v7;
	v6 =	vmul.f32 v6, v6  }
0x330: {  	v15 =	vsub.f32 v10, v15;
	v8 =	vmul.f32 v8, v8;
	v17 =	vmul.f32 v17, v20  }
0x331: {  	v11 =	vmul.f32 v11, v11;
	v12 =	vmul.f32 v12, v12;
	v20 =	vsub.f32 v9, v3  }
0x332: {  	v16 =	vsub.f32 v10, v16;
	v19 =	vmul.f32 v19, v19;
	v24 =	vmul.f32 v17, v1  }
0x333: {  	v23 =	vsub.f32 v9, v4;
	v13 =	vmul.f32 v13, v13;
	v18 =	vmul.f32 v18, v18  }
0x334: {  	v10 =	vsub.f32 v10, v14;
	v14 =	vmul.f32 v21, v21;
	v21 =	vmul.f32 v24, v17  }
0x335: {  	v9 =	vsub.f32 v9, v5;
	v16 =	vmul.f32 v16, v16;
	v15 =	vmul.f32 v15, v15;
	v22 =	vpop (erf)  }
0x336: {  	v23 =	vmul.f32 v23, v23;
	v21 =	vsub.f32 $1.500000000e+00, v21;
	v22 =	vsub.f32 $1.000000000e+00, v22  }
0x337: {  	v4 =	vsub.f32 v4, v3;
	v10 =	vmul.f32 v10, v10;
	v9 =	vmul.f32 v9, v9  }
0x338: {  	v3 =	vsub.f32 v5, v3;
	v20 =	vmul.f32 v20, v20;
	v5 =	vmul.f32 v21, v17;
	[tilespmem:s1+$0x6C00] =	vst v22;
	s1 =	smov.u32 s14;
	s14 =	smov.u32 s13  }
0x339: {  	v4 =	vmul.f32 v4, v4;
	v16 =	vadd.f32 v23, v16;
	v9 =	vadd.f32 v9, v10;
	s13 =	sshra.s32 s0, $0x2;
	v10 =	vld [tilespmem:s1+$0x6800]  }
0x33a: {  	v14 =	vadd.f32 v14, v18;
	v15 =	vadd.f32 v20, v15;
	v17 =	vld [tilespmem:s13+$0x5C00];
	v1 =	vmul.f32 v5, v1  }
0x33b: {  	v3 =	vmul.f32 v3, v3;
	v11 =	vadd.f32 v16, v11;
	v9 =	vadd.f32 v9, v12;
	v18 =	vld [tilespmem:s13+$0x5800]  }
0x33c: {  	v4 =	vadd.f32 v4, v13;
	v8 =	vadd.f32 v15, v8;
	v12 =	vld [tilespmem:s13+$0x5400];
	v1 =	vmul.f32 v1, v5  }
0x33d: {  	v3 =	vadd.f32 v3, v19;
	v7 =	vadd.f32 v14, v7;
	v9 =	vmin.f32 v11, v9;
	v13 =	vld [tilespmem:s13+$0x5000]  }
0x33e: {  	v4 =	vadd.f32 v4, v6;
	v8 =	vmin.f32 v9, v8;
	v1 =	vsub.f32 $1.500000000e+00, v1  }
0x33f: {  	v2 =	vadd.f32 v3, v2;
	v6 =	vmin.f32 v8, v7;
	v3 =	vsub.f32 $0.0e+00, v10  }
0x340: {  	v4 =	vmin.f32 v6, v4;
	v9 =	vld [tilespmem:s13+$0x3C00];
	v20 =	vsub.f32 v18, v17;
	v1 =	vmul.f32 v1, v5  }
0x341: {  	v2 =	vmin.f32 v4, v2;
	v5 =	vld [tilespmem:s13+$0x3000];
	v7 =	vsub.f32 v12, v18;
	v6 =	vsub.f32 v12, v17  }
0x342: {  	v4 =	vld [tilespmem:s13+$0x3400];
	v8 =	vsub.f32 v13, v17;
	v10 =	vmul.f32 v1, v0;
	v0 =	vadd.f32 $9.999999960e-13, v2  }
0x343: {  	v11 =	vsub.f32 v13, v12;
	v12 =	vsub.f32 v13, v18;
	v2 =	vld [tilespmem:s13+$0x3800]  }
0x344: {  	v13 =	vshra.s32 v0, $0x1;
	v1 =	vmul.f32 $5.000000000e-01, v0;
	v14 =	vmul.f32 v10, v3  }
0x345: {  	v15 =	vand.u32 $0xFFFF0000, v9;
	v3 =	vshll.u32 v9, $0x10;
	v17 =	vsub.s32 $0x5F3759DF, v13  }
.Ltmp13:
0x346: {  	v10 =	vand.u32 $0xFFFF0000, v5;
	v13 =	vmul.f32 v17, v1;
	v18 =	vmul.f32 $1.442695020e+00, v14;
	(pc) =	sbr.rel @p2 .LBB2_19-.Ltmp13, $4  }
0x347: {  	v9 =	vshll.u32 v5, $0x10;
	v16 =	vand.u32 $0xFFFF0000, v4;
	v4 =	vshll.u32 v4, $0x10  }
0x348: {  	v14 =	vand.u32 $0xFFFF0000, v2;
	v21 =	vmul.f32 v17, v13;
	(erf) = vpow2.f32 v18  }
0x349: {  	v5 =	vshll.u32 v2, $0x10;
	v13 =	vsub.f32 v16, v15;
	v19 =	vsub.f32 v14, v15  }
0x34a: {  	s0 =	sadd.s32 $0x40, s0;
	v2 =	vmul.f32 v20, v20;
	v18 =	vsub.f32 v16, v14;
	v20 =	vsub.f32 $1.500000000e+00, v21  }
0x34b: {  	v7 =	vmul.f32 v7, v7;
	v21 =	vsub.f32 v4, v5  }
0x34c: {  	v15 =	vsub.f32 v10, v15;
	v8 =	vmul.f32 v8, v8;
	v11 =	vmul.f32 v11, v11  }
0x34d: {  	v12 =	vmul.f32 v12, v12;
	v39 =	vsub.f32 v9, v3;
	v16 =	vsub.f32 v10, v16  }
0x34e: {  	v23 =	vsub.f32 v9, v4;
	v46 =	vmul.f32 v13, v13;
	v17 =	vmul.f32 v17, v20  }
0x34f: {  	v40 =	vsub.f32 v10, v14;
	v18 =	vmul.f32 v18, v18;
	v21 =	vmul.f32 v21, v21  }
0x350: {  	v42 =	vsub.f32 v9, v5;
	v16 =	vmul.f32 v16, v16;
	v15 =	vmul.f32 v15, v15  }
0x351: {  	v44 =	vsub.f32 v4, v3;
	v23 =	vmul.f32 v23, v23;
	v10 =	vmul.f32 v40, v40  }
0x352: {  	v9 =	vmul.f32 v42, v42;
	v22 =	vmul.f32 v17, v1  }
0x353: {  	v45 =	vsub.f32 v5, v3;
	v20 =	vmul.f32 v39, v39;
	v4 =	vmul.f32 v44, v44  }
0x354: {  	v47 =	vadd.f32 v23, v16;
	v9 =	vadd.f32 v9, v10;
	v41 =	vmul.f32 v22, v17  }
0x355: {  	v19 =	vmul.f32 v19, v19;
	v48 =	vadd.f32 v20, v15;
	v49 =	vadd.f32 v21, v18  }
0x356: {  	v3 =	vmul.f32 v45, v45;
	v4 =	vadd.f32 v4, v46;
	v14 =	vsub.f32 $1.500000000e+00, v41  }
0x357: {  	v6 =	vmul.f32 v6, v6;
	v11 =	vadd.f32 v47, v11;
	v9 =	vadd.f32 v9, v12  }
0x358: {  	v3 =	vadd.f32 v3, v19;
	v8 =	vadd.f32 v48, v8;
	v50 =	vmul.f32 v14, v17  }
0x359: {  	v43 =	vpop (erf);
	v7 =	vadd.f32 v49, v7;
	v4 =	vadd.f32 v4, v6;
	v51 =	vmin.f32 v11, v9  }
0x35a: {  	v22 =	vsub.f32 $1.000000000e+00, v43;
	v5 =	vmin.f32 v51, v8;
	v52 =	vmul.f32 v50, v1  }
0x35b: {  	v2 =	vadd.f32 v3, v2;
	v5 =	vmin.f32 v5, v7  }
0x35c: {  	[tilespmem:s1+$0x6C00] =	vst v22;
	v53 =	vmin.f32 v5, v4;
	v1 =	vmul.f32 v52, v50  }
0x35d: {  	v54 =	vld [tilespmem:s14+$0x6800];
	v2 =	vmin.f32 v53, v2  }
0x35e: {  	v2 =	vadd.f32 $9.999999960e-13, v2;
	v1 =	vsub.f32 $1.500000000e+00, v1;
	_ =	sdelay $0x1  }
0x35f: {  	v55 =	vshra.s32 v2, $0x1;
	v56 =	vmul.f32 $5.000000000e-01, v2;
	v1 =	vmul.f32 v1, v50  }
0x360: {  	v3 =	vsub.s32 $0x5F3759DF, v55  }
0x361: {  	v4 =	vsub.f32 $0.0e+00, v54;
	v57 =	vmul.f32 v3, v56;
	v0 =	vmul.f32 v1, v0;
	_ =	sdelay $0x1  }
0x362: {  	v1 =	vmul.f32 v3, v57;
	v0 =	vmul.f32 v0, v4;
	_ =	sdelay $0x1  }
0x363: {  	v1 =	vsub.f32 $1.500000000e+00, v1;
	v0 =	vmul.f32 $1.442695020e+00, v0;
	_ =	sdelay $0x1  }
0x364: {  	v58 =	vmul.f32 v3, v1;
	(erf) = vpow2.f32 v0;
	_ =	sdelay $0x1  }
0x365: {  	v1 =	vmul.f32 v58, v56;
	_ =	sdelay $0x1  }
0x366: {  	v1 =	vmul.f32 v1, v58;
	_ =	sdelay $0x1  }
0x367: {  	v1 =	vsub.f32 $1.500000000e+00, v1;
	_ =	sdelay $0x1  }
0x368: {  	v0 =	vmul.f32 v1, v58  }
0x369: {  	v59 =	vpop (erf)  }
0x36a: {  	v60 =	vmul.f32 v0, v56;
	v1 =	vsub.f32 $1.000000000e+00, v59;
	_ =	sdelay $0x1  }
0x36b: {  	v61 =	vmul.f32 v60, v0;
	[tilespmem:s14+$0x6C00] =	vst v1  }
0x36c: {  	v62 =	vld [tilespmem:s13+$0x6800]  }
0x36d: {  	v1 =	vsub.f32 $1.500000000e+00, v61;
	_ =	sdelay $0x1  }
0x36e: {  	v0 =	vmul.f32 v1, v0;
	_ =	sdelay $0x1  }
0x36f: {  	v0 =	vmul.f32 v0, v2;
	v63 =	vsub.f32 $0.0e+00, v62;
	_ =	sdelay $0x1  }
0x370: {  	v0 =	vmul.f32 v0, v63;
	_ =	sdelay $0x1  }
0x371: {  	v0 =	vmul.f32 $1.442695020e+00, v0;
	_ =	sdelay $0x1  }
0x372: {  	(erf) = vpow2.f32 v0;
	_ =	sdelay $0x8  }
0x373: {  	v0 =	vpop (erf)  }
0x374: {  	v0 =	vsub.f32 $1.000000000e+00, v0;
	_ =	sdelay $0x1  }
.Ltmp14:
0x375: {  	s0 =	sadd.s32 s29, s18;
	s31 =	simm.s32 $0x6C00;
	[tilespmem:s13+$0x6C00] =	vst v0;
	(pc) =	sbr.rel .LBB2_21-.Ltmp14, $4  }
0x376: {  	[hbm4b:s0+s5] =	stream.linear.scatter [tilespmem:s31], [sflag:$0x3], $0x400, $0x38;
	[tilespmem:$0xA0E0] =	vst v63  }
0x377: {  	_ =	swait.ge [sflag:s22], $0x400  }
0x378: {  	[sflag:s22] =	ssyncset.done $0x0  }
0x379: {  	[sflag:s22] =	ssyncadd.s32 $0xFFFFFC00  }
.LBB2_23:
0x37a: {  	_ =	sfence.sel $0x180000  }
0x37b: {  	[bflag:$0x0] =	sbarrier.arrive $0xFFFF  }
0x37c: {  	_ =	strace $0x90000047  }
0x37d: {  	[bflag:$0x2] =	sbarrier.arrive $0xFFFF  }
0x37e: {  	s0 =	rddreg [dreg:$0x5]  }
0x37f: {  	s0 =	sadd.s32 @!p0 $0x100000, s0  }
0x380: {  	[sflag:s0] =	ssyncadd.tile.s32 @!p0 $0x1;
	_ =	shalt  }
.Lfunc_end2:
_tile_overlayer_lowered:
.L_overlay_start_2:
0x381: {  	(tag) =	ssettag $0x2  }
0x382: {  	s0 =	rddreg [dreg:$0x0];
	s2 =	stileid.u32  }
0x383: {  	s1 =	rddreg [dreg:$0x1];
	p0 =	sne.s32 s2, $0x0  }
0x384: {  	s3 =	rddreg [dreg:$0x2];
	[bflag:$0x3] =	sbarrier.arrive $0xFFFF;
	s2 =	simm.s32 @!p0 $0x1C03  }
0x385: {  	[timem:s3], [sflag:s2] =	dma.local @!p0 [hbm:s0], s1  }
0x386: {  	s0 =	simm.s32 @!p0 $0x3  }
0x387: {  	_ =	swait.ge @!p0 [sflag:s0], s1  }
0x388: {  	s1 =	ssub.s32 @!p0 $0x0, s1;
	[sflag:s0] =	ssyncset.done @!p0 $0x0  }
0x389: {  	[sflag:s0] =	ssyncadd.s32 @!p0 s1  }
0x38a: {  	[bflag:$0x3] =	sbarrier.arrive $0xFFFF  }
0x38b: {  	_ =	shalt  }

</sc_bundles>
